<compile_context>
chip_gen: v7x
topology: tpu7x:2x2x1
jax: 0.10.2.dev20260603
libtpu: 0.0.44.dev20260713+nightly
codegen_flags: <defaults>
</compile_context>

<pallas_src>
import functools

import jax
import jax.numpy as jnp
from jax import lax
from jax.experimental import pallas as pl
from jax.experimental.pallas import tpu as pltpu
from jax.experimental.pallas import tpu_sc as plsc

D = 64
B = 16384
K = 20
NC = 2
NS = 16
L = 16
NW = NC * NS
BPW = B // NW
NG = BPW // L
RPG = L * (K + 1)
CH = 128


def _sc_scores(pos_u, pos_v, neg_flat, s0, s1, s2, W0, WS0, WS1, WS2, Vtab,
               alpha16):
    mesh = plsc.VectorSubcoreMesh(core_axis_name="c", subcore_axis_name="s",
                                  num_cores=NC, num_subcores=NS)

    @functools.partial(
        pl.kernel,
        out_type=(jax.ShapeDtypeStruct((B,), jnp.float32),
                  jax.ShapeDtypeStruct((B * K,), jnp.float32)),
        mesh=mesh,
        compiler_params=pltpu.CompilerParams(needs_layout_passes=False,
                                             use_tc_tiling_on_sc=False),
        scratch_types=[
            pltpu.VMEM((BPW, D), jnp.float32),
            pltpu.VMEM((RPG, D), jnp.float32),
            pltpu.VMEM((RPG, D), jnp.float32),
            pltpu.VMEM((BPW * K,), jnp.int32),
            pltpu.VMEM((BPW,), jnp.int32),
            pltpu.VMEM((BPW,), jnp.int32),
            pltpu.VMEM((BPW,), jnp.int32),
            pltpu.VMEM((BPW,), jnp.int32),
            pltpu.VMEM((BPW,), jnp.int32),
            pltpu.VMEM((BPW,), jnp.float32),
            pltpu.VMEM((BPW * K,), jnp.float32),
            pltpu.VMEM((16,), jnp.float32),
            pltpu.SemaphoreType.DMA,
            pltpu.SemaphoreType.DMA,
        ],
    )
    def k(pu_h, pv_h, ng_h, s0_h, s1_h, s2_h, w0_h, ws0_h, ws1_h, ws2_h,
          vt_h, al_h, possc_h, negsc_h,
          posws, gA, gB, negi, pui, pvi, s0i, s1i, s2i, psc, nsc, alv,
          semA, semB):
        wid = lax.axis_index("s") * NC + lax.axis_index("c")
        base = pl.multiple_of(wid * BPW, 8)
        nbase = pl.multiple_of(wid * (BPW * K), 8)

        pltpu.sync_copy(pu_h.at[pl.ds(base, BPW)], pui)
        pltpu.sync_copy(pv_h.at[pl.ds(base, BPW)], pvi)
        pltpu.sync_copy(s0_h.at[pl.ds(base, BPW)], s0i)
        pltpu.sync_copy(s1_h.at[pl.ds(base, BPW)], s1i)
        pltpu.sync_copy(s2_h.at[pl.ds(base, BPW)], s2i)
        pltpu.sync_copy(ng_h.at[pl.ds(nbase, BPW * K)], negi)
        pltpu.sync_copy(al_h, alv)

        lane = lax.iota(jnp.int32, L)
        ev = [jnp.exp(plsc.load_gather(alv, [jnp.full((L,), j, jnp.int32)]))
              for j in range(4)]
        es = 4.0 * (ev[0] + ev[1] + ev[2] + ev[3])
        w0, w1, w2, w3 = (e / es for e in ev)

        for c in range(BPW // CH):
            cb = c * CH
            pltpu.async_copy(w0_h.at[pui.at[pl.ds(cb, CH)]],
                             gA.at[pl.ds(0, CH)], semA)
            pltpu.async_copy(ws0_h.at[s0i.at[pl.ds(cb, CH)]],
                             gA.at[pl.ds(CH, CH)], semA)
            pltpu.async_copy(ws1_h.at[s1i.at[pl.ds(cb, CH)]],
                             gB.at[pl.ds(0, CH)], semB)
            pltpu.async_copy(ws2_h.at[s2i.at[pl.ds(cb, CH)]],
                             gB.at[pl.ds(CH, CH)], semB)
            pltpu.make_async_copy(w0_h.at[pl.ds(0, 2 * CH)],
                                  gA.at[pl.ds(0, 2 * CH)], semA).wait()
            pltpu.make_async_copy(w0_h.at[pl.ds(0, 2 * CH)],
                                  gB.at[pl.ds(0, 2 * CH)], semB).wait()

            def combine(r, cb=cb):
                for q in range(D // L):
                    sl = pl.ds(q * L, L)
                    posws[cb + r, sl] = (w0 * gA[r, sl] + w1 * gA[CH + r, sl]
                                         + w2 * gB[r, sl] + w3 * gB[CH + r, sl])
            pl.loop(0, CH)(combine)

        rows_pos = lane
        rows_neg0 = L + lane * K

        def fire(g, buf, sem):
            gb = pl.multiple_of(g * L, 8)
            nb = pl.multiple_of(g * (L * K), 8)
            pltpu.async_copy(vt_h.at[pvi.at[pl.ds(gb, L)]],
                             buf.at[pl.ds(0, L)], sem)
            pltpu.async_copy(vt_h.at[negi.at[pl.ds(nb, CH)]],
                             buf.at[pl.ds(L, CH)], sem)
            pltpu.async_copy(vt_h.at[negi.at[pl.ds(nb + CH, CH)]],
                             buf.at[pl.ds(L + CH, CH)], sem)
            pltpu.async_copy(vt_h.at[negi.at[pl.ds(nb + 2 * CH, L * K - 2 * CH)]],
                             buf.at[pl.ds(L + 2 * CH, L * K - 2 * CH)], sem)

        def drain(buf, sem):
            pltpu.make_async_copy(vt_h.at[pl.ds(0, RPG)], buf, sem).wait()

        def compute(g, buf):
            pwrows = g * L + lane
            z = jnp.zeros((L,), jnp.float32)

            def dbody(d, carry):
                pacc, naccs = carry
                dsplat = jnp.full((L,), d, jnp.int32)
                pw = plsc.load_gather(posws, [pwrows, dsplat])
                pacc = pacc + pw * plsc.load_gather(buf, [rows_pos, dsplat])
                new = []
                for kk in range(K):
                    nv = plsc.load_gather(buf, [rows_neg0 + kk, dsplat])
                    new.append(naccs[kk] + pw * nv)
                return pacc, tuple(new)

            pacc, naccs = pl.loop(0, D, init_carry=(z, (z,) * K))(dbody)
            psc[pl.ds(pl.multiple_of(g * L, 8), L)] = pacc
            for kk in range(K):
                nsc[pl.ds(pl.multiple_of(g * (L * K) + kk * L, 8), L)] = naccs[kk]

        fire(0, gA, semA)

        def gloop(t):
            fire(t + 1, gB, semB)
            drain(gA, semA)
            compute(t, gA)

            @pl.when(t + 2 < NG)
            def _():
                fire(t + 2, gA, semA)

            drain(gB, semB)
            compute(t + 1, gB)

        pl.loop(0, NG, step=2)(gloop)

        pltpu.sync_copy(psc, possc_h.at[pl.ds(base, BPW)])
        pltpu.sync_copy(nsc, negsc_h.at[pl.ds(nbase, BPW * K)])

    return k(pos_u, pos_v, neg_flat, s0, s1, s2, W0, WS0, WS1, WS2, Vtab,
             alpha16)


def _tc_loss(psc, nsc):
    p2 = psc.reshape(B // 128, 128)
    n2 = nsc.reshape(B * K // 128, 128)

    def body(p_ref, n_ref, o_ref):
        p = p_ref[...]
        n = n_ref[...]

        def sp(x):
            return jnp.maximum(x, 0.0) + jnp.log1p(jnp.exp(-jnp.abs(x)))

        o_ref[0, 0] = (jnp.sum(sp(-p)) + jnp.sum(sp(n))) / B

    out = pl.pallas_call(
        body,
        out_shape=jax.ShapeDtypeStruct((1, 1), jnp.float32),
        out_specs=pl.BlockSpec(memory_space=pltpu.SMEM),
    )(p2, n2)
    return out[0, 0]


def kernel(pos_u_idxs, pos_v_idxs, neg_v_idxs, pos_s_idxs, W0, WS0, WS1, WS2,
           Vtab, alpha):
    i32 = jnp.int32
    possc, negsc = _sc_scores(
        pos_u_idxs.astype(i32),
        pos_v_idxs.astype(i32),
        neg_v_idxs.reshape(-1).astype(i32),
        pos_s_idxs[:, 0].astype(i32),
        pos_s_idxs[:, 1].astype(i32),
        pos_s_idxs[:, 2].astype(i32),
        W0, WS0, WS1, WS2, Vtab,
        jnp.pad(alpha.reshape(-1).astype(jnp.float32), (0, 16 - 4)),
    )
    return _tc_loss(possc, negsc)

# --- scband reference (transcript-rebuilt; emitter-appended) ---
"""Pipeline reference for scband-word2-vec-with-side-info-87960930222695 (READ-ONLY COPY).

The authoritative reference and input builder live on the scoring server;
editing this copy changes nothing except your own understanding.
"""

import jax, jax.numpy as jnp
import numpy as np

VOCAB = 1000000
D = 64
INFO_SIZES = [1000, 1000, 1000]
B = 16384
K = 20


def setup_inputs(seed: int = 0) -> dict:
    key = jax.random.key(seed)
    ks = jax.random.split(key, 10)
    bound = 0.5 / D
    inp = {}
    inp["pos_u_idxs"] = jax.random.randint(ks[0], (B,), 0, VOCAB)
    inp["pos_v_idxs"] = jax.random.randint(ks[1], (B,), 0, VOCAB)
    inp["neg_v_idxs"] = jax.random.randint(ks[2], (B, K), 0, VOCAB)
    inp["pos_s_idxs"] = jax.random.randint(ks[3], (B, 3), 0, 1000)
    inp["W0"] = jax.random.uniform(ks[4], (VOCAB, D), minval=-bound, maxval=bound, dtype=jnp.float32)
    inp["WS0"] = jax.random.uniform(ks[5], (INFO_SIZES[0], D), minval=-bound, maxval=bound, dtype=jnp.float32)
    inp["WS1"] = jax.random.uniform(ks[6], (INFO_SIZES[1], D), minval=-bound, maxval=bound, dtype=jnp.float32)
    inp["WS2"] = jax.random.uniform(ks[7], (INFO_SIZES[2], D), minval=-bound, maxval=bound, dtype=jnp.float32)
    inp["Vtab"] = jax.random.uniform(ks[8], (VOCAB, D), minval=-bound, maxval=bound, dtype=jnp.float32)
    # alpha: xavier-uniform initialized parameter of shape [len(info_sizes)+1, 1]
    gain = 1.0
    a_bound = gain * np.sqrt(6.0 / (4 + 1))
    inp["alpha"] = jax.random.uniform(ks[9], (len(INFO_SIZES) + 1, 1), minval=-a_bound, maxval=a_bound, dtype=jnp.float32)
    return inp


def reference(pos_u_idxs, pos_v_idxs, neg_v_idxs, pos_s_idxs, W0, WS0, WS1, WS2, Vtab, alpha):
    # gather u vector and side-info vectors
    pos_u = jnp.take(W0, pos_u_idxs, axis=0)[:, None, :]               # [B,1,D]
    s0 = jnp.take(WS0, pos_s_idxs[:, 0], axis=0)[:, None, :]           # [B,1,D]
    s1 = jnp.take(WS1, pos_s_idxs[:, 1], axis=0)[:, None, :]
    s2 = jnp.take(WS2, pos_s_idxs[:, 2], axis=0)[:, None, :]
    pos_ws = jnp.concatenate([pos_u, s0, s1, s2], axis=1)              # [B,4,D]
    w = jnp.exp(alpha) / jnp.exp(alpha).sum()                          # [4,1]
    pos_ws = pos_ws * w                                                # broadcast [B,4,D]*[4,1]
    pos_ws = jnp.mean(pos_ws, axis=1)                                  # [B,D]
    pos_v = jnp.take(Vtab, pos_v_idxs, axis=0)                         # [B,D]
    neg_v = jnp.take(Vtab, neg_v_idxs, axis=0)                         # [B,K,D]
    # negative sampling loss (word2vec)
    pos_score = jnp.sum(pos_ws * pos_v, axis=-1)                       # [B]
    neg_score = jnp.einsum('bkd,bd->bk', neg_v, pos_ws)                # [B,K]
    loss = -(jax.nn.log_sigmoid(pos_score) + jnp.sum(jax.nn.log_sigmoid(-neg_score), axis=-1))
    return jnp.mean(loss)

if __name__ == "__main__":
    import jax
    _d = setup_inputs()
    print(jax.jit(kernel)(*tuple(_d.values())))

</pallas_src>

<mosaic_0001>
#map = affine_map<(d0, d1) -> (0)>
#map1 = affine_map<(d0, d1) -> (0, 0)>
module attributes {stable_mosaic.version = 14 : i64} {
  func.func @k(%arg0: i32, %arg1: i32, %arg2: memref<16384xi32, #tpu.memory_space<hbm>>, %arg3: memref<16384xi32, #tpu.memory_space<hbm>>, %arg4: memref<327680xi32, #tpu.memory_space<hbm>>, %arg5: memref<16384xi32, #tpu.memory_space<hbm>>, %arg6: memref<16384xi32, #tpu.memory_space<hbm>>, %arg7: memref<16384xi32, #tpu.memory_space<hbm>>, %arg8: memref<1000000x64xf32, #tpu.memory_space<hbm>>, %arg9: memref<1000x64xf32, #tpu.memory_space<hbm>>, %arg10: memref<1000x64xf32, #tpu.memory_space<hbm>>, %arg11: memref<1000x64xf32, #tpu.memory_space<hbm>>, %arg12: memref<1000000x64xf32, #tpu.memory_space<hbm>>, %arg13: memref<16xf32, #tpu.memory_space<hbm>>, %arg14: memref<16384xf32, #tpu.memory_space<hbm>>, %arg15: memref<327680xf32, #tpu.memory_space<hbm>>, %arg16: memref<512x64xf32, #tpu.memory_space<vmem>>, %arg17: memref<336x64xf32, #tpu.memory_space<vmem>>, %arg18: memref<336x64xf32, #tpu.memory_space<vmem>>, %arg19: memref<10240xi32, #tpu.memory_space<vmem>>, %arg20: memref<512xi32, #tpu.memory_space<vmem>>, %arg21: memref<512xi32, #tpu.memory_space<vmem>>, %arg22: memref<512xi32, #tpu.memory_space<vmem>>, %arg23: memref<512xi32, #tpu.memory_space<vmem>>, %arg24: memref<512xi32, #tpu.memory_space<vmem>>, %arg25: memref<512xf32, #tpu.memory_space<vmem>>, %arg26: memref<10240xf32, #tpu.memory_space<vmem>>, %arg27: memref<16xf32, #tpu.memory_space<vmem>>, %arg28: memref<!tpu.dma_semaphore, #tpu.memory_space<semaphore_mem>>, %arg29: memref<!tpu.dma_semaphore, #tpu.memory_space<semaphore_mem>>) attributes {dimension_semantics = [#tpu.dimension_semantics<core_parallel>, #tpu.dimension_semantics<subcore_parallel>], iteration_bounds = array<i64: 2, 16>, scalar_prefetch = 0 : i64, scratch_operands = 14 : i64, tpu.core_type = #tpu.core_type<sc_vector_subcore>, window_params = [{transform_indices = #map}, {transform_indices = #map}, {transform_indices = #map}, {transform_indices = #map}, {transform_indices = #map}, {transform_indices = #map}, {transform_indices = #map1}, {transform_indices = #map1}, {transform_indices = #map1}, {transform_indices = #map1}, {transform_indices = #map1}, {transform_indices = #map}, {transform_indices = #map}, {transform_indices = #map}]} {
    %mul3A = arith.constant 2 : i32
    %mul3A_0 = arith.muli %arg1, %mul3A : i32
    %add3A = arith.addi %mul3A_0, %arg0 : i32
    %mul3A_1 = arith.constant 512 : i32
    %mul3A_2 = arith.muli %add3A, %mul3A_1 : i32
    %multiple_of3A = tpu.assume_multiple %mul3A_2, 8 : i32
    %mul3A_3 = arith.constant 10240 : i32
    %mul3A_4 = arith.muli %add3A, %mul3A_3 : i32
    %multiple_of3A_5 = tpu.assume_multiple %mul3A_4, 8 : i32
    "tpu.region"() ({
      %run_scoped3A = tpu.sem_alloc : memref<!tpu.dma_semaphore, #tpu.memory_space<semaphore_mem>>
      %dma_start3A_316 = tpu.memref_slice %arg2[%multiple_of3A] : memref<16384xi32, #tpu.memory_space<hbm>> -> memref<512xi32, #tpu.memory_space<hbm>>
      %dma_start3A_317 = tpu.memref_slice %arg2[%multiple_of3A] : memref<16384xi32, #tpu.memory_space<hbm>> -> memref<512xi32, #tpu.memory_space<hbm>>
      tpu.enqueue_dma source(%dma_start3A_317 : memref<512xi32, #tpu.memory_space<hbm>>) target(%arg20 : memref<512xi32, #tpu.memory_space<vmem>>) target_semaphore(%run_scoped3A : memref<!tpu.dma_semaphore, #tpu.memory_space<semaphore_mem>>)
      %dma_wait3A_318 = tpu.memref_slice %arg2[%multiple_of3A] : memref<16384xi32, #tpu.memory_space<hbm>> -> memref<512xi32, #tpu.memory_space<hbm>>
      %dma_wait3A_319 = tpu.memref_slice %arg2[%multiple_of3A] : memref<16384xi32, #tpu.memory_space<hbm>> -> memref<512xi32, #tpu.memory_space<hbm>>
      tpu.wait_dma2 semaphore(%run_scoped3A : memref<!tpu.dma_semaphore, #tpu.memory_space<semaphore_mem>>) src(%dma_wait3A_319 : memref<512xi32, #tpu.memory_space<hbm>>) dst(%arg20 : memref<512xi32, #tpu.memory_space<vmem>>)
      tpu.yield
    }) : () -> ()
    "tpu.region"() ({
      %run_scoped3A = tpu.sem_alloc : memref<!tpu.dma_semaphore, #tpu.memory_space<semaphore_mem>>
      %dma_start3A_316 = tpu.memref_slice %arg3[%multiple_of3A] : memref<16384xi32, #tpu.memory_space<hbm>> -> memref<512xi32, #tpu.memory_space<hbm>>
      %dma_start3A_317 = tpu.memref_slice %arg3[%multiple_of3A] : memref<16384xi32, #tpu.memory_space<hbm>> -> memref<512xi32, #tpu.memory_space<hbm>>
      tpu.enqueue_dma source(%dma_start3A_317 : memref<512xi32, #tpu.memory_space<hbm>>) target(%arg21 : memref<512xi32, #tpu.memory_space<vmem>>) target_semaphore(%run_scoped3A : memref<!tpu.dma_semaphore, #tpu.memory_space<semaphore_mem>>)
      %dma_wait3A_318 = tpu.memref_slice %arg3[%multiple_of3A] : memref<16384xi32, #tpu.memory_space<hbm>> -> memref<512xi32, #tpu.memory_space<hbm>>
      %dma_wait3A_319 = tpu.memref_slice %arg3[%multiple_of3A] : memref<16384xi32, #tpu.memory_space<hbm>> -> memref<512xi32, #tpu.memory_space<hbm>>
      tpu.wait_dma2 semaphore(%run_scoped3A : memref<!tpu.dma_semaphore, #tpu.memory_space<semaphore_mem>>) src(%dma_wait3A_319 : memref<512xi32, #tpu.memory_space<hbm>>) dst(%arg21 : memref<512xi32, #tpu.memory_space<vmem>>)
      tpu.yield
    }) : () -> ()
    "tpu.region"() ({
      %run_scoped3A = tpu.sem_alloc : memref<!tpu.dma_semaphore, #tpu.memory_space<semaphore_mem>>
      %dma_start3A_316 = tpu.memref_slice %arg5[%multiple_of3A] : memref<16384xi32, #tpu.memory_space<hbm>> -> memref<512xi32, #tpu.memory_space<hbm>>
      %dma_start3A_317 = tpu.memref_slice %arg5[%multiple_of3A] : memref<16384xi32, #tpu.memory_space<hbm>> -> memref<512xi32, #tpu.memory_space<hbm>>
      tpu.enqueue_dma source(%dma_start3A_317 : memref<512xi32, #tpu.memory_space<hbm>>) target(%arg22 : memref<512xi32, #tpu.memory_space<vmem>>) target_semaphore(%run_scoped3A : memref<!tpu.dma_semaphore, #tpu.memory_space<semaphore_mem>>)
      %dma_wait3A_318 = tpu.memref_slice %arg5[%multiple_of3A] : memref<16384xi32, #tpu.memory_space<hbm>> -> memref<512xi32, #tpu.memory_space<hbm>>
      %dma_wait3A_319 = tpu.memref_slice %arg5[%multiple_of3A] : memref<16384xi32, #tpu.memory_space<hbm>> -> memref<512xi32, #tpu.memory_space<hbm>>
      tpu.wait_dma2 semaphore(%run_scoped3A : memref<!tpu.dma_semaphore, #tpu.memory_space<semaphore_mem>>) src(%dma_wait3A_319 : memref<512xi32, #tpu.memory_space<hbm>>) dst(%arg22 : memref<512xi32, #tpu.memory_space<vmem>>)
      tpu.yield
    }) : () -> ()
    "tpu.region"() ({
      %run_scoped3A = tpu.sem_alloc : memref<!tpu.dma_semaphore, #tpu.memory_space<semaphore_mem>>
      %dma_start3A_316 = tpu.memref_slice %arg6[%multiple_of3A] : memref<16384xi32, #tpu.memory_space<hbm>> -> memref<512xi32, #tpu.memory_space<hbm>>
      %dma_start3A_317 = tpu.memref_slice %arg6[%multiple_of3A] : memref<16384xi32, #tpu.memory_space<hbm>> -> memref<512xi32, #tpu.memory_space<hbm>>
      tpu.enqueue_dma source(%dma_start3A_317 : memref<512xi32, #tpu.memory_space<hbm>>) target(%arg23 : memref<512xi32, #tpu.memory_space<vmem>>) target_semaphore(%run_scoped3A : memref<!tpu.dma_semaphore, #tpu.memory_space<semaphore_mem>>)
      %dma_wait3A_318 = tpu.memref_slice %arg6[%multiple_of3A] : memref<16384xi32, #tpu.memory_space<hbm>> -> memref<512xi32, #tpu.memory_space<hbm>>
      %dma_wait3A_319 = tpu.memref_slice %arg6[%multiple_of3A] : memref<16384xi32, #tpu.memory_space<hbm>> -> memref<512xi32, #tpu.memory_space<hbm>>
      tpu.wait_dma2 semaphore(%run_scoped3A : memref<!tpu.dma_semaphore, #tpu.memory_space<semaphore_mem>>) src(%dma_wait3A_319 : memref<512xi32, #tpu.memory_space<hbm>>) dst(%arg23 : memref<512xi32, #tpu.memory_space<vmem>>)
      tpu.yield
    }) : () -> ()
    "tpu.region"() ({
      %run_scoped3A = tpu.sem_alloc : memref<!tpu.dma_semaphore, #tpu.memory_space<semaphore_mem>>
      %dma_start3A_316 = tpu.memref_slice %arg7[%multiple_of3A] : memref<16384xi32, #tpu.memory_space<hbm>> -> memref<512xi32, #tpu.memory_space<hbm>>
      %dma_start3A_317 = tpu.memref_slice %arg7[%multiple_of3A] : memref<16384xi32, #tpu.memory_space<hbm>> -> memref<512xi32, #tpu.memory_space<hbm>>
      tpu.enqueue_dma source(%dma_start3A_317 : memref<512xi32, #tpu.memory_space<hbm>>) target(%arg24 : memref<512xi32, #tpu.memory_space<vmem>>) target_semaphore(%run_scoped3A : memref<!tpu.dma_semaphore, #tpu.memory_space<semaphore_mem>>)
      %dma_wait3A_318 = tpu.memref_slice %arg7[%multiple_of3A] : memref<16384xi32, #tpu.memory_space<hbm>> -> memref<512xi32, #tpu.memory_space<hbm>>
      %dma_wait3A_319 = tpu.memref_slice %arg7[%multiple_of3A] : memref<16384xi32, #tpu.memory_space<hbm>> -> memref<512xi32, #tpu.memory_space<hbm>>
      tpu.wait_dma2 semaphore(%run_scoped3A : memref<!tpu.dma_semaphore, #tpu.memory_space<semaphore_mem>>) src(%dma_wait3A_319 : memref<512xi32, #tpu.memory_space<hbm>>) dst(%arg24 : memref<512xi32, #tpu.memory_space<vmem>>)
      tpu.yield
    }) : () -> ()
    "tpu.region"() ({
      %run_scoped3A = tpu.sem_alloc : memref<!tpu.dma_semaphore, #tpu.memory_space<semaphore_mem>>
      %dma_start3A_316 = tpu.memref_slice %arg4[%multiple_of3A_5] : memref<327680xi32, #tpu.memory_space<hbm>> -> memref<10240xi32, #tpu.memory_space<hbm>>
      %dma_start3A_317 = tpu.memref_slice %arg4[%multiple_of3A_5] : memref<327680xi32, #tpu.memory_space<hbm>> -> memref<10240xi32, #tpu.memory_space<hbm>>
      tpu.enqueue_dma source(%dma_start3A_317 : memref<10240xi32, #tpu.memory_space<hbm>>) target(%arg19 : memref<10240xi32, #tpu.memory_space<vmem>>) target_semaphore(%run_scoped3A : memref<!tpu.dma_semaphore, #tpu.memory_space<semaphore_mem>>)
      %dma_wait3A_318 = tpu.memref_slice %arg4[%multiple_of3A_5] : memref<327680xi32, #tpu.memory_space<hbm>> -> memref<10240xi32, #tpu.memory_space<hbm>>
      %dma_wait3A_319 = tpu.memref_slice %arg4[%multiple_of3A_5] : memref<327680xi32, #tpu.memory_space<hbm>> -> memref<10240xi32, #tpu.memory_space<hbm>>
      tpu.wait_dma2 semaphore(%run_scoped3A : memref<!tpu.dma_semaphore, #tpu.memory_space<semaphore_mem>>) src(%dma_wait3A_319 : memref<10240xi32, #tpu.memory_space<hbm>>) dst(%arg19 : memref<10240xi32, #tpu.memory_space<vmem>>)
      tpu.yield
    }) : () -> ()
    "tpu.region"() ({
      %run_scoped3A = tpu.sem_alloc : memref<!tpu.dma_semaphore, #tpu.memory_space<semaphore_mem>>
      tpu.enqueue_dma source(%arg13 : memref<16xf32, #tpu.memory_space<hbm>>) target(%arg27 : memref<16xf32, #tpu.memory_space<vmem>>) target_semaphore(%run_scoped3A : memref<!tpu.dma_semaphore, #tpu.memory_space<semaphore_mem>>)
      tpu.wait_dma2 semaphore(%run_scoped3A : memref<!tpu.dma_semaphore, #tpu.memory_space<semaphore_mem>>) src(%arg13 : memref<16xf32, #tpu.memory_space<hbm>>) dst(%arg27 : memref<16xf32, #tpu.memory_space<vmem>>)
      tpu.yield
    }) : () -> ()
    %iota3A = tpu.iota {dimensions = array<i32: 0>} : vector<16xi32>
    %broadcast_in_dim3A = arith.constant 0 : i32
    %broadcast_in_dim3A_6 = vector.broadcast %broadcast_in_dim3A : i32 to vector<16xi32>
    %gather3A = tpu.vector_load_idx %arg27[%broadcast_in_dim3A_6] : memref<16xf32, #tpu.memory_space<vmem>>[vector<16xi32>], vector<16xf32>,
    %exp3A = math.exp %gather3A : vector<16xf32>
    %broadcast_in_dim3A_7 = arith.constant 1 : i32
    %broadcast_in_dim3A_8 = vector.broadcast %broadcast_in_dim3A_7 : i32 to vector<16xi32>
    %gather3A_9 = tpu.vector_load_idx %arg27[%broadcast_in_dim3A_8] : memref<16xf32, #tpu.memory_space<vmem>>[vector<16xi32>], vector<16xf32>,
    %exp3A_10 = math.exp %gather3A_9 : vector<16xf32>
    %broadcast_in_dim3A_11 = arith.constant 2 : i32
    %broadcast_in_dim3A_12 = vector.broadcast %broadcast_in_dim3A_11 : i32 to vector<16xi32>
    %gather3A_13 = tpu.vector_load_idx %arg27[%broadcast_in_dim3A_12] : memref<16xf32, #tpu.memory_space<vmem>>[vector<16xi32>], vector<16xf32>,
    %exp3A_14 = math.exp %gather3A_13 : vector<16xf32>
    %broadcast_in_dim3A_15 = arith.constant 3 : i32
    %broadcast_in_dim3A_16 = vector.broadcast %broadcast_in_dim3A_15 : i32 to vector<16xi32>
    %gather3A_17 = tpu.vector_load_idx %arg27[%broadcast_in_dim3A_16] : memref<16xf32, #tpu.memory_space<vmem>>[vector<16xi32>], vector<16xf32>,
    %exp3A_18 = math.exp %gather3A_17 : vector<16xf32>
    %add3A_19 = arith.addf %exp3A, %exp3A_10 : vector<16xf32>
    %add3A_20 = arith.addf %add3A_19, %exp3A_14 : vector<16xf32>
    %add3A_21 = arith.addf %add3A_20, %exp3A_18 : vector<16xf32>
    %mul3A_22 = arith.constant 4.000000e+00 : f32
    %mul3A_23 = vector.broadcast %mul3A_22 : f32 to vector<16xf32>
    %mul3A_24 = arith.mulf %mul3A_23, %add3A_21 : vector<16xf32>
    %div3A = arith.divf %exp3A, %mul3A_24 : vector<16xf32>
    %div3A_25 = arith.divf %exp3A_10, %mul3A_24 : vector<16xf32>
    %div3A_26 = arith.divf %exp3A_14, %mul3A_24 : vector<16xf32>
    %div3A_27 = arith.divf %exp3A_18, %mul3A_24 : vector<16xf32>
    %dma_start3A = arith.constant 0 : i32
    %dma_start3A_28 = arith.constant 0 : i32
    %dma_start3A_29 = tpu.memref_slice %arg17[%dma_start3A, %dma_start3A_28] : memref<336x64xf32, #tpu.memory_space<vmem>> -> memref<128x64xf32, #tpu.memory_space<vmem>>
    %dma_start3A_30 = arith.constant 0 : i32
    %dma_start3A_31 = tpu.memref_slice %arg20[%dma_start3A_30] : memref<512xi32, #tpu.memory_space<vmem>> -> memref<128xi32, #tpu.memory_space<vmem>>
    %dma_start3A_32 = arith.constant 0 : i32
    %dma_start3A_33 = arith.constant 0 : i32
    %dma_start3A_34 = tpu.memref_slice %arg8[%dma_start3A_32, %dma_start3A_33] : memref<1000000x64xf32, #tpu.memory_space<hbm>> -> memref<1000000x64xf32, #tpu.memory_space<hbm>>
    tpu.enqueue_indirect_dma source(%dma_start3A_34 : memref<1000000x64xf32, #tpu.memory_space<hbm>>) target(%dma_start3A_29 : memref<128x64xf32, #tpu.memory_space<vmem>>) offsets(%dma_start3A_31 : memref<128xi32, #tpu.memory_space<vmem>>) semaphore(%arg28 : memref<!tpu.dma_semaphore, #tpu.memory_space<semaphore_mem>>)
    %dma_start3A_35 = arith.constant 128 : i32
    %dma_start3A_36 = arith.constant 0 : i32
    %dma_start3A_37 = tpu.memref_slice %arg17[%dma_start3A_35, %dma_start3A_36] : memref<336x64xf32, #tpu.memory_space<vmem>> -> memref<128x64xf32, #tpu.memory_space<vmem>>
    %dma_start3A_38 = arith.constant 0 : i32
    %dma_start3A_39 = tpu.memref_slice %arg22[%dma_start3A_38] : memref<512xi32, #tpu.memory_space<vmem>> -> memref<128xi32, #tpu.memory_space<vmem>>
    %dma_start3A_40 = arith.constant 0 : i32
    %dma_start3A_41 = arith.constant 0 : i32
    %dma_start3A_42 = tpu.memref_slice %arg9[%dma_start3A_40, %dma_start3A_41] : memref<1000x64xf32, #tpu.memory_space<hbm>> -> memref<1000x64xf32, #tpu.memory_space<hbm>>
    tpu.enqueue_indirect_dma source(%dma_start3A_42 : memref<1000x64xf32, #tpu.memory_space<hbm>>) target(%dma_start3A_37 : memref<128x64xf32, #tpu.memory_space<vmem>>) offsets(%dma_start3A_39 : memref<128xi32, #tpu.memory_space<vmem>>) semaphore(%arg28 : memref<!tpu.dma_semaphore, #tpu.memory_space<semaphore_mem>>)
    %dma_start3A_43 = arith.constant 0 : i32
    %dma_start3A_44 = arith.constant 0 : i32
    %dma_start3A_45 = tpu.memref_slice %arg18[%dma_start3A_43, %dma_start3A_44] : memref<336x64xf32, #tpu.memory_space<vmem>> -> memref<128x64xf32, #tpu.memory_space<vmem>>
    %dma_start3A_46 = arith.constant 0 : i32
    %dma_start3A_47 = tpu.memref_slice %arg23[%dma_start3A_46] : memref<512xi32, #tpu.memory_space<vmem>> -> memref<128xi32, #tpu.memory_space<vmem>>
    %dma_start3A_48 = arith.constant 0 : i32
    %dma_start3A_49 = arith.constant 0 : i32
    %dma_start3A_50 = tpu.memref_slice %arg10[%dma_start3A_48, %dma_start3A_49] : memref<1000x64xf32, #tpu.memory_space<hbm>> -> memref<1000x64xf32, #tpu.memory_space<hbm>>
    tpu.enqueue_indirect_dma source(%dma_start3A_50 : memref<1000x64xf32, #tpu.memory_space<hbm>>) target(%dma_start3A_45 : memref<128x64xf32, #tpu.memory_space<vmem>>) offsets(%dma_start3A_47 : memref<128xi32, #tpu.memory_space<vmem>>) semaphore(%arg29 : memref<!tpu.dma_semaphore, #tpu.memory_space<semaphore_mem>>)
    %dma_start3A_51 = arith.constant 128 : i32
    %dma_start3A_52 = arith.constant 0 : i32
    %dma_start3A_53 = tpu.memref_slice %arg18[%dma_start3A_51, %dma_start3A_52] : memref<336x64xf32, #tpu.memory_space<vmem>> -> memref<128x64xf32, #tpu.memory_space<vmem>>
    %dma_start3A_54 = arith.constant 0 : i32
    %dma_start3A_55 = tpu.memref_slice %arg24[%dma_start3A_54] : memref<512xi32, #tpu.memory_space<vmem>> -> memref<128xi32, #tpu.memory_space<vmem>>
    %dma_start3A_56 = arith.constant 0 : i32
    %dma_start3A_57 = arith.constant 0 : i32
    %dma_start3A_58 = tpu.memref_slice %arg11[%dma_start3A_56, %dma_start3A_57] : memref<1000x64xf32, #tpu.memory_space<hbm>> -> memref<1000x64xf32, #tpu.memory_space<hbm>>
    tpu.enqueue_indirect_dma source(%dma_start3A_58 : memref<1000x64xf32, #tpu.memory_space<hbm>>) target(%dma_start3A_53 : memref<128x64xf32, #tpu.memory_space<vmem>>) offsets(%dma_start3A_55 : memref<128xi32, #tpu.memory_space<vmem>>) semaphore(%arg29 : memref<!tpu.dma_semaphore, #tpu.memory_space<semaphore_mem>>)
    %dma_wait3A = arith.constant 0 : i32
    %dma_wait3A_59 = arith.constant 0 : i32
    %dma_wait3A_60 = tpu.memref_slice %arg17[%dma_wait3A, %dma_wait3A_59] : memref<336x64xf32, #tpu.memory_space<vmem>> -> memref<256x64xf32, #tpu.memory_space<vmem>>
    %dma_wait3A_61 = arith.constant 0 : i32
    %dma_wait3A_62 = arith.constant 0 : i32
    %dma_wait3A_63 = tpu.memref_slice %arg8[%dma_wait3A_61, %dma_wait3A_62] : memref<1000000x64xf32, #tpu.memory_space<hbm>> -> memref<256x64xf32, #tpu.memory_space<hbm>>
    %dma_wait3A_64 = arith.constant 0 : i32
    %dma_wait3A_65 = arith.constant 0 : i32
    %dma_wait3A_66 = tpu.memref_slice %arg17[%dma_wait3A_64, %dma_wait3A_65] : memref<336x64xf32, #tpu.memory_space<vmem>> -> memref<256x64xf32, #tpu.memory_space<vmem>>
    %dma_wait3A_67 = arith.constant 0 : i32
    %dma_wait3A_68 = arith.constant 0 : i32
    %dma_wait3A_69 = tpu.memref_slice %arg8[%dma_wait3A_67, %dma_wait3A_68] : memref<1000000x64xf32, #tpu.memory_space<hbm>> -> memref<256x64xf32, #tpu.memory_space<hbm>>
    tpu.wait_dma2 semaphore(%arg28 : memref<!tpu.dma_semaphore, #tpu.memory_space<semaphore_mem>>) src(%dma_wait3A_69 : memref<256x64xf32, #tpu.memory_space<hbm>>) dst(%dma_wait3A_66 : memref<256x64xf32, #tpu.memory_space<vmem>>)
    %dma_wait3A_70 = arith.constant 0 : i32
    %dma_wait3A_71 = arith.constant 0 : i32
    %dma_wait3A_72 = tpu.memref_slice %arg18[%dma_wait3A_70, %dma_wait3A_71] : memref<336x64xf32, #tpu.memory_space<vmem>> -> memref<256x64xf32, #tpu.memory_space<vmem>>
    %dma_wait3A_73 = arith.constant 0 : i32
    %dma_wait3A_74 = arith.constant 0 : i32
    %dma_wait3A_75 = tpu.memref_slice %arg8[%dma_wait3A_73, %dma_wait3A_74] : memref<1000000x64xf32, #tpu.memory_space<hbm>> -> memref<256x64xf32, #tpu.memory_space<hbm>>
    %dma_wait3A_76 = arith.constant 0 : i32
    %dma_wait3A_77 = arith.constant 0 : i32
    %dma_wait3A_78 = tpu.memref_slice %arg18[%dma_wait3A_76, %dma_wait3A_77] : memref<336x64xf32, #tpu.memory_space<vmem>> -> memref<256x64xf32, #tpu.memory_space<vmem>>
    %dma_wait3A_79 = arith.constant 0 : i32
    %dma_wait3A_80 = arith.constant 0 : i32
    %dma_wait3A_81 = tpu.memref_slice %arg8[%dma_wait3A_79, %dma_wait3A_80] : memref<1000000x64xf32, #tpu.memory_space<hbm>> -> memref<256x64xf32, #tpu.memory_space<hbm>>
    tpu.wait_dma2 semaphore(%arg29 : memref<!tpu.dma_semaphore, #tpu.memory_space<semaphore_mem>>) src(%dma_wait3A_81 : memref<256x64xf32, #tpu.memory_space<hbm>>) dst(%dma_wait3A_78 : memref<256x64xf32, #tpu.memory_space<vmem>>)
    %scan3A = arith.constant 0 : i32
    %scan3A_82 = arith.constant 128 : i32
    %scan3A_83 = arith.addi %scan3A, %scan3A_82 : i32
    %scan3A_84 = arith.constant 1 : i32
    scf.for %scan3A_316 = %scan3A to %scan3A_83 step %scan3A_84  : i32 {
      %mul3A_317 = arith.constant 1 : i32
      %mul3A_318 = arith.muli %scan3A_316, %mul3A_317 : i32
      %add3A_319 = arith.constant 0 : i32
      %add3A_320 = arith.addi %add3A_319, %mul3A_318 : i32
      %get3A = arith.index_cast %add3A_320 : i32 to index
      %get3A_321 = arith.constant 0 : index
      %get3A_322 = tpu.vector_load %arg17[%get3A, %get3A_321] {strides = array<i32>} : memref<336x64xf32, #tpu.memory_space<vmem>>, vector<16xf32>,
      %mul3A_323 = arith.mulf %div3A, %get3A_322 : vector<16xf32>
      %add3A_324 = arith.constant 128 : i32
      %add3A_325 = arith.addi %add3A_324, %add3A_320 : i32
      %get3A_326 = arith.index_cast %add3A_325 : i32 to index
      %get3A_327 = arith.constant 0 : index
      %get3A_328 = tpu.vector_load %arg17[%get3A_326, %get3A_327] {strides = array<i32>} : memref<336x64xf32, #tpu.memory_space<vmem>>, vector<16xf32>,
      %mul3A_329 = arith.mulf %div3A_25, %get3A_328 : vector<16xf32>
      %add3A_330 = arith.addf %mul3A_323, %mul3A_329 : vector<16xf32>
      %get3A_331 = arith.index_cast %add3A_320 : i32 to index
      %get3A_332 = arith.constant 0 : index
      %get3A_333 = tpu.vector_load %arg18[%get3A_331, %get3A_332] {strides = array<i32>} : memref<336x64xf32, #tpu.memory_space<vmem>>, vector<16xf32>,
      %mul3A_334 = arith.mulf %div3A_26, %get3A_333 : vector<16xf32>
      %add3A_335 = arith.addf %add3A_330, %mul3A_334 : vector<16xf32>
      %add3A_336 = arith.constant 128 : i32
      %add3A_337 = arith.addi %add3A_336, %add3A_320 : i32
      %get3A_338 = arith.index_cast %add3A_337 : i32 to index
      %get3A_339 = arith.constant 0 : index
      %get3A_340 = tpu.vector_load %arg18[%get3A_338, %get3A_339] {strides = array<i32>} : memref<336x64xf32, #tpu.memory_space<vmem>>, vector<16xf32>,
      %mul3A_341 = arith.mulf %div3A_27, %get3A_340 : vector<16xf32>
      %add3A_342 = arith.addf %add3A_335, %mul3A_341 : vector<16xf32>
      %add3A_343 = arith.constant 0 : i32
      %add3A_344 = arith.addi %add3A_343, %add3A_320 : i32
      %swap3A = arith.index_cast %add3A_344 : i32 to index
      %swap3A_345 = arith.constant 0 : index
      %swap3A_346 = tpu.vector_load %arg16[%swap3A, %swap3A_345] {strides = array<i32>} : memref<512x64xf32, #tpu.memory_space<vmem>>, vector<16xf32>,
      tpu.vector_store %arg16[%swap3A, %swap3A_345], %add3A_342 {strides = array<i32>} : memref<512x64xf32, #tpu.memory_space<vmem>>, vector<16xf32>,
      %get3A_347 = arith.index_cast %add3A_320 : i32 to index
      %get3A_348 = arith.constant 16 : index
      %get3A_349 = tpu.vector_load %arg17[%get3A_347, %get3A_348] {strides = array<i32>} : memref<336x64xf32, #tpu.memory_space<vmem>>, vector<16xf32>,
      %mul3A_350 = arith.mulf %div3A, %get3A_349 : vector<16xf32>
      %add3A_351 = arith.constant 128 : i32
      %add3A_352 = arith.addi %add3A_351, %add3A_320 : i32
      %get3A_353 = arith.index_cast %add3A_352 : i32 to index
      %get3A_354 = arith.constant 16 : index
      %get3A_355 = tpu.vector_load %arg17[%get3A_353, %get3A_354] {strides = array<i32>} : memref<336x64xf32, #tpu.memory_space<vmem>>, vector<16xf32>,
      %mul3A_356 = arith.mulf %div3A_25, %get3A_355 : vector<16xf32>
      %add3A_357 = arith.addf %mul3A_350, %mul3A_356 : vector<16xf32>
      %get3A_358 = arith.index_cast %add3A_320 : i32 to index
      %get3A_359 = arith.constant 16 : index
      %get3A_360 = tpu.vector_load %arg18[%get3A_358, %get3A_359] {strides = array<i32>} : memref<336x64xf32, #tpu.memory_space<vmem>>, vector<16xf32>,
      %mul3A_361 = arith.mulf %div3A_26, %get3A_360 : vector<16xf32>
      %add3A_362 = arith.addf %add3A_357, %mul3A_361 : vector<16xf32>
      %add3A_363 = arith.constant 128 : i32
      %add3A_364 = arith.addi %add3A_363, %add3A_320 : i32
      %get3A_365 = arith.index_cast %add3A_364 : i32 to index
      %get3A_366 = arith.constant 16 : index
      %get3A_367 = tpu.vector_load %arg18[%get3A_365, %get3A_366] {strides = array<i32>} : memref<336x64xf32, #tpu.memory_space<vmem>>, vector<16xf32>,
      %mul3A_368 = arith.mulf %div3A_27, %get3A_367 : vector<16xf32>
      %add3A_369 = arith.addf %add3A_362, %mul3A_368 : vector<16xf32>
      %add3A_370 = arith.constant 0 : i32
      %add3A_371 = arith.addi %add3A_370, %add3A_320 : i32
      %swap3A_372 = arith.index_cast %add3A_371 : i32 to index
      %swap3A_373 = arith.constant 16 : index
      %swap3A_374 = tpu.vector_load %arg16[%swap3A_372, %swap3A_373] {strides = array<i32>} : memref<512x64xf32, #tpu.memory_space<vmem>>, vector<16xf32>,
      tpu.vector_store %arg16[%swap3A_372, %swap3A_373], %add3A_369 {strides = array<i32>} : memref<512x64xf32, #tpu.memory_space<vmem>>, vector<16xf32>,
      %get3A_375 = arith.index_cast %add3A_320 : i32 to index
      %get3A_376 = arith.constant 32 : index
      %get3A_377 = tpu.vector_load %arg17[%get3A_375, %get3A_376] {strides = array<i32>} : memref<336x64xf32, #tpu.memory_space<vmem>>, vector<16xf32>,
      %mul3A_378 = arith.mulf %div3A, %get3A_377 : vector<16xf32>
      %add3A_379 = arith.constant 128 : i32
      %add3A_380 = arith.addi %add3A_379, %add3A_320 : i32
      %get3A_381 = arith.index_cast %add3A_380 : i32 to index
      %get3A_382 = arith.constant 32 : index
      %get3A_383 = tpu.vector_load %arg17[%get3A_381, %get3A_382] {strides = array<i32>} : memref<336x64xf32, #tpu.memory_space<vmem>>, vector<16xf32>,
      %mul3A_384 = arith.mulf %div3A_25, %get3A_383 : vector<16xf32>
      %add3A_385 = arith.addf %mul3A_378, %mul3A_384 : vector<16xf32>
      %get3A_386 = arith.index_cast %add3A_320 : i32 to index
      %get3A_387 = arith.constant 32 : index
      %get3A_388 = tpu.vector_load %arg18[%get3A_386, %get3A_387] {strides = array<i32>} : memref<336x64xf32, #tpu.memory_space<vmem>>, vector<16xf32>,
      %mul3A_389 = arith.mulf %div3A_26, %get3A_388 : vector<16xf32>
      %add3A_390 = arith.addf %add3A_385, %mul3A_389 : vector<16xf32>
      %add3A_391 = arith.constant 128 : i32
      %add3A_392 = arith.addi %add3A_391, %add3A_320 : i32
      %get3A_393 = arith.index_cast %add3A_392 : i32 to index
      %get3A_394 = arith.constant 32 : index
      %get3A_395 = tpu.vector_load %arg18[%get3A_393, %get3A_394] {strides = array<i32>} : memref<336x64xf32, #tpu.memory_space<vmem>>, vector<16xf32>,
      %mul3A_396 = arith.mulf %div3A_27, %get3A_395 : vector<16xf32>
      %add3A_397 = arith.addf %add3A_390, %mul3A_396 : vector<16xf32>
      %add3A_398 = arith.constant 0 : i32
      %add3A_399 = arith.addi %add3A_398, %add3A_320 : i32
      %swap3A_400 = arith.index_cast %add3A_399 : i32 to index
      %swap3A_401 = arith.constant 32 : index
      %swap3A_402 = tpu.vector_load %arg16[%swap3A_400, %swap3A_401] {strides = array<i32>} : memref<512x64xf32, #tpu.memory_space<vmem>>, vector<16xf32>,
      tpu.vector_store %arg16[%swap3A_400, %swap3A_401], %add3A_397 {strides = array<i32>} : memref<512x64xf32, #tpu.memory_space<vmem>>, vector<16xf32>,
      %get3A_403 = arith.index_cast %add3A_320 : i32 to index
      %get3A_404 = arith.constant 48 : index
      %get3A_405 = tpu.vector_load %arg17[%get3A_403, %get3A_404] {strides = array<i32>} : memref<336x64xf32, #tpu.memory_space<vmem>>, vector<16xf32>,
      %mul3A_406 = arith.mulf %div3A, %get3A_405 : vector<16xf32>
      %add3A_407 = arith.constant 128 : i32
      %add3A_408 = arith.addi %add3A_407, %add3A_320 : i32
      %get3A_409 = arith.index_cast %add3A_408 : i32 to index
      %get3A_410 = arith.constant 48 : index
      %get3A_411 = tpu.vector_load %arg17[%get3A_409, %get3A_410] {strides = array<i32>} : memref<336x64xf32, #tpu.memory_space<vmem>>, vector<16xf32>,
      %mul3A_412 = arith.mulf %div3A_25, %get3A_411 : vector<16xf32>
      %add3A_413 = arith.addf %mul3A_406, %mul3A_412 : vector<16xf32>
      %get3A_414 = arith.index_cast %add3A_320 : i32 to index
      %get3A_415 = arith.constant 48 : index
      %get3A_416 = tpu.vector_load %arg18[%get3A_414, %get3A_415] {strides = array<i32>} : memref<336x64xf32, #tpu.memory_space<vmem>>, vector<16xf32>,
      %mul3A_417 = arith.mulf %div3A_26, %get3A_416 : vector<16xf32>
      %add3A_418 = arith.addf %add3A_413, %mul3A_417 : vector<16xf32>
      %add3A_419 = arith.constant 128 : i32
      %add3A_420 = arith.addi %add3A_419, %add3A_320 : i32
      %get3A_421 = arith.index_cast %add3A_420 : i32 to index
      %get3A_422 = arith.constant 48 : index
      %get3A_423 = tpu.vector_load %arg18[%get3A_421, %get3A_422] {strides = array<i32>} : memref<336x64xf32, #tpu.memory_space<vmem>>, vector<16xf32>,
      %mul3A_424 = arith.mulf %div3A_27, %get3A_423 : vector<16xf32>
      %add3A_425 = arith.addf %add3A_418, %mul3A_424 : vector<16xf32>
      %add3A_426 = arith.constant 0 : i32
      %add3A_427 = arith.addi %add3A_426, %add3A_320 : i32
      %swap3A_428 = arith.index_cast %add3A_427 : i32 to index
      %swap3A_429 = arith.constant 48 : index
      %swap3A_430 = tpu.vector_load %arg16[%swap3A_428, %swap3A_429] {strides = array<i32>} : memref<512x64xf32, #tpu.memory_space<vmem>>, vector<16xf32>,
      tpu.vector_store %arg16[%swap3A_428, %swap3A_429], %add3A_425 {strides = array<i32>} : memref<512x64xf32, #tpu.memory_space<vmem>>, vector<16xf32>,
    }
    %scan3A_85 = arith.constant 128 : i32
    %dma_start3A_86 = arith.constant 0 : i32
    %dma_start3A_87 = arith.constant 0 : i32
    %dma_start3A_88 = tpu.memref_slice %arg17[%dma_start3A_86, %dma_start3A_87] : memref<336x64xf32, #tpu.memory_space<vmem>> -> memref<128x64xf32, #tpu.memory_space<vmem>>
    %dma_start3A_89 = arith.constant 128 : i32
    %dma_start3A_90 = tpu.memref_slice %arg20[%dma_start3A_89] : memref<512xi32, #tpu.memory_space<vmem>> -> memref<128xi32, #tpu.memory_space<vmem>>
    %dma_start3A_91 = arith.constant 0 : i32
    %dma_start3A_92 = arith.constant 0 : i32
    %dma_start3A_93 = tpu.memref_slice %arg8[%dma_start3A_91, %dma_start3A_92] : memref<1000000x64xf32, #tpu.memory_space<hbm>> -> memref<1000000x64xf32, #tpu.memory_space<hbm>>
    tpu.enqueue_indirect_dma source(%dma_start3A_93 : memref<1000000x64xf32, #tpu.memory_space<hbm>>) target(%dma_start3A_88 : memref<128x64xf32, #tpu.memory_space<vmem>>) offsets(%dma_start3A_90 : memref<128xi32, #tpu.memory_space<vmem>>) semaphore(%arg28 : memref<!tpu.dma_semaphore, #tpu.memory_space<semaphore_mem>>)
    %dma_start3A_94 = arith.constant 128 : i32
    %dma_start3A_95 = arith.constant 0 : i32
    %dma_start3A_96 = tpu.memref_slice %arg17[%dma_start3A_94, %dma_start3A_95] : memref<336x64xf32, #tpu.memory_space<vmem>> -> memref<128x64xf32, #tpu.memory_space<vmem>>
    %dma_start3A_97 = arith.constant 128 : i32
    %dma_start3A_98 = tpu.memref_slice %arg22[%dma_start3A_97] : memref<512xi32, #tpu.memory_space<vmem>> -> memref<128xi32, #tpu.memory_space<vmem>>
    %dma_start3A_99 = arith.constant 0 : i32
    %dma_start3A_100 = arith.constant 0 : i32
    %dma_start3A_101 = tpu.memref_slice %arg9[%dma_start3A_99, %dma_start3A_100] : memref<1000x64xf32, #tpu.memory_space<hbm>> -> memref<1000x64xf32, #tpu.memory_space<hbm>>
    tpu.enqueue_indirect_dma source(%dma_start3A_101 : memref<1000x64xf32, #tpu.memory_space<hbm>>) target(%dma_start3A_96 : memref<128x64xf32, #tpu.memory_space<vmem>>) offsets(%dma_start3A_98 : memref<128xi32, #tpu.memory_space<vmem>>) semaphore(%arg28 : memref<!tpu.dma_semaphore, #tpu.memory_space<semaphore_mem>>)
    %dma_start3A_102 = arith.constant 0 : i32
    %dma_start3A_103 = arith.constant 0 : i32
    %dma_start3A_104 = tpu.memref_slice %arg18[%dma_start3A_102, %dma_start3A_103] : memref<336x64xf32, #tpu.memory_space<vmem>> -> memref<128x64xf32, #tpu.memory_space<vmem>>
    %dma_start3A_105 = arith.constant 128 : i32
    %dma_start3A_106 = tpu.memref_slice %arg23[%dma_start3A_105] : memref<512xi32, #tpu.memory_space<vmem>> -> memref<128xi32, #tpu.memory_space<vmem>>
    %dma_start3A_107 = arith.constant 0 : i32
    %dma_start3A_108 = arith.constant 0 : i32
    %dma_start3A_109 = tpu.memref_slice %arg10[%dma_start3A_107, %dma_start3A_108] : memref<1000x64xf32, #tpu.memory_space<hbm>> -> memref<1000x64xf32, #tpu.memory_space<hbm>>
    tpu.enqueue_indirect_dma source(%dma_start3A_109 : memref<1000x64xf32, #tpu.memory_space<hbm>>) target(%dma_start3A_104 : memref<128x64xf32, #tpu.memory_space<vmem>>) offsets(%dma_start3A_106 : memref<128xi32, #tpu.memory_space<vmem>>) semaphore(%arg29 : memref<!tpu.dma_semaphore, #tpu.memory_space<semaphore_mem>>)
    %dma_start3A_110 = arith.constant 128 : i32
    %dma_start3A_111 = arith.constant 0 : i32
    %dma_start3A_112 = tpu.memref_slice %arg18[%dma_start3A_110, %dma_start3A_111] : memref<336x64xf32, #tpu.memory_space<vmem>> -> memref<128x64xf32, #tpu.memory_space<vmem>>
    %dma_start3A_113 = arith.constant 128 : i32
    %dma_start3A_114 = tpu.memref_slice %arg24[%dma_start3A_113] : memref<512xi32, #tpu.memory_space<vmem>> -> memref<128xi32, #tpu.memory_space<vmem>>
    %dma_start3A_115 = arith.constant 0 : i32
    %dma_start3A_116 = arith.constant 0 : i32
    %dma_start3A_117 = tpu.memref_slice %arg11[%dma_start3A_115, %dma_start3A_116] : memref<1000x64xf32, #tpu.memory_space<hbm>> -> memref<1000x64xf32, #tpu.memory_space<hbm>>
    tpu.enqueue_indirect_dma source(%dma_start3A_117 : memref<1000x64xf32, #tpu.memory_space<hbm>>) target(%dma_start3A_112 : memref<128x64xf32, #tpu.memory_space<vmem>>) offsets(%dma_start3A_114 : memref<128xi32, #tpu.memory_space<vmem>>) semaphore(%arg29 : memref<!tpu.dma_semaphore, #tpu.memory_space<semaphore_mem>>)
    %dma_wait3A_118 = arith.constant 0 : i32
    %dma_wait3A_119 = arith.constant 0 : i32
    %dma_wait3A_120 = tpu.memref_slice %arg17[%dma_wait3A_118, %dma_wait3A_119] : memref<336x64xf32, #tpu.memory_space<vmem>> -> memref<256x64xf32, #tpu.memory_space<vmem>>
    %dma_wait3A_121 = arith.constant 0 : i32
    %dma_wait3A_122 = arith.constant 0 : i32
    %dma_wait3A_123 = tpu.memref_slice %arg8[%dma_wait3A_121, %dma_wait3A_122] : memref<1000000x64xf32, #tpu.memory_space<hbm>> -> memref<256x64xf32, #tpu.memory_space<hbm>>
    %dma_wait3A_124 = arith.constant 0 : i32
    %dma_wait3A_125 = arith.constant 0 : i32
    %dma_wait3A_126 = tpu.memref_slice %arg17[%dma_wait3A_124, %dma_wait3A_125] : memref<336x64xf32, #tpu.memory_space<vmem>> -> memref<256x64xf32, #tpu.memory_space<vmem>>
    %dma_wait3A_127 = arith.constant 0 : i32
    %dma_wait3A_128 = arith.constant 0 : i32
    %dma_wait3A_129 = tpu.memref_slice %arg8[%dma_wait3A_127, %dma_wait3A_128] : memref<1000000x64xf32, #tpu.memory_space<hbm>> -> memref<256x64xf32, #tpu.memory_space<hbm>>
    tpu.wait_dma2 semaphore(%arg28 : memref<!tpu.dma_semaphore, #tpu.memory_space<semaphore_mem>>) src(%dma_wait3A_129 : memref<256x64xf32, #tpu.memory_space<hbm>>) dst(%dma_wait3A_126 : memref<256x64xf32, #tpu.memory_space<vmem>>)
    %dma_wait3A_130 = arith.constant 0 : i32
    %dma_wait3A_131 = arith.constant 0 : i32
    %dma_wait3A_132 = tpu.memref_slice %arg18[%dma_wait3A_130, %dma_wait3A_131] : memref<336x64xf32, #tpu.memory_space<vmem>> -> memref<256x64xf32, #tpu.memory_space<vmem>>
    %dma_wait3A_133 = arith.constant 0 : i32
    %dma_wait3A_134 = arith.constant 0 : i32
    %dma_wait3A_135 = tpu.memref_slice %arg8[%dma_wait3A_133, %dma_wait3A_134] : memref<1000000x64xf32, #tpu.memory_space<hbm>> -> memref<256x64xf32, #tpu.memory_space<hbm>>
    %dma_wait3A_136 = arith.constant 0 : i32
    %dma_wait3A_137 = arith.constant 0 : i32
    %dma_wait3A_138 = tpu.memref_slice %arg18[%dma_wait3A_136, %dma_wait3A_137] : memref<336x64xf32, #tpu.memory_space<vmem>> -> memref<256x64xf32, #tpu.memory_space<vmem>>
    %dma_wait3A_139 = arith.constant 0 : i32
    %dma_wait3A_140 = arith.constant 0 : i32
    %dma_wait3A_141 = tpu.memref_slice %arg8[%dma_wait3A_139, %dma_wait3A_140] : memref<1000000x64xf32, #tpu.memory_space<hbm>> -> memref<256x64xf32, #tpu.memory_space<hbm>>
    tpu.wait_dma2 semaphore(%arg29 : memref<!tpu.dma_semaphore, #tpu.memory_space<semaphore_mem>>) src(%dma_wait3A_141 : memref<256x64xf32, #tpu.memory_space<hbm>>) dst(%dma_wait3A_138 : memref<256x64xf32, #tpu.memory_space<vmem>>)
    %scan3A_142 = arith.constant 0 : i32
    %scan3A_143 = arith.constant 128 : i32
    %scan3A_144 = arith.addi %scan3A_142, %scan3A_143 : i32
    %scan3A_145 = arith.constant 1 : i32
    scf.for %scan3A_316 = %scan3A_142 to %scan3A_144 step %scan3A_145  : i32 {
      %mul3A_317 = arith.constant 1 : i32
      %mul3A_318 = arith.muli %scan3A_316, %mul3A_317 : i32
      %add3A_319 = arith.constant 0 : i32
      %add3A_320 = arith.addi %add3A_319, %mul3A_318 : i32
      %get3A = arith.index_cast %add3A_320 : i32 to index
      %get3A_321 = arith.constant 0 : index
      %get3A_322 = tpu.vector_load %arg17[%get3A, %get3A_321] {strides = array<i32>} : memref<336x64xf32, #tpu.memory_space<vmem>>, vector<16xf32>,
      %mul3A_323 = arith.mulf %div3A, %get3A_322 : vector<16xf32>
      %add3A_324 = arith.constant 128 : i32
      %add3A_325 = arith.addi %add3A_324, %add3A_320 : i32
      %get3A_326 = arith.index_cast %add3A_325 : i32 to index
      %get3A_327 = arith.constant 0 : index
      %get3A_328 = tpu.vector_load %arg17[%get3A_326, %get3A_327] {strides = array<i32>} : memref<336x64xf32, #tpu.memory_space<vmem>>, vector<16xf32>,
      %mul3A_329 = arith.mulf %div3A_25, %get3A_328 : vector<16xf32>
      %add3A_330 = arith.addf %mul3A_323, %mul3A_329 : vector<16xf32>
      %get3A_331 = arith.index_cast %add3A_320 : i32 to index
      %get3A_332 = arith.constant 0 : index
      %get3A_333 = tpu.vector_load %arg18[%get3A_331, %get3A_332] {strides = array<i32>} : memref<336x64xf32, #tpu.memory_space<vmem>>, vector<16xf32>,
      %mul3A_334 = arith.mulf %div3A_26, %get3A_333 : vector<16xf32>
      %add3A_335 = arith.addf %add3A_330, %mul3A_334 : vector<16xf32>
      %add3A_336 = arith.constant 128 : i32
      %add3A_337 = arith.addi %add3A_336, %add3A_320 : i32
      %get3A_338 = arith.index_cast %add3A_337 : i32 to index
      %get3A_339 = arith.constant 0 : index
      %get3A_340 = tpu.vector_load %arg18[%get3A_338, %get3A_339] {strides = array<i32>} : memref<336x64xf32, #tpu.memory_space<vmem>>, vector<16xf32>,
      %mul3A_341 = arith.mulf %div3A_27, %get3A_340 : vector<16xf32>
      %add3A_342 = arith.addf %add3A_335, %mul3A_341 : vector<16xf32>
      %add3A_343 = arith.constant 128 : i32
      %add3A_344 = arith.addi %add3A_343, %add3A_320 : i32
      %swap3A = arith.index_cast %add3A_344 : i32 to index
      %swap3A_345 = arith.constant 0 : index
      %swap3A_346 = tpu.vector_load %arg16[%swap3A, %swap3A_345] {strides = array<i32>} : memref<512x64xf32, #tpu.memory_space<vmem>>, vector<16xf32>,
      tpu.vector_store %arg16[%swap3A, %swap3A_345], %add3A_342 {strides = array<i32>} : memref<512x64xf32, #tpu.memory_space<vmem>>, vector<16xf32>,
      %get3A_347 = arith.index_cast %add3A_320 : i32 to index
      %get3A_348 = arith.constant 16 : index
      %get3A_349 = tpu.vector_load %arg17[%get3A_347, %get3A_348] {strides = array<i32>} : memref<336x64xf32, #tpu.memory_space<vmem>>, vector<16xf32>,
      %mul3A_350 = arith.mulf %div3A, %get3A_349 : vector<16xf32>
      %add3A_351 = arith.constant 128 : i32
      %add3A_352 = arith.addi %add3A_351, %add3A_320 : i32
      %get3A_353 = arith.index_cast %add3A_352 : i32 to index
      %get3A_354 = arith.constant 16 : index
      %get3A_355 = tpu.vector_load %arg17[%get3A_353, %get3A_354] {strides = array<i32>} : memref<336x64xf32, #tpu.memory_space<vmem>>, vector<16xf32>,
      %mul3A_356 = arith.mulf %div3A_25, %get3A_355 : vector<16xf32>
      %add3A_357 = arith.addf %mul3A_350, %mul3A_356 : vector<16xf32>
      %get3A_358 = arith.index_cast %add3A_320 : i32 to index
      %get3A_359 = arith.constant 16 : index
      %get3A_360 = tpu.vector_load %arg18[%get3A_358, %get3A_359] {strides = array<i32>} : memref<336x64xf32, #tpu.memory_space<vmem>>, vector<16xf32>,
      %mul3A_361 = arith.mulf %div3A_26, %get3A_360 : vector<16xf32>
      %add3A_362 = arith.addf %add3A_357, %mul3A_361 : vector<16xf32>
      %add3A_363 = arith.constant 128 : i32
      %add3A_364 = arith.addi %add3A_363, %add3A_320 : i32
      %get3A_365 = arith.index_cast %add3A_364 : i32 to index
      %get3A_366 = arith.constant 16 : index
      %get3A_367 = tpu.vector_load %arg18[%get3A_365, %get3A_366] {strides = array<i32>} : memref<336x64xf32, #tpu.memory_space<vmem>>, vector<16xf32>,
      %mul3A_368 = arith.mulf %div3A_27, %get3A_367 : vector<16xf32>
      %add3A_369 = arith.addf %add3A_362, %mul3A_368 : vector<16xf32>
      %add3A_370 = arith.constant 128 : i32
      %add3A_371 = arith.addi %add3A_370, %add3A_320 : i32
      %swap3A_372 = arith.index_cast %add3A_371 : i32 to index
      %swap3A_373 = arith.constant 16 : index
      %swap3A_374 = tpu.vector_load %arg16[%swap3A_372, %swap3A_373] {strides = array<i32>} : memref<512x64xf32, #tpu.memory_space<vmem>>, vector<16xf32>,
      tpu.vector_store %arg16[%swap3A_372, %swap3A_373], %add3A_369 {strides = array<i32>} : memref<512x64xf32, #tpu.memory_space<vmem>>, vector<16xf32>,
      %get3A_375 = arith.index_cast %add3A_320 : i32 to index
      %get3A_376 = arith.constant 32 : index
      %get3A_377 = tpu.vector_load %arg17[%get3A_375, %get3A_376] {strides = array<i32>} : memref<336x64xf32, #tpu.memory_space<vmem>>, vector<16xf32>,
      %mul3A_378 = arith.mulf %div3A, %get3A_377 : vector<16xf32>
      %add3A_379 = arith.constant 128 : i32
      %add3A_380 = arith.addi %add3A_379, %add3A_320 : i32
      %get3A_381 = arith.index_cast %add3A_380 : i32 to index
      %get3A_382 = arith.constant 32 : index
      %get3A_383 = tpu.vector_load %arg17[%get3A_381, %get3A_382] {strides = array<i32>} : memref<336x64xf32, #tpu.memory_space<vmem>>, vector<16xf32>,
      %mul3A_384 = arith.mulf %div3A_25, %get3A_383 : vector<16xf32>
      %add3A_385 = arith.addf %mul3A_378, %mul3A_384 : vector<16xf32>
      %get3A_386 = arith.index_cast %add3A_320 : i32 to index
      %get3A_387 = arith.constant 32 : index
      %get3A_388 = tpu.vector_load %arg18[%get3A_386, %get3A_387] {strides = array<i32>} : memref<336x64xf32, #tpu.memory_space<vmem>>, vector<16xf32>,
      %mul3A_389 = arith.mulf %div3A_26, %get3A_388 : vector<16xf32>
      %add3A_390 = arith.addf %add3A_385, %mul3A_389 : vector<16xf32>
      %add3A_391 = arith.constant 128 : i32
      %add3A_392 = arith.addi %add3A_391, %add3A_320 : i32
      %get3A_393 = arith.index_cast %add3A_392 : i32 to index
      %get3A_394 = arith.constant 32 : index
      %get3A_395 = tpu.vector_load %arg18[%get3A_393, %get3A_394] {strides = array<i32>} : memref<336x64xf32, #tpu.memory_space<vmem>>, vector<16xf32>,
      %mul3A_396 = arith.mulf %div3A_27, %get3A_395 : vector<16xf32>
      %add3A_397 = arith.addf %add3A_390, %mul3A_396 : vector<16xf32>
      %add3A_398 = arith.constant 128 : i32
      %add3A_399 = arith.addi %add3A_398, %add3A_320 : i32
      %swap3A_400 = arith.index_cast %add3A_399 : i32 to index
      %swap3A_401 = arith.constant 32 : index
      %swap3A_402 = tpu.vector_load %arg16[%swap3A_400, %swap3A_401] {strides = array<i32>} : memref<512x64xf32, #tpu.memory_space<vmem>>, vector<16xf32>,
      tpu.vector_store %arg16[%swap3A_400, %swap3A_401], %add3A_397 {strides = array<i32>} : memref<512x64xf32, #tpu.memory_space<vmem>>, vector<16xf32>,
      %get3A_403 = arith.index_cast %add3A_320 : i32 to index
      %get3A_404 = arith.constant 48 : index
      %get3A_405 = tpu.vector_load %arg17[%get3A_403, %get3A_404] {strides = array<i32>} : memref<336x64xf32, #tpu.memory_space<vmem>>, vector<16xf32>,
      %mul3A_406 = arith.mulf %div3A, %get3A_405 : vector<16xf32>
      %add3A_407 = arith.constant 128 : i32
      %add3A_408 = arith.addi %add3A_407, %add3A_320 : i32
      %get3A_409 = arith.index_cast %add3A_408 : i32 to index
      %get3A_410 = arith.constant 48 : index
      %get3A_411 = tpu.vector_load %arg17[%get3A_409, %get3A_410] {strides = array<i32>} : memref<336x64xf32, #tpu.memory_space<vmem>>, vector<16xf32>,
      %mul3A_412 = arith.mulf %div3A_25, %get3A_411 : vector<16xf32>
      %add3A_413 = arith.addf %mul3A_406, %mul3A_412 : vector<16xf32>
      %get3A_414 = arith.index_cast %add3A_320 : i32 to index
      %get3A_415 = arith.constant 48 : index
      %get3A_416 = tpu.vector_load %arg18[%get3A_414, %get3A_415] {strides = array<i32>} : memref<336x64xf32, #tpu.memory_space<vmem>>, vector<16xf32>,
      %mul3A_417 = arith.mulf %div3A_26, %get3A_416 : vector<16xf32>
      %add3A_418 = arith.addf %add3A_413, %mul3A_417 : vector<16xf32>
      %add3A_419 = arith.constant 128 : i32
      %add3A_420 = arith.addi %add3A_419, %add3A_320 : i32
      %get3A_421 = arith.index_cast %add3A_420 : i32 to index
      %get3A_422 = arith.constant 48 : index
      %get3A_423 = tpu.vector_load %arg18[%get3A_421, %get3A_422] {strides = array<i32>} : memref<336x64xf32, #tpu.memory_space<vmem>>, vector<16xf32>,
      %mul3A_424 = arith.mulf %div3A_27, %get3A_423 : vector<16xf32>
      %add3A_425 = arith.addf %add3A_418, %mul3A_424 : vector<16xf32>
      %add3A_426 = arith.constant 128 : i32
      %add3A_427 = arith.addi %add3A_426, %add3A_320 : i32
      %swap3A_428 = arith.index_cast %add3A_427 : i32 to index
      %swap3A_429 = arith.constant 48 : index
      %swap3A_430 = tpu.vector_load %arg16[%swap3A_428, %swap3A_429] {strides = array<i32>} : memref<512x64xf32, #tpu.memory_space<vmem>>, vector<16xf32>,
      tpu.vector_store %arg16[%swap3A_428, %swap3A_429], %add3A_425 {strides = array<i32>} : memref<512x64xf32, #tpu.memory_space<vmem>>, vector<16xf32>,
    }
    %scan3A_146 = arith.constant 128 : i32
    %dma_start3A_147 = arith.constant 0 : i32
    %dma_start3A_148 = arith.constant 0 : i32
    %dma_start3A_149 = tpu.memref_slice %arg17[%dma_start3A_147, %dma_start3A_148] : memref<336x64xf32, #tpu.memory_space<vmem>> -> memref<128x64xf32, #tpu.memory_space<vmem>>
    %dma_start3A_150 = arith.constant 256 : i32
    %dma_start3A_151 = tpu.memref_slice %arg20[%dma_start3A_150] : memref<512xi32, #tpu.memory_space<vmem>> -> memref<128xi32, #tpu.memory_space<vmem>>
    %dma_start3A_152 = arith.constant 0 : i32
    %dma_start3A_153 = arith.constant 0 : i32
    %dma_start3A_154 = tpu.memref_slice %arg8[%dma_start3A_152, %dma_start3A_153] : memref<1000000x64xf32, #tpu.memory_space<hbm>> -> memref<1000000x64xf32, #tpu.memory_space<hbm>>
    tpu.enqueue_indirect_dma source(%dma_start3A_154 : memref<1000000x64xf32, #tpu.memory_space<hbm>>) target(%dma_start3A_149 : memref<128x64xf32, #tpu.memory_space<vmem>>) offsets(%dma_start3A_151 : memref<128xi32, #tpu.memory_space<vmem>>) semaphore(%arg28 : memref<!tpu.dma_semaphore, #tpu.memory_space<semaphore_mem>>)
    %dma_start3A_155 = arith.constant 128 : i32
    %dma_start3A_156 = arith.constant 0 : i32
    %dma_start3A_157 = tpu.memref_slice %arg17[%dma_start3A_155, %dma_start3A_156] : memref<336x64xf32, #tpu.memory_space<vmem>> -> memref<128x64xf32, #tpu.memory_space<vmem>>
    %dma_start3A_158 = arith.constant 256 : i32
    %dma_start3A_159 = tpu.memref_slice %arg22[%dma_start3A_158] : memref<512xi32, #tpu.memory_space<vmem>> -> memref<128xi32, #tpu.memory_space<vmem>>
    %dma_start3A_160 = arith.constant 0 : i32
    %dma_start3A_161 = arith.constant 0 : i32
    %dma_start3A_162 = tpu.memref_slice %arg9[%dma_start3A_160, %dma_start3A_161] : memref<1000x64xf32, #tpu.memory_space<hbm>> -> memref<1000x64xf32, #tpu.memory_space<hbm>>
    tpu.enqueue_indirect_dma source(%dma_start3A_162 : memref<1000x64xf32, #tpu.memory_space<hbm>>) target(%dma_start3A_157 : memref<128x64xf32, #tpu.memory_space<vmem>>) offsets(%dma_start3A_159 : memref<128xi32, #tpu.memory_space<vmem>>) semaphore(%arg28 : memref<!tpu.dma_semaphore, #tpu.memory_space<semaphore_mem>>)
    %dma_start3A_163 = arith.constant 0 : i32
    %dma_start3A_164 = arith.constant 0 : i32
    %dma_start3A_165 = tpu.memref_slice %arg18[%dma_start3A_163, %dma_start3A_164] : memref<336x64xf32, #tpu.memory_space<vmem>> -> memref<128x64xf32, #tpu.memory_space<vmem>>
    %dma_start3A_166 = arith.constant 256 : i32
    %dma_start3A_167 = tpu.memref_slice %arg23[%dma_start3A_166] : memref<512xi32, #tpu.memory_space<vmem>> -> memref<128xi32, #tpu.memory_space<vmem>>
    %dma_start3A_168 = arith.constant 0 : i32
    %dma_start3A_169 = arith.constant 0 : i32
    %dma_start3A_170 = tpu.memref_slice %arg10[%dma_start3A_168, %dma_start3A_169] : memref<1000x64xf32, #tpu.memory_space<hbm>> -> memref<1000x64xf32, #tpu.memory_space<hbm>>
    tpu.enqueue_indirect_dma source(%dma_start3A_170 : memref<1000x64xf32, #tpu.memory_space<hbm>>) target(%dma_start3A_165 : memref<128x64xf32, #tpu.memory_space<vmem>>) offsets(%dma_start3A_167 : memref<128xi32, #tpu.memory_space<vmem>>) semaphore(%arg29 : memref<!tpu.dma_semaphore, #tpu.memory_space<semaphore_mem>>)
    %dma_start3A_171 = arith.constant 128 : i32
    %dma_start3A_172 = arith.constant 0 : i32
    %dma_start3A_173 = tpu.memref_slice %arg18[%dma_start3A_171, %dma_start3A_172] : memref<336x64xf32, #tpu.memory_space<vmem>> -> memref<128x64xf32, #tpu.memory_space<vmem>>
    %dma_start3A_174 = arith.constant 256 : i32
    %dma_start3A_175 = tpu.memref_slice %arg24[%dma_start3A_174] : memref<512xi32, #tpu.memory_space<vmem>> -> memref<128xi32, #tpu.memory_space<vmem>>
    %dma_start3A_176 = arith.constant 0 : i32
    %dma_start3A_177 = arith.constant 0 : i32
    %dma_start3A_178 = tpu.memref_slice %arg11[%dma_start3A_176, %dma_start3A_177] : memref<1000x64xf32, #tpu.memory_space<hbm>> -> memref<1000x64xf32, #tpu.memory_space<hbm>>
    tpu.enqueue_indirect_dma source(%dma_start3A_178 : memref<1000x64xf32, #tpu.memory_space<hbm>>) target(%dma_start3A_173 : memref<128x64xf32, #tpu.memory_space<vmem>>) offsets(%dma_start3A_175 : memref<128xi32, #tpu.memory_space<vmem>>) semaphore(%arg29 : memref<!tpu.dma_semaphore, #tpu.memory_space<semaphore_mem>>)
    %dma_wait3A_179 = arith.constant 0 : i32
    %dma_wait3A_180 = arith.constant 0 : i32
    %dma_wait3A_181 = tpu.memref_slice %arg17[%dma_wait3A_179, %dma_wait3A_180] : memref<336x64xf32, #tpu.memory_space<vmem>> -> memref<256x64xf32, #tpu.memory_space<vmem>>
    %dma_wait3A_182 = arith.constant 0 : i32
    %dma_wait3A_183 = arith.constant 0 : i32
    %dma_wait3A_184 = tpu.memref_slice %arg8[%dma_wait3A_182, %dma_wait3A_183] : memref<1000000x64xf32, #tpu.memory_space<hbm>> -> memref<256x64xf32, #tpu.memory_space<hbm>>
    %dma_wait3A_185 = arith.constant 0 : i32
    %dma_wait3A_186 = arith.constant 0 : i32
    %dma_wait3A_187 = tpu.memref_slice %arg17[%dma_wait3A_185, %dma_wait3A_186] : memref<336x64xf32, #tpu.memory_space<vmem>> -> memref<256x64xf32, #tpu.memory_space<vmem>>
    %dma_wait3A_188 = arith.constant 0 : i32
    %dma_wait3A_189 = arith.constant 0 : i32
    %dma_wait3A_190 = tpu.memref_slice %arg8[%dma_wait3A_188, %dma_wait3A_189] : memref<1000000x64xf32, #tpu.memory_space<hbm>> -> memref<256x64xf32, #tpu.memory_space<hbm>>
    tpu.wait_dma2 semaphore(%arg28 : memref<!tpu.dma_semaphore, #tpu.memory_space<semaphore_mem>>) src(%dma_wait3A_190 : memref<256x64xf32, #tpu.memory_space<hbm>>) dst(%dma_wait3A_187 : memref<256x64xf32, #tpu.memory_space<vmem>>)
    %dma_wait3A_191 = arith.constant 0 : i32
    %dma_wait3A_192 = arith.constant 0 : i32
    %dma_wait3A_193 = tpu.memref_slice %arg18[%dma_wait3A_191, %dma_wait3A_192] : memref<336x64xf32, #tpu.memory_space<vmem>> -> memref<256x64xf32, #tpu.memory_space<vmem>>
    %dma_wait3A_194 = arith.constant 0 : i32
    %dma_wait3A_195 = arith.constant 0 : i32
    %dma_wait3A_196 = tpu.memref_slice %arg8[%dma_wait3A_194, %dma_wait3A_195] : memref<1000000x64xf32, #tpu.memory_space<hbm>> -> memref<256x64xf32, #tpu.memory_space<hbm>>
    %dma_wait3A_197 = arith.constant 0 : i32
    %dma_wait3A_198 = arith.constant 0 : i32
    %dma_wait3A_199 = tpu.memref_slice %arg18[%dma_wait3A_197, %dma_wait3A_198] : memref<336x64xf32, #tpu.memory_space<vmem>> -> memref<256x64xf32, #tpu.memory_space<vmem>>
    %dma_wait3A_200 = arith.constant 0 : i32
    %dma_wait3A_201 = arith.constant 0 : i32
    %dma_wait3A_202 = tpu.memref_slice %arg8[%dma_wait3A_200, %dma_wait3A_201] : memref<1000000x64xf32, #tpu.memory_space<hbm>> -> memref<256x64xf32, #tpu.memory_space<hbm>>
    tpu.wait_dma2 semaphore(%arg29 : memref<!tpu.dma_semaphore, #tpu.memory_space<semaphore_mem>>) src(%dma_wait3A_202 : memref<256x64xf32, #tpu.memory_space<hbm>>) dst(%dma_wait3A_199 : memref<256x64xf32, #tpu.memory_space<vmem>>)
    %scan3A_203 = arith.constant 0 : i32
    %scan3A_204 = arith.constant 128 : i32
    %scan3A_205 = arith.addi %scan3A_203, %scan3A_204 : i32
    %scan3A_206 = arith.constant 1 : i32
    scf.for %scan3A_316 = %scan3A_203 to %scan3A_205 step %scan3A_206  : i32 {
      %mul3A_317 = arith.constant 1 : i32
      %mul3A_318 = arith.muli %scan3A_316, %mul3A_317 : i32
      %add3A_319 = arith.constant 0 : i32
      %add3A_320 = arith.addi %add3A_319, %mul3A_318 : i32
      %get3A = arith.index_cast %add3A_320 : i32 to index
      %get3A_321 = arith.constant 0 : index
      %get3A_322 = tpu.vector_load %arg17[%get3A, %get3A_321] {strides = array<i32>} : memref<336x64xf32, #tpu.memory_space<vmem>>, vector<16xf32>,
      %mul3A_323 = arith.mulf %div3A, %get3A_322 : vector<16xf32>
      %add3A_324 = arith.constant 128 : i32
      %add3A_325 = arith.addi %add3A_324, %add3A_320 : i32
      %get3A_326 = arith.index_cast %add3A_325 : i32 to index
      %get3A_327 = arith.constant 0 : index
      %get3A_328 = tpu.vector_load %arg17[%get3A_326, %get3A_327] {strides = array<i32>} : memref<336x64xf32, #tpu.memory_space<vmem>>, vector<16xf32>,
      %mul3A_329 = arith.mulf %div3A_25, %get3A_328 : vector<16xf32>
      %add3A_330 = arith.addf %mul3A_323, %mul3A_329 : vector<16xf32>
      %get3A_331 = arith.index_cast %add3A_320 : i32 to index
      %get3A_332 = arith.constant 0 : index
      %get3A_333 = tpu.vector_load %arg18[%get3A_331, %get3A_332] {strides = array<i32>} : memref<336x64xf32, #tpu.memory_space<vmem>>, vector<16xf32>,
      %mul3A_334 = arith.mulf %div3A_26, %get3A_333 : vector<16xf32>
      %add3A_335 = arith.addf %add3A_330, %mul3A_334 : vector<16xf32>
      %add3A_336 = arith.constant 128 : i32
      %add3A_337 = arith.addi %add3A_336, %add3A_320 : i32
      %get3A_338 = arith.index_cast %add3A_337 : i32 to index
      %get3A_339 = arith.constant 0 : index
      %get3A_340 = tpu.vector_load %arg18[%get3A_338, %get3A_339] {strides = array<i32>} : memref<336x64xf32, #tpu.memory_space<vmem>>, vector<16xf32>,
      %mul3A_341 = arith.mulf %div3A_27, %get3A_340 : vector<16xf32>
      %add3A_342 = arith.addf %add3A_335, %mul3A_341 : vector<16xf32>
      %add3A_343 = arith.constant 256 : i32
      %add3A_344 = arith.addi %add3A_343, %add3A_320 : i32
      %swap3A = arith.index_cast %add3A_344 : i32 to index
      %swap3A_345 = arith.constant 0 : index
      %swap3A_346 = tpu.vector_load %arg16[%swap3A, %swap3A_345] {strides = array<i32>} : memref<512x64xf32, #tpu.memory_space<vmem>>, vector<16xf32>,
      tpu.vector_store %arg16[%swap3A, %swap3A_345], %add3A_342 {strides = array<i32>} : memref<512x64xf32, #tpu.memory_space<vmem>>, vector<16xf32>,
      %get3A_347 = arith.index_cast %add3A_320 : i32 to index
      %get3A_348 = arith.constant 16 : index
      %get3A_349 = tpu.vector_load %arg17[%get3A_347, %get3A_348] {strides = array<i32>} : memref<336x64xf32, #tpu.memory_space<vmem>>, vector<16xf32>,
      %mul3A_350 = arith.mulf %div3A, %get3A_349 : vector<16xf32>
      %add3A_351 = arith.constant 128 : i32
      %add3A_352 = arith.addi %add3A_351, %add3A_320 : i32
      %get3A_353 = arith.index_cast %add3A_352 : i32 to index
      %get3A_354 = arith.constant 16 : index
      %get3A_355 = tpu.vector_load %arg17[%get3A_353, %get3A_354] {strides = array<i32>} : memref<336x64xf32, #tpu.memory_space<vmem>>, vector<16xf32>,
      %mul3A_356 = arith.mulf %div3A_25, %get3A_355 : vector<16xf32>
      %add3A_357 = arith.addf %mul3A_350, %mul3A_356 : vector<16xf32>
      %get3A_358 = arith.index_cast %add3A_320 : i32 to index
      %get3A_359 = arith.constant 16 : index
      %get3A_360 = tpu.vector_load %arg18[%get3A_358, %get3A_359] {strides = array<i32>} : memref<336x64xf32, #tpu.memory_space<vmem>>, vector<16xf32>,
      %mul3A_361 = arith.mulf %div3A_26, %get3A_360 : vector<16xf32>
      %add3A_362 = arith.addf %add3A_357, %mul3A_361 : vector<16xf32>
      %add3A_363 = arith.constant 128 : i32
      %add3A_364 = arith.addi %add3A_363, %add3A_320 : i32
      %get3A_365 = arith.index_cast %add3A_364 : i32 to index
      %get3A_366 = arith.constant 16 : index
      %get3A_367 = tpu.vector_load %arg18[%get3A_365, %get3A_366] {strides = array<i32>} : memref<336x64xf32, #tpu.memory_space<vmem>>, vector<16xf32>,
      %mul3A_368 = arith.mulf %div3A_27, %get3A_367 : vector<16xf32>
      %add3A_369 = arith.addf %add3A_362, %mul3A_368 : vector<16xf32>
      %add3A_370 = arith.constant 256 : i32
      %add3A_371 = arith.addi %add3A_370, %add3A_320 : i32
      %swap3A_372 = arith.index_cast %add3A_371 : i32 to index
      %swap3A_373 = arith.constant 16 : index
      %swap3A_374 = tpu.vector_load %arg16[%swap3A_372, %swap3A_373] {strides = array<i32>} : memref<512x64xf32, #tpu.memory_space<vmem>>, vector<16xf32>,
      tpu.vector_store %arg16[%swap3A_372, %swap3A_373], %add3A_369 {strides = array<i32>} : memref<512x64xf32, #tpu.memory_space<vmem>>, vector<16xf32>,
      %get3A_375 = arith.index_cast %add3A_320 : i32 to index
      %get3A_376 = arith.constant 32 : index
      %get3A_377 = tpu.vector_load %arg17[%get3A_375, %get3A_376] {strides = array<i32>} : memref<336x64xf32, #tpu.memory_space<vmem>>, vector<16xf32>,
      %mul3A_378 = arith.mulf %div3A, %get3A_377 : vector<16xf32>
      %add3A_379 = arith.constant 128 : i32
      %add3A_380 = arith.addi %add3A_379, %add3A_320 : i32
      %get3A_381 = arith.index_cast %add3A_380 : i32 to index
      %get3A_382 = arith.constant 32 : index
      %get3A_383 = tpu.vector_load %arg17[%get3A_381, %get3A_382] {strides = array<i32>} : memref<336x64xf32, #tpu.memory_space<vmem>>, vector<16xf32>,
      %mul3A_384 = arith.mulf %div3A_25, %get3A_383 : vector<16xf32>
      %add3A_385 = arith.addf %mul3A_378, %mul3A_384 : vector<16xf32>
      %get3A_386 = arith.index_cast %add3A_320 : i32 to index
      %get3A_387 = arith.constant 32 : index
      %get3A_388 = tpu.vector_load %arg18[%get3A_386, %get3A_387] {strides = array<i32>} : memref<336x64xf32, #tpu.memory_space<vmem>>, vector<16xf32>,
      %mul3A_389 = arith.mulf %div3A_26, %get3A_388 : vector<16xf32>
      %add3A_390 = arith.addf %add3A_385, %mul3A_389 : vector<16xf32>
      %add3A_391 = arith.constant 128 : i32
      %add3A_392 = arith.addi %add3A_391, %add3A_320 : i32
      %get3A_393 = arith.index_cast %add3A_392 : i32 to index
      %get3A_394 = arith.constant 32 : index
      %get3A_395 = tpu.vector_load %arg18[%get3A_393, %get3A_394] {strides = array<i32>} : memref<336x64xf32, #tpu.memory_space<vmem>>, vector<16xf32>,
      %mul3A_396 = arith.mulf %div3A_27, %get3A_395 : vector<16xf32>
      %add3A_397 = arith.addf %add3A_390, %mul3A_396 : vector<16xf32>
      %add3A_398 = arith.constant 256 : i32
      %add3A_399 = arith.addi %add3A_398, %add3A_320 : i32
      %swap3A_400 = arith.index_cast %add3A_399 : i32 to index
      %swap3A_401 = arith.constant 32 : index
      %swap3A_402 = tpu.vector_load %arg16[%swap3A_400, %swap3A_401] {strides = array<i32>} : memref<512x64xf32, #tpu.memory_space<vmem>>, vector<16xf32>,
      tpu.vector_store %arg16[%swap3A_400, %swap3A_401], %add3A_397 {strides = array<i32>} : memref<512x64xf32, #tpu.memory_space<vmem>>, vector<16xf32>,
      %get3A_403 = arith.index_cast %add3A_320 : i32 to index
      %get3A_404 = arith.constant 48 : index
      %get3A_405 = tpu.vector_load %arg17[%get3A_403, %get3A_404] {strides = array<i32>} : memref<336x64xf32, #tpu.memory_space<vmem>>, vector<16xf32>,
      %mul3A_406 = arith.mulf %div3A, %get3A_405 : vector<16xf32>
      %add3A_407 = arith.constant 128 : i32
      %add3A_408 = arith.addi %add3A_407, %add3A_320 : i32
      %get3A_409 = arith.index_cast %add3A_408 : i32 to index
      %get3A_410 = arith.constant 48 : index
      %get3A_411 = tpu.vector_load %arg17[%get3A_409, %get3A_410] {strides = array<i32>} : memref<336x64xf32, #tpu.memory_space<vmem>>, vector<16xf32>,
      %mul3A_412 = arith.mulf %div3A_25, %get3A_411 : vector<16xf32>
      %add3A_413 = arith.addf %mul3A_406, %mul3A_412 : vector<16xf32>
      %get3A_414 = arith.index_cast %add3A_320 : i32 to index
      %get3A_415 = arith.constant 48 : index
      %get3A_416 = tpu.vector_load %arg18[%get3A_414, %get3A_415] {strides = array<i32>} : memref<336x64xf32, #tpu.memory_space<vmem>>, vector<16xf32>,
      %mul3A_417 = arith.mulf %div3A_26, %get3A_416 : vector<16xf32>
      %add3A_418 = arith.addf %add3A_413, %mul3A_417 : vector<16xf32>
      %add3A_419 = arith.constant 128 : i32
      %add3A_420 = arith.addi %add3A_419, %add3A_320 : i32
      %get3A_421 = arith.index_cast %add3A_420 : i32 to index
      %get3A_422 = arith.constant 48 : index
      %get3A_423 = tpu.vector_load %arg18[%get3A_421, %get3A_422] {strides = array<i32>} : memref<336x64xf32, #tpu.memory_space<vmem>>, vector<16xf32>,
      %mul3A_424 = arith.mulf %div3A_27, %get3A_423 : vector<16xf32>
      %add3A_425 = arith.addf %add3A_418, %mul3A_424 : vector<16xf32>
      %add3A_426 = arith.constant 256 : i32
      %add3A_427 = arith.addi %add3A_426, %add3A_320 : i32
      %swap3A_428 = arith.index_cast %add3A_427 : i32 to index
      %swap3A_429 = arith.constant 48 : index
      %swap3A_430 = tpu.vector_load %arg16[%swap3A_428, %swap3A_429] {strides = array<i32>} : memref<512x64xf32, #tpu.memory_space<vmem>>, vector<16xf32>,
      tpu.vector_store %arg16[%swap3A_428, %swap3A_429], %add3A_425 {strides = array<i32>} : memref<512x64xf32, #tpu.memory_space<vmem>>, vector<16xf32>,
    }
    %scan3A_207 = arith.constant 128 : i32
    %dma_start3A_208 = arith.constant 0 : i32
    %dma_start3A_209 = arith.constant 0 : i32
    %dma_start3A_210 = tpu.memref_slice %arg17[%dma_start3A_208, %dma_start3A_209] : memref<336x64xf32, #tpu.memory_space<vmem>> -> memref<128x64xf32, #tpu.memory_space<vmem>>
    %dma_start3A_211 = arith.constant 384 : i32
    %dma_start3A_212 = tpu.memref_slice %arg20[%dma_start3A_211] : memref<512xi32, #tpu.memory_space<vmem>> -> memref<128xi32, #tpu.memory_space<vmem>>
    %dma_start3A_213 = arith.constant 0 : i32
    %dma_start3A_214 = arith.constant 0 : i32
    %dma_start3A_215 = tpu.memref_slice %arg8[%dma_start3A_213, %dma_start3A_214] : memref<1000000x64xf32, #tpu.memory_space<hbm>> -> memref<1000000x64xf32, #tpu.memory_space<hbm>>
    tpu.enqueue_indirect_dma source(%dma_start3A_215 : memref<1000000x64xf32, #tpu.memory_space<hbm>>) target(%dma_start3A_210 : memref<128x64xf32, #tpu.memory_space<vmem>>) offsets(%dma_start3A_212 : memref<128xi32, #tpu.memory_space<vmem>>) semaphore(%arg28 : memref<!tpu.dma_semaphore, #tpu.memory_space<semaphore_mem>>)
    %dma_start3A_216 = arith.constant 128 : i32
    %dma_start3A_217 = arith.constant 0 : i32
    %dma_start3A_218 = tpu.memref_slice %arg17[%dma_start3A_216, %dma_start3A_217] : memref<336x64xf32, #tpu.memory_space<vmem>> -> memref<128x64xf32, #tpu.memory_space<vmem>>
    %dma_start3A_219 = arith.constant 384 : i32
    %dma_start3A_220 = tpu.memref_slice %arg22[%dma_start3A_219] : memref<512xi32, #tpu.memory_space<vmem>> -> memref<128xi32, #tpu.memory_space<vmem>>
    %dma_start3A_221 = arith.constant 0 : i32
    %dma_start3A_222 = arith.constant 0 : i32
    %dma_start3A_223 = tpu.memref_slice %arg9[%dma_start3A_221, %dma_start3A_222] : memref<1000x64xf32, #tpu.memory_space<hbm>> -> memref<1000x64xf32, #tpu.memory_space<hbm>>
    tpu.enqueue_indirect_dma source(%dma_start3A_223 : memref<1000x64xf32, #tpu.memory_space<hbm>>) target(%dma_start3A_218 : memref<128x64xf32, #tpu.memory_space<vmem>>) offsets(%dma_start3A_220 : memref<128xi32, #tpu.memory_space<vmem>>) semaphore(%arg28 : memref<!tpu.dma_semaphore, #tpu.memory_space<semaphore_mem>>)
    %dma_start3A_224 = arith.constant 0 : i32
    %dma_start3A_225 = arith.constant 0 : i32
    %dma_start3A_226 = tpu.memref_slice %arg18[%dma_start3A_224, %dma_start3A_225] : memref<336x64xf32, #tpu.memory_space<vmem>> -> memref<128x64xf32, #tpu.memory_space<vmem>>
    %dma_start3A_227 = arith.constant 384 : i32
    %dma_start3A_228 = tpu.memref_slice %arg23[%dma_start3A_227] : memref<512xi32, #tpu.memory_space<vmem>> -> memref<128xi32, #tpu.memory_space<vmem>>
    %dma_start3A_229 = arith.constant 0 : i32
    %dma_start3A_230 = arith.constant 0 : i32
    %dma_start3A_231 = tpu.memref_slice %arg10[%dma_start3A_229, %dma_start3A_230] : memref<1000x64xf32, #tpu.memory_space<hbm>> -> memref<1000x64xf32, #tpu.memory_space<hbm>>
    tpu.enqueue_indirect_dma source(%dma_start3A_231 : memref<1000x64xf32, #tpu.memory_space<hbm>>) target(%dma_start3A_226 : memref<128x64xf32, #tpu.memory_space<vmem>>) offsets(%dma_start3A_228 : memref<128xi32, #tpu.memory_space<vmem>>) semaphore(%arg29 : memref<!tpu.dma_semaphore, #tpu.memory_space<semaphore_mem>>)
    %dma_start3A_232 = arith.constant 128 : i32
    %dma_start3A_233 = arith.constant 0 : i32
    %dma_start3A_234 = tpu.memref_slice %arg18[%dma_start3A_232, %dma_start3A_233] : memref<336x64xf32, #tpu.memory_space<vmem>> -> memref<128x64xf32, #tpu.memory_space<vmem>>
    %dma_start3A_235 = arith.constant 384 : i32
    %dma_start3A_236 = tpu.memref_slice %arg24[%dma_start3A_235] : memref<512xi32, #tpu.memory_space<vmem>> -> memref<128xi32, #tpu.memory_space<vmem>>
    %dma_start3A_237 = arith.constant 0 : i32
    %dma_start3A_238 = arith.constant 0 : i32
    %dma_start3A_239 = tpu.memref_slice %arg11[%dma_start3A_237, %dma_start3A_238] : memref<1000x64xf32, #tpu.memory_space<hbm>> -> memref<1000x64xf32, #tpu.memory_space<hbm>>
    tpu.enqueue_indirect_dma source(%dma_start3A_239 : memref<1000x64xf32, #tpu.memory_space<hbm>>) target(%dma_start3A_234 : memref<128x64xf32, #tpu.memory_space<vmem>>) offsets(%dma_start3A_236 : memref<128xi32, #tpu.memory_space<vmem>>) semaphore(%arg29 : memref<!tpu.dma_semaphore, #tpu.memory_space<semaphore_mem>>)
    %dma_wait3A_240 = arith.constant 0 : i32
    %dma_wait3A_241 = arith.constant 0 : i32
    %dma_wait3A_242 = tpu.memref_slice %arg17[%dma_wait3A_240, %dma_wait3A_241] : memref<336x64xf32, #tpu.memory_space<vmem>> -> memref<256x64xf32, #tpu.memory_space<vmem>>
    %dma_wait3A_243 = arith.constant 0 : i32
    %dma_wait3A_244 = arith.constant 0 : i32
    %dma_wait3A_245 = tpu.memref_slice %arg8[%dma_wait3A_243, %dma_wait3A_244] : memref<1000000x64xf32, #tpu.memory_space<hbm>> -> memref<256x64xf32, #tpu.memory_space<hbm>>
    %dma_wait3A_246 = arith.constant 0 : i32
    %dma_wait3A_247 = arith.constant 0 : i32
    %dma_wait3A_248 = tpu.memref_slice %arg17[%dma_wait3A_246, %dma_wait3A_247] : memref<336x64xf32, #tpu.memory_space<vmem>> -> memref<256x64xf32, #tpu.memory_space<vmem>>
    %dma_wait3A_249 = arith.constant 0 : i32
    %dma_wait3A_250 = arith.constant 0 : i32
    %dma_wait3A_251 = tpu.memref_slice %arg8[%dma_wait3A_249, %dma_wait3A_250] : memref<1000000x64xf32, #tpu.memory_space<hbm>> -> memref<256x64xf32, #tpu.memory_space<hbm>>
    tpu.wait_dma2 semaphore(%arg28 : memref<!tpu.dma_semaphore, #tpu.memory_space<semaphore_mem>>) src(%dma_wait3A_251 : memref<256x64xf32, #tpu.memory_space<hbm>>) dst(%dma_wait3A_248 : memref<256x64xf32, #tpu.memory_space<vmem>>)
    %dma_wait3A_252 = arith.constant 0 : i32
    %dma_wait3A_253 = arith.constant 0 : i32
    %dma_wait3A_254 = tpu.memref_slice %arg18[%dma_wait3A_252, %dma_wait3A_253] : memref<336x64xf32, #tpu.memory_space<vmem>> -> memref<256x64xf32, #tpu.memory_space<vmem>>
    %dma_wait3A_255 = arith.constant 0 : i32
    %dma_wait3A_256 = arith.constant 0 : i32
    %dma_wait3A_257 = tpu.memref_slice %arg8[%dma_wait3A_255, %dma_wait3A_256] : memref<1000000x64xf32, #tpu.memory_space<hbm>> -> memref<256x64xf32, #tpu.memory_space<hbm>>
    %dma_wait3A_258 = arith.constant 0 : i32
    %dma_wait3A_259 = arith.constant 0 : i32
    %dma_wait3A_260 = tpu.memref_slice %arg18[%dma_wait3A_258, %dma_wait3A_259] : memref<336x64xf32, #tpu.memory_space<vmem>> -> memref<256x64xf32, #tpu.memory_space<vmem>>
    %dma_wait3A_261 = arith.constant 0 : i32
    %dma_wait3A_262 = arith.constant 0 : i32
    %dma_wait3A_263 = tpu.memref_slice %arg8[%dma_wait3A_261, %dma_wait3A_262] : memref<1000000x64xf32, #tpu.memory_space<hbm>> -> memref<256x64xf32, #tpu.memory_space<hbm>>
    tpu.wait_dma2 semaphore(%arg29 : memref<!tpu.dma_semaphore, #tpu.memory_space<semaphore_mem>>) src(%dma_wait3A_263 : memref<256x64xf32, #tpu.memory_space<hbm>>) dst(%dma_wait3A_260 : memref<256x64xf32, #tpu.memory_space<vmem>>)
    %scan3A_264 = arith.constant 0 : i32
    %scan3A_265 = arith.constant 128 : i32
    %scan3A_266 = arith.addi %scan3A_264, %scan3A_265 : i32
    %scan3A_267 = arith.constant 1 : i32
    scf.for %scan3A_316 = %scan3A_264 to %scan3A_266 step %scan3A_267  : i32 {
      %mul3A_317 = arith.constant 1 : i32
      %mul3A_318 = arith.muli %scan3A_316, %mul3A_317 : i32
      %add3A_319 = arith.constant 0 : i32
      %add3A_320 = arith.addi %add3A_319, %mul3A_318 : i32
      %get3A = arith.index_cast %add3A_320 : i32 to index
      %get3A_321 = arith.constant 0 : index
      %get3A_322 = tpu.vector_load %arg17[%get3A, %get3A_321] {strides = array<i32>} : memref<336x64xf32, #tpu.memory_space<vmem>>, vector<16xf32>,
      %mul3A_323 = arith.mulf %div3A, %get3A_322 : vector<16xf32>
      %add3A_324 = arith.constant 128 : i32
      %add3A_325 = arith.addi %add3A_324, %add3A_320 : i32
      %get3A_326 = arith.index_cast %add3A_325 : i32 to index
      %get3A_327 = arith.constant 0 : index
      %get3A_328 = tpu.vector_load %arg17[%get3A_326, %get3A_327] {strides = array<i32>} : memref<336x64xf32, #tpu.memory_space<vmem>>, vector<16xf32>,
      %mul3A_329 = arith.mulf %div3A_25, %get3A_328 : vector<16xf32>
      %add3A_330 = arith.addf %mul3A_323, %mul3A_329 : vector<16xf32>
      %get3A_331 = arith.index_cast %add3A_320 : i32 to index
      %get3A_332 = arith.constant 0 : index
      %get3A_333 = tpu.vector_load %arg18[%get3A_331, %get3A_332] {strides = array<i32>} : memref<336x64xf32, #tpu.memory_space<vmem>>, vector<16xf32>,
      %mul3A_334 = arith.mulf %div3A_26, %get3A_333 : vector<16xf32>
      %add3A_335 = arith.addf %add3A_330, %mul3A_334 : vector<16xf32>
      %add3A_336 = arith.constant 128 : i32
      %add3A_337 = arith.addi %add3A_336, %add3A_320 : i32
      %get3A_338 = arith.index_cast %add3A_337 : i32 to index
      %get3A_339 = arith.constant 0 : index
      %get3A_340 = tpu.vector_load %arg18[%get3A_338, %get3A_339] {strides = array<i32>} : memref<336x64xf32, #tpu.memory_space<vmem>>, vector<16xf32>,
      %mul3A_341 = arith.mulf %div3A_27, %get3A_340 : vector<16xf32>
      %add3A_342 = arith.addf %add3A_335, %mul3A_341 : vector<16xf32>
      %add3A_343 = arith.constant 384 : i32
      %add3A_344 = arith.addi %add3A_343, %add3A_320 : i32
      %swap3A = arith.index_cast %add3A_344 : i32 to index
      %swap3A_345 = arith.constant 0 : index
      %swap3A_346 = tpu.vector_load %arg16[%swap3A, %swap3A_345] {strides = array<i32>} : memref<512x64xf32, #tpu.memory_space<vmem>>, vector<16xf32>,
      tpu.vector_store %arg16[%swap3A, %swap3A_345], %add3A_342 {strides = array<i32>} : memref<512x64xf32, #tpu.memory_space<vmem>>, vector<16xf32>,
      %get3A_347 = arith.index_cast %add3A_320 : i32 to index
      %get3A_348 = arith.constant 16 : index
      %get3A_349 = tpu.vector_load %arg17[%get3A_347, %get3A_348] {strides = array<i32>} : memref<336x64xf32, #tpu.memory_space<vmem>>, vector<16xf32>,
      %mul3A_350 = arith.mulf %div3A, %get3A_349 : vector<16xf32>
      %add3A_351 = arith.constant 128 : i32
      %add3A_352 = arith.addi %add3A_351, %add3A_320 : i32
      %get3A_353 = arith.index_cast %add3A_352 : i32 to index
      %get3A_354 = arith.constant 16 : index
      %get3A_355 = tpu.vector_load %arg17[%get3A_353, %get3A_354] {strides = array<i32>} : memref<336x64xf32, #tpu.memory_space<vmem>>, vector<16xf32>,
      %mul3A_356 = arith.mulf %div3A_25, %get3A_355 : vector<16xf32>
      %add3A_357 = arith.addf %mul3A_350, %mul3A_356 : vector<16xf32>
      %get3A_358 = arith.index_cast %add3A_320 : i32 to index
      %get3A_359 = arith.constant 16 : index
      %get3A_360 = tpu.vector_load %arg18[%get3A_358, %get3A_359] {strides = array<i32>} : memref<336x64xf32, #tpu.memory_space<vmem>>, vector<16xf32>,
      %mul3A_361 = arith.mulf %div3A_26, %get3A_360 : vector<16xf32>
      %add3A_362 = arith.addf %add3A_357, %mul3A_361 : vector<16xf32>
      %add3A_363 = arith.constant 128 : i32
      %add3A_364 = arith.addi %add3A_363, %add3A_320 : i32
      %get3A_365 = arith.index_cast %add3A_364 : i32 to index
      %get3A_366 = arith.constant 16 : index
      %get3A_367 = tpu.vector_load %arg18[%get3A_365, %get3A_366] {strides = array<i32>} : memref<336x64xf32, #tpu.memory_space<vmem>>, vector<16xf32>,
      %mul3A_368 = arith.mulf %div3A_27, %get3A_367 : vector<16xf32>
      %add3A_369 = arith.addf %add3A_362, %mul3A_368 : vector<16xf32>
      %add3A_370 = arith.constant 384 : i32
      %add3A_371 = arith.addi %add3A_370, %add3A_320 : i32
      %swap3A_372 = arith.index_cast %add3A_371 : i32 to index
      %swap3A_373 = arith.constant 16 : index
      %swap3A_374 = tpu.vector_load %arg16[%swap3A_372, %swap3A_373] {strides = array<i32>} : memref<512x64xf32, #tpu.memory_space<vmem>>, vector<16xf32>,
      tpu.vector_store %arg16[%swap3A_372, %swap3A_373], %add3A_369 {strides = array<i32>} : memref<512x64xf32, #tpu.memory_space<vmem>>, vector<16xf32>,
      %get3A_375 = arith.index_cast %add3A_320 : i32 to index
      %get3A_376 = arith.constant 32 : index
      %get3A_377 = tpu.vector_load %arg17[%get3A_375, %get3A_376] {strides = array<i32>} : memref<336x64xf32, #tpu.memory_space<vmem>>, vector<16xf32>,
      %mul3A_378 = arith.mulf %div3A, %get3A_377 : vector<16xf32>
      %add3A_379 = arith.constant 128 : i32
      %add3A_380 = arith.addi %add3A_379, %add3A_320 : i32
      %get3A_381 = arith.index_cast %add3A_380 : i32 to index
      %get3A_382 = arith.constant 32 : index
      %get3A_383 = tpu.vector_load %arg17[%get3A_381, %get3A_382] {strides = array<i32>} : memref<336x64xf32, #tpu.memory_space<vmem>>, vector<16xf32>,
      %mul3A_384 = arith.mulf %div3A_25, %get3A_383 : vector<16xf32>
      %add3A_385 = arith.addf %mul3A_378, %mul3A_384 : vector<16xf32>
      %get3A_386 = arith.index_cast %add3A_320 : i32 to index
      %get3A_387 = arith.constant 32 : index
      %get3A_388 = tpu.vector_load %arg18[%get3A_386, %get3A_387] {strides = array<i32>} : memref<336x64xf32, #tpu.memory_space<vmem>>, vector<16xf32>,
      %mul3A_389 = arith.mulf %div3A_26, %get3A_388 : vector<16xf32>
      %add3A_390 = arith.addf %add3A_385, %mul3A_389 : vector<16xf32>
      %add3A_391 = arith.constant 128 : i32
      %add3A_392 = arith.addi %add3A_391, %add3A_320 : i32
      %get3A_393 = arith.index_cast %add3A_392 : i32 to index
      %get3A_394 = arith.constant 32 : index
      %get3A_395 = tpu.vector_load %arg18[%get3A_393, %get3A_394] {strides = array<i32>} : memref<336x64xf32, #tpu.memory_space<vmem>>, vector<16xf32>,
      %mul3A_396 = arith.mulf %div3A_27, %get3A_395 : vector<16xf32>
      %add3A_397 = arith.addf %add3A_390, %mul3A_396 : vector<16xf32>
      %add3A_398 = arith.constant 384 : i32
      %add3A_399 = arith.addi %add3A_398, %add3A_320 : i32
      %swap3A_400 = arith.index_cast %add3A_399 : i32 to index
      %swap3A_401 = arith.constant 32 : index
      %swap3A_402 = tpu.vector_load %arg16[%swap3A_400, %swap3A_401] {strides = array<i32>} : memref<512x64xf32, #tpu.memory_space<vmem>>, vector<16xf32>,
      tpu.vector_store %arg16[%swap3A_400, %swap3A_401], %add3A_397 {strides = array<i32>} : memref<512x64xf32, #tpu.memory_space<vmem>>, vector<16xf32>,
      %get3A_403 = arith.index_cast %add3A_320 : i32 to index
      %get3A_404 = arith.constant 48 : index
      %get3A_405 = tpu.vector_load %arg17[%get3A_403, %get3A_404] {strides = array<i32>} : memref<336x64xf32, #tpu.memory_space<vmem>>, vector<16xf32>,
      %mul3A_406 = arith.mulf %div3A, %get3A_405 : vector<16xf32>
      %add3A_407 = arith.constant 128 : i32
      %add3A_408 = arith.addi %add3A_407, %add3A_320 : i32
      %get3A_409 = arith.index_cast %add3A_408 : i32 to index
      %get3A_410 = arith.constant 48 : index
      %get3A_411 = tpu.vector_load %arg17[%get3A_409, %get3A_410] {strides = array<i32>} : memref<336x64xf32, #tpu.memory_space<vmem>>, vector<16xf32>,
      %mul3A_412 = arith.mulf %div3A_25, %get3A_411 : vector<16xf32>
      %add3A_413 = arith.addf %mul3A_406, %mul3A_412 : vector<16xf32>
      %get3A_414 = arith.index_cast %add3A_320 : i32 to index
      %get3A_415 = arith.constant 48 : index
      %get3A_416 = tpu.vector_load %arg18[%get3A_414, %get3A_415] {strides = array<i32>} : memref<336x64xf32, #tpu.memory_space<vmem>>, vector<16xf32>,
      %mul3A_417 = arith.mulf %div3A_26, %get3A_416 : vector<16xf32>
      %add3A_418 = arith.addf %add3A_413, %mul3A_417 : vector<16xf32>
      %add3A_419 = arith.constant 128 : i32
      %add3A_420 = arith.addi %add3A_419, %add3A_320 : i32
      %get3A_421 = arith.index_cast %add3A_420 : i32 to index
      %get3A_422 = arith.constant 48 : index
      %get3A_423 = tpu.vector_load %arg18[%get3A_421, %get3A_422] {strides = array<i32>} : memref<336x64xf32, #tpu.memory_space<vmem>>, vector<16xf32>,
      %mul3A_424 = arith.mulf %div3A_27, %get3A_423 : vector<16xf32>
      %add3A_425 = arith.addf %add3A_418, %mul3A_424 : vector<16xf32>
      %add3A_426 = arith.constant 384 : i32
      %add3A_427 = arith.addi %add3A_426, %add3A_320 : i32
      %swap3A_428 = arith.index_cast %add3A_427 : i32 to index
      %swap3A_429 = arith.constant 48 : index
      %swap3A_430 = tpu.vector_load %arg16[%swap3A_428, %swap3A_429] {strides = array<i32>} : memref<512x64xf32, #tpu.memory_space<vmem>>, vector<16xf32>,
      tpu.vector_store %arg16[%swap3A_428, %swap3A_429], %add3A_425 {strides = array<i32>} : memref<512x64xf32, #tpu.memory_space<vmem>>, vector<16xf32>,
    }
    %scan3A_268 = arith.constant 128 : i32
    %mul3A_269 = arith.constant 20 : i32
    %mul3A_270 = vector.broadcast %mul3A_269 : i32 to vector<16xi32>
    %mul3A_271 = arith.muli %iota3A, %mul3A_270 : vector<16xi32>
    %add3A_272 = arith.constant 16 : i32
    %add3A_273 = vector.broadcast %add3A_272 : i32 to vector<16xi32>
    %add3A_274 = arith.addi %add3A_273, %mul3A_271 : vector<16xi32>
    %multiple_of3A_275 = arith.constant 0 : i32
    %multiple_of3A_276 = tpu.assume_multiple %multiple_of3A_275, 8 : i32
    %multiple_of3A_277 = arith.constant 0 : i32
    %multiple_of3A_278 = tpu.assume_multiple %multiple_of3A_277, 8 : i32
    %dma_start3A_279 = arith.constant 0 : i32
    %dma_start3A_280 = arith.constant 0 : i32
    %dma_start3A_281 = tpu.memref_slice %arg17[%dma_start3A_279, %dma_start3A_280] : memref<336x64xf32, #tpu.memory_space<vmem>> -> memref<16x64xf32, #tpu.memory_space<vmem>>
    %dma_start3A_282 = tpu.memref_slice %arg21[%multiple_of3A_276] : memref<512xi32, #tpu.memory_space<vmem>> -> memref<16xi32, #tpu.memory_space<vmem>>
    %dma_start3A_283 = arith.constant 0 : i32
    %dma_start3A_284 = arith.constant 0 : i32
    %dma_start3A_285 = tpu.memref_slice %arg12[%dma_start3A_283, %dma_start3A_284] : memref<1000000x64xf32, #tpu.memory_space<hbm>> -> memref<1000000x64xf32, #tpu.memory_space<hbm>>
    tpu.enqueue_indirect_dma source(%dma_start3A_285 : memref<1000000x64xf32, #tpu.memory_space<hbm>>) target(%dma_start3A_281 : memref<16x64xf32, #tpu.memory_space<vmem>>) offsets(%dma_start3A_282 : memref<16xi32, #tpu.memory_space<vmem>>) semaphore(%arg28 : memref<!tpu.dma_semaphore, #tpu.memory_space<semaphore_mem>>)
    %dma_start3A_286 = arith.constant 16 : i32
    %dma_start3A_287 = arith.constant 0 : i32
    %dma_start3A_288 = tpu.memref_slice %arg17[%dma_start3A_286, %dma_start3A_287] : memref<336x64xf32, #tpu.memory_space<vmem>> -> memref<128x64xf32, #tpu.memory_space<vmem>>
    %dma_start3A_289 = tpu.memref_slice %arg19[%multiple_of3A_278] : memref<10240xi32, #tpu.memory_space<vmem>> -> memref<128xi32, #tpu.memory_space<vmem>>
    %dma_start3A_290 = arith.constant 0 : i32
    %dma_start3A_291 = arith.constant 0 : i32
    %dma_start3A_292 = tpu.memref_slice %arg12[%dma_start3A_290, %dma_start3A_291] : memref<1000000x64xf32, #tpu.memory_space<hbm>> -> memref<1000000x64xf32, #tpu.memory_space<hbm>>
    tpu.enqueue_indirect_dma source(%dma_start3A_292 : memref<1000000x64xf32, #tpu.memory_space<hbm>>) target(%dma_start3A_288 : memref<128x64xf32, #tpu.memory_space<vmem>>) offsets(%dma_start3A_289 : memref<128xi32, #tpu.memory_space<vmem>>) semaphore(%arg28 : memref<!tpu.dma_semaphore, #tpu.memory_space<semaphore_mem>>)
    %add3A_293 = arith.constant 128 : i32
    %add3A_294 = arith.addi %multiple_of3A_278, %add3A_293 : i32
    %dma_start3A_295 = arith.constant 144 : i32
    %dma_start3A_296 = arith.constant 0 : i32
    %dma_start3A_297 = tpu.memref_slice %arg17[%dma_start3A_295, %dma_start3A_296] : memref<336x64xf32, #tpu.memory_space<vmem>> -> memref<128x64xf32, #tpu.memory_space<vmem>>
    %dma_start3A_298 = tpu.memref_slice %arg19[%add3A_294] : memref<10240xi32, #tpu.memory_space<vmem>> -> memref<128xi32, #tpu.memory_space<vmem>>
    %dma_start3A_299 = arith.constant 0 : i32
    %dma_start3A_300 = arith.constant 0 : i32
    %dma_start3A_301 = tpu.memref_slice %arg12[%dma_start3A_299, %dma_start3A_300] : memref<1000000x64xf32, #tpu.memory_space<hbm>> -> memref<1000000x64xf32, #tpu.memory_space<hbm>>
    tpu.enqueue_indirect_dma source(%dma_start3A_301 : memref<1000000x64xf32, #tpu.memory_space<hbm>>) target(%dma_start3A_297 : memref<128x64xf32, #tpu.memory_space<vmem>>) offsets(%dma_start3A_298 : memref<128xi32, #tpu.memory_space<vmem>>) semaphore(%arg28 : memref<!tpu.dma_semaphore, #tpu.memory_space<semaphore_mem>>)
    %add3A_302 = arith.constant 256 : i32
    %add3A_303 = arith.addi %multiple_of3A_278, %add3A_302 : i32
    %dma_start3A_304 = arith.constant 272 : i32
    %dma_start3A_305 = arith.constant 0 : i32
    %dma_start3A_306 = tpu.memref_slice %arg17[%dma_start3A_304, %dma_start3A_305] : memref<336x64xf32, #tpu.memory_space<vmem>> -> memref<64x64xf32, #tpu.memory_space<vmem>>
    %dma_start3A_307 = tpu.memref_slice %arg19[%add3A_303] : memref<10240xi32, #tpu.memory_space<vmem>> -> memref<64xi32, #tpu.memory_space<vmem>>
    %dma_start3A_308 = arith.constant 0 : i32
    %dma_start3A_309 = arith.constant 0 : i32
    %dma_start3A_310 = tpu.memref_slice %arg12[%dma_start3A_308, %dma_start3A_309] : memref<1000000x64xf32, #tpu.memory_space<hbm>> -> memref<1000000x64xf32, #tpu.memory_space<hbm>>
    tpu.enqueue_indirect_dma source(%dma_start3A_310 : memref<1000000x64xf32, #tpu.memory_space<hbm>>) target(%dma_start3A_306 : memref<64x64xf32, #tpu.memory_space<vmem>>) offsets(%dma_start3A_307 : memref<64xi32, #tpu.memory_space<vmem>>) semaphore(%arg28 : memref<!tpu.dma_semaphore, #tpu.memory_space<semaphore_mem>>)
    %scan3A_311 = arith.constant 0 : i32
    %scan3A_312 = arith.constant 16 : i32
    %scan3A_313 = arith.addi %scan3A_311, %scan3A_312 : i32
    %scan3A_314 = arith.constant 1 : i32
    scf.for %scan3A_316 = %scan3A_311 to %scan3A_313 step %scan3A_314  : i32 {
      %mul3A_317 = arith.constant 2 : i32
      %mul3A_318 = arith.muli %scan3A_316, %mul3A_317 : i32
      %add3A_319 = arith.constant 0 : i32
      %add3A_320 = arith.addi %add3A_319, %mul3A_318 : i32
      %add3A_321 = arith.constant 1 : i32
      %add3A_322 = arith.addi %add3A_320, %add3A_321 : i32
      %mul3A_323 = arith.constant 16 : i32
      %mul3A_324 = arith.muli %add3A_322, %mul3A_323 : i32
      %multiple_of3A_325 = tpu.assume_multiple %mul3A_324, 8 : i32
      %mul3A_326 = arith.constant 320 : i32
      %mul3A_327 = arith.muli %add3A_322, %mul3A_326 : i32
      %multiple_of3A_328 = tpu.assume_multiple %mul3A_327, 8 : i32
      %dma_start3A_329 = arith.constant 0 : i32
      %dma_start3A_330 = arith.constant 0 : i32
      %dma_start3A_331 = tpu.memref_slice %arg18[%dma_start3A_329, %dma_start3A_330] : memref<336x64xf32, #tpu.memory_space<vmem>> -> memref<16x64xf32, #tpu.memory_space<vmem>>
      %dma_start3A_332 = tpu.memref_slice %arg21[%multiple_of3A_325] : memref<512xi32, #tpu.memory_space<vmem>> -> memref<16xi32, #tpu.memory_space<vmem>>
      %dma_start3A_333 = arith.constant 0 : i32
      %dma_start3A_334 = arith.constant 0 : i32
      %dma_start3A_335 = tpu.memref_slice %arg12[%dma_start3A_333, %dma_start3A_334] : memref<1000000x64xf32, #tpu.memory_space<hbm>> -> memref<1000000x64xf32, #tpu.memory_space<hbm>>
      tpu.enqueue_indirect_dma source(%dma_start3A_335 : memref<1000000x64xf32, #tpu.memory_space<hbm>>) target(%dma_start3A_331 : memref<16x64xf32, #tpu.memory_space<vmem>>) offsets(%dma_start3A_332 : memref<16xi32, #tpu.memory_space<vmem>>) semaphore(%arg29 : memref<!tpu.dma_semaphore, #tpu.memory_space<semaphore_mem>>)
      %dma_start3A_336 = arith.constant 16 : i32
      %dma_start3A_337 = arith.constant 0 : i32
      %dma_start3A_338 = tpu.memref_slice %arg18[%dma_start3A_336, %dma_start3A_337] : memref<336x64xf32, #tpu.memory_space<vmem>> -> memref<128x64xf32, #tpu.memory_space<vmem>>
      %dma_start3A_339 = tpu.memref_slice %arg19[%multiple_of3A_328] : memref<10240xi32, #tpu.memory_space<vmem>> -> memref<128xi32, #tpu.memory_space<vmem>>
      %dma_start3A_340 = arith.constant 0 : i32
      %dma_start3A_341 = arith.constant 0 : i32
      %dma_start3A_342 = tpu.memref_slice %arg12[%dma_start3A_340, %dma_start3A_341] : memref<1000000x64xf32, #tpu.memory_space<hbm>> -> memref<1000000x64xf32, #tpu.memory_space<hbm>>
      tpu.enqueue_indirect_dma source(%dma_start3A_342 : memref<1000000x64xf32, #tpu.memory_space<hbm>>) target(%dma_start3A_338 : memref<128x64xf32, #tpu.memory_space<vmem>>) offsets(%dma_start3A_339 : memref<128xi32, #tpu.memory_space<vmem>>) semaphore(%arg29 : memref<!tpu.dma_semaphore, #tpu.memory_space<semaphore_mem>>)
      %add3A_343 = arith.constant 128 : i32
      %add3A_344 = arith.addi %multiple_of3A_328, %add3A_343 : i32
      %dma_start3A_345 = arith.constant 144 : i32
      %dma_start3A_346 = arith.constant 0 : i32
      %dma_start3A_347 = tpu.memref_slice %arg18[%dma_start3A_345, %dma_start3A_346] : memref<336x64xf32, #tpu.memory_space<vmem>> -> memref<128x64xf32, #tpu.memory_space<vmem>>
      %dma_start3A_348 = tpu.memref_slice %arg19[%add3A_344] : memref<10240xi32, #tpu.memory_space<vmem>> -> memref<128xi32, #tpu.memory_space<vmem>>
      %dma_start3A_349 = arith.constant 0 : i32
      %dma_start3A_350 = arith.constant 0 : i32
      %dma_start3A_351 = tpu.memref_slice %arg12[%dma_start3A_349, %dma_start3A_350] : memref<1000000x64xf32, #tpu.memory_space<hbm>> -> memref<1000000x64xf32, #tpu.memory_space<hbm>>
      tpu.enqueue_indirect_dma source(%dma_start3A_351 : memref<1000000x64xf32, #tpu.memory_space<hbm>>) target(%dma_start3A_347 : memref<128x64xf32, #tpu.memory_space<vmem>>) offsets(%dma_start3A_348 : memref<128xi32, #tpu.memory_space<vmem>>) semaphore(%arg29 : memref<!tpu.dma_semaphore, #tpu.memory_space<semaphore_mem>>)
      %add3A_352 = arith.constant 256 : i32
      %add3A_353 = arith.addi %multiple_of3A_328, %add3A_352 : i32
      %dma_start3A_354 = arith.constant 272 : i32
      %dma_start3A_355 = arith.constant 0 : i32
      %dma_start3A_356 = tpu.memref_slice %arg18[%dma_start3A_354, %dma_start3A_355] : memref<336x64xf32, #tpu.memory_space<vmem>> -> memref<64x64xf32, #tpu.memory_space<vmem>>
      %dma_start3A_357 = tpu.memref_slice %arg19[%add3A_353] : memref<10240xi32, #tpu.memory_space<vmem>> -> memref<64xi32, #tpu.memory_space<vmem>>
      %dma_start3A_358 = arith.constant 0 : i32
      %dma_start3A_359 = arith.constant 0 : i32
      %dma_start3A_360 = tpu.memref_slice %arg12[%dma_start3A_358, %dma_start3A_359] : memref<1000000x64xf32, #tpu.memory_space<hbm>> -> memref<1000000x64xf32, #tpu.memory_space<hbm>>
      tpu.enqueue_indirect_dma source(%dma_start3A_360 : memref<1000000x64xf32, #tpu.memory_space<hbm>>) target(%dma_start3A_356 : memref<64x64xf32, #tpu.memory_space<vmem>>) offsets(%dma_start3A_357 : memref<64xi32, #tpu.memory_space<vmem>>) semaphore(%arg29 : memref<!tpu.dma_semaphore, #tpu.memory_space<semaphore_mem>>)
      %dma_wait3A_361 = arith.constant 0 : i32
      %dma_wait3A_362 = arith.constant 0 : i32
      %dma_wait3A_363 = tpu.memref_slice %arg12[%dma_wait3A_361, %dma_wait3A_362] : memref<1000000x64xf32, #tpu.memory_space<hbm>> -> memref<336x64xf32, #tpu.memory_space<hbm>>
      %dma_wait3A_364 = arith.constant 0 : i32
      %dma_wait3A_365 = arith.constant 0 : i32
      %dma_wait3A_366 = tpu.memref_slice %arg12[%dma_wait3A_364, %dma_wait3A_365] : memref<1000000x64xf32, #tpu.memory_space<hbm>> -> memref<336x64xf32, #tpu.memory_space<hbm>>
      tpu.wait_dma2 semaphore(%arg28 : memref<!tpu.dma_semaphore, #tpu.memory_space<semaphore_mem>>) src(%dma_wait3A_366 : memref<336x64xf32, #tpu.memory_space<hbm>>) dst(%arg17 : memref<336x64xf32, #tpu.memory_space<vmem>>)
      %mul3A_367 = arith.constant 16 : i32
      %mul3A_368 = arith.muli %add3A_320, %mul3A_367 : i32
      %add3A_369 = vector.broadcast %mul3A_368 : i32 to vector<16xi32>
      %add3A_370 = arith.addi %add3A_369, %iota3A : vector<16xi32>
      %broadcast_in_dim3A_371 = arith.constant 0.000000e+00 : f32
      %broadcast_in_dim3A_372 = vector.broadcast %broadcast_in_dim3A_371 : f32 to vector<16xf32>
      %scan3A_373 = arith.constant 0 : i32
      %scan3A_374 = arith.constant 64 : i32
      %scan3A_375 = arith.addi %scan3A_373, %scan3A_374 : i32
      %scan3A_376 = arith.constant 1 : i32
      %scan3A_377:21 = scf.for %scan3A_692 = %scan3A_373 to %scan3A_375 step %scan3A_376 iter_args(%scan3A_693 = %broadcast_in_dim3A_372, %scan3A_694 = %broadcast_in_dim3A_372, %scan3A_695 = %broadcast_in_dim3A_372, %scan3A_696 = %broadcast_in_dim3A_372, %scan3A_697 = %broadcast_in_dim3A_372, %scan3A_698 = %broadcast_in_dim3A_372, %scan3A_699 = %broadcast_in_dim3A_372, %scan3A_700 = %broadcast_in_dim3A_372, %scan3A_701 = %broadcast_in_dim3A_372, %scan3A_702 = %broadcast_in_dim3A_372, %scan3A_703 = %broadcast_in_dim3A_372, %scan3A_704 = %broadcast_in_dim3A_372, %scan3A_705 = %broadcast_in_dim3A_372, %scan3A_706 = %broadcast_in_dim3A_372, %scan3A_707 = %broadcast_in_dim3A_372, %scan3A_708 = %broadcast_in_dim3A_372, %scan3A_709 = %broadcast_in_dim3A_372, %scan3A_710 = %broadcast_in_dim3A_372, %scan3A_711 = %broadcast_in_dim3A_372, %scan3A_712 = %broadcast_in_dim3A_372, %scan3A_713 = %broadcast_in_dim3A_372) -> (vector<16xf32>, vector<16xf32>, vector<16xf32>, vector<16xf32>, vector<16xf32>, vector<16xf32>, vector<16xf32>, vector<16xf32>, vector<16xf32>, vector<16xf32>, vector<16xf32>, vector<16xf32>, vector<16xf32>, vector<16xf32>, vector<16xf32>, vector<16xf32>, vector<16xf32>, vector<16xf32>, vector<16xf32>, vector<16xf32>, vector<16xf32>)  : i32 {
        %mul3A_714 = arith.constant 1 : i32
        %mul3A_715 = arith.muli %scan3A_692, %mul3A_714 : i32
        %add3A_716 = arith.constant 0 : i32
        %add3A_717 = arith.addi %add3A_716, %mul3A_715 : i32
        %broadcast_in_dim3A_718 = vector.broadcast %add3A_717 : i32 to vector<16xi32>
        %gather3A_719 = tpu.vector_load_idx %arg16[%add3A_370, %broadcast_in_dim3A_718] : memref<512x64xf32, #tpu.memory_space<vmem>>[vector<16xi32>, vector<16xi32>], vector<16xf32>,
        %gather3A_720 = tpu.vector_load_idx %arg17[%iota3A, %broadcast_in_dim3A_718] : memref<336x64xf32, #tpu.memory_space<vmem>>[vector<16xi32>, vector<16xi32>], vector<16xf32>,
        %mul3A_721 = arith.mulf %gather3A_719, %gather3A_720 : vector<16xf32>
        %add3A_722 = arith.addf %scan3A_693, %mul3A_721 : vector<16xf32>
        %add3A_723 = arith.constant 0 : i32
        %add3A_724 = vector.broadcast %add3A_723 : i32 to vector<16xi32>
        %add3A_725 = arith.addi %add3A_274, %add3A_724 : vector<16xi32>
        %gather3A_726 = tpu.vector_load_idx %arg17[%add3A_725, %broadcast_in_dim3A_718] : memref<336x64xf32, #tpu.memory_space<vmem>>[vector<16xi32>, vector<16xi32>], vector<16xf32>,
        %mul3A_727 = arith.mulf %gather3A_719, %gather3A_726 : vector<16xf32>
        %add3A_728 = arith.addf %scan3A_694, %mul3A_727 : vector<16xf32>
        %add3A_729 = arith.constant 1 : i32
        %add3A_730 = vector.broadcast %add3A_729 : i32 to vector<16xi32>
        %add3A_731 = arith.addi %add3A_274, %add3A_730 : vector<16xi32>
        %gather3A_732 = tpu.vector_load_idx %arg17[%add3A_731, %broadcast_in_dim3A_718] : memref<336x64xf32, #tpu.memory_space<vmem>>[vector<16xi32>, vector<16xi32>], vector<16xf32>,
        %mul3A_733 = arith.mulf %gather3A_719, %gather3A_732 : vector<16xf32>
        %add3A_734 = arith.addf %scan3A_695, %mul3A_733 : vector<16xf32>
        %add3A_735 = arith.constant 2 : i32
        %add3A_736 = vector.broadcast %add3A_735 : i32 to vector<16xi32>
        %add3A_737 = arith.addi %add3A_274, %add3A_736 : vector<16xi32>
        %gather3A_738 = tpu.vector_load_idx %arg17[%add3A_737, %broadcast_in_dim3A_718] : memref<336x64xf32, #tpu.memory_space<vmem>>[vector<16xi32>, vector<16xi32>], vector<16xf32>,
        %mul3A_739 = arith.mulf %gather3A_719, %gather3A_738 : vector<16xf32>
        %add3A_740 = arith.addf %scan3A_696, %mul3A_739 : vector<16xf32>
        %add3A_741 = arith.constant 3 : i32
        %add3A_742 = vector.broadcast %add3A_741 : i32 to vector<16xi32>
        %add3A_743 = arith.addi %add3A_274, %add3A_742 : vector<16xi32>
        %gather3A_744 = tpu.vector_load_idx %arg17[%add3A_743, %broadcast_in_dim3A_718] : memref<336x64xf32, #tpu.memory_space<vmem>>[vector<16xi32>, vector<16xi32>], vector<16xf32>,
        %mul3A_745 = arith.mulf %gather3A_719, %gather3A_744 : vector<16xf32>
        %add3A_746 = arith.addf %scan3A_697, %mul3A_745 : vector<16xf32>
        %add3A_747 = arith.constant 4 : i32
        %add3A_748 = vector.broadcast %add3A_747 : i32 to vector<16xi32>
        %add3A_749 = arith.addi %add3A_274, %add3A_748 : vector<16xi32>
        %gather3A_750 = tpu.vector_load_idx %arg17[%add3A_749, %broadcast_in_dim3A_718] : memref<336x64xf32, #tpu.memory_space<vmem>>[vector<16xi32>, vector<16xi32>], vector<16xf32>,
        %mul3A_751 = arith.mulf %gather3A_719, %gather3A_750 : vector<16xf32>
        %add3A_752 = arith.addf %scan3A_698, %mul3A_751 : vector<16xf32>
        %add3A_753 = arith.constant 5 : i32
        %add3A_754 = vector.broadcast %add3A_753 : i32 to vector<16xi32>
        %add3A_755 = arith.addi %add3A_274, %add3A_754 : vector<16xi32>
        %gather3A_756 = tpu.vector_load_idx %arg17[%add3A_755, %broadcast_in_dim3A_718] : memref<336x64xf32, #tpu.memory_space<vmem>>[vector<16xi32>, vector<16xi32>], vector<16xf32>,
        %mul3A_757 = arith.mulf %gather3A_719, %gather3A_756 : vector<16xf32>
        %add3A_758 = arith.addf %scan3A_699, %mul3A_757 : vector<16xf32>
        %add3A_759 = arith.constant 6 : i32
        %add3A_760 = vector.broadcast %add3A_759 : i32 to vector<16xi32>
        %add3A_761 = arith.addi %add3A_274, %add3A_760 : vector<16xi32>
        %gather3A_762 = tpu.vector_load_idx %arg17[%add3A_761, %broadcast_in_dim3A_718] : memref<336x64xf32, #tpu.memory_space<vmem>>[vector<16xi32>, vector<16xi32>], vector<16xf32>,
        %mul3A_763 = arith.mulf %gather3A_719, %gather3A_762 : vector<16xf32>
        %add3A_764 = arith.addf %scan3A_700, %mul3A_763 : vector<16xf32>
        %add3A_765 = arith.constant 7 : i32
        %add3A_766 = vector.broadcast %add3A_765 : i32 to vector<16xi32>
        %add3A_767 = arith.addi %add3A_274, %add3A_766 : vector<16xi32>
        %gather3A_768 = tpu.vector_load_idx %arg17[%add3A_767, %broadcast_in_dim3A_718] : memref<336x64xf32, #tpu.memory_space<vmem>>[vector<16xi32>, vector<16xi32>], vector<16xf32>,
        %mul3A_769 = arith.mulf %gather3A_719, %gather3A_768 : vector<16xf32>
        %add3A_770 = arith.addf %scan3A_701, %mul3A_769 : vector<16xf32>
        %add3A_771 = arith.constant 8 : i32
        %add3A_772 = vector.broadcast %add3A_771 : i32 to vector<16xi32>
        %add3A_773 = arith.addi %add3A_274, %add3A_772 : vector<16xi32>
        %gather3A_774 = tpu.vector_load_idx %arg17[%add3A_773, %broadcast_in_dim3A_718] : memref<336x64xf32, #tpu.memory_space<vmem>>[vector<16xi32>, vector<16xi32>], vector<16xf32>,
        %mul3A_775 = arith.mulf %gather3A_719, %gather3A_774 : vector<16xf32>
        %add3A_776 = arith.addf %scan3A_702, %mul3A_775 : vector<16xf32>
        %add3A_777 = arith.constant 9 : i32
        %add3A_778 = vector.broadcast %add3A_777 : i32 to vector<16xi32>
        %add3A_779 = arith.addi %add3A_274, %add3A_778 : vector<16xi32>
        %gather3A_780 = tpu.vector_load_idx %arg17[%add3A_779, %broadcast_in_dim3A_718] : memref<336x64xf32, #tpu.memory_space<vmem>>[vector<16xi32>, vector<16xi32>], vector<16xf32>,
        %mul3A_781 = arith.mulf %gather3A_719, %gather3A_780 : vector<16xf32>
        %add3A_782 = arith.addf %scan3A_703, %mul3A_781 : vector<16xf32>
        %add3A_783 = arith.constant 10 : i32
        %add3A_784 = vector.broadcast %add3A_783 : i32 to vector<16xi32>
        %add3A_785 = arith.addi %add3A_274, %add3A_784 : vector<16xi32>
        %gather3A_786 = tpu.vector_load_idx %arg17[%add3A_785, %broadcast_in_dim3A_718] : memref<336x64xf32, #tpu.memory_space<vmem>>[vector<16xi32>, vector<16xi32>], vector<16xf32>,
        %mul3A_787 = arith.mulf %gather3A_719, %gather3A_786 : vector<16xf32>
        %add3A_788 = arith.addf %scan3A_704, %mul3A_787 : vector<16xf32>
        %add3A_789 = arith.constant 11 : i32
        %add3A_790 = vector.broadcast %add3A_789 : i32 to vector<16xi32>
        %add3A_791 = arith.addi %add3A_274, %add3A_790 : vector<16xi32>
        %gather3A_792 = tpu.vector_load_idx %arg17[%add3A_791, %broadcast_in_dim3A_718] : memref<336x64xf32, #tpu.memory_space<vmem>>[vector<16xi32>, vector<16xi32>], vector<16xf32>,
        %mul3A_793 = arith.mulf %gather3A_719, %gather3A_792 : vector<16xf32>
        %add3A_794 = arith.addf %scan3A_705, %mul3A_793 : vector<16xf32>
        %add3A_795 = arith.constant 12 : i32
        %add3A_796 = vector.broadcast %add3A_795 : i32 to vector<16xi32>
        %add3A_797 = arith.addi %add3A_274, %add3A_796 : vector<16xi32>
        %gather3A_798 = tpu.vector_load_idx %arg17[%add3A_797, %broadcast_in_dim3A_718] : memref<336x64xf32, #tpu.memory_space<vmem>>[vector<16xi32>, vector<16xi32>], vector<16xf32>,
        %mul3A_799 = arith.mulf %gather3A_719, %gather3A_798 : vector<16xf32>
        %add3A_800 = arith.addf %scan3A_706, %mul3A_799 : vector<16xf32>
        %add3A_801 = arith.constant 13 : i32
        %add3A_802 = vector.broadcast %add3A_801 : i32 to vector<16xi32>
        %add3A_803 = arith.addi %add3A_274, %add3A_802 : vector<16xi32>
        %gather3A_804 = tpu.vector_load_idx %arg17[%add3A_803, %broadcast_in_dim3A_718] : memref<336x64xf32, #tpu.memory_space<vmem>>[vector<16xi32>, vector<16xi32>], vector<16xf32>,
        %mul3A_805 = arith.mulf %gather3A_719, %gather3A_804 : vector<16xf32>
        %add3A_806 = arith.addf %scan3A_707, %mul3A_805 : vector<16xf32>
        %add3A_807 = arith.constant 14 : i32
        %add3A_808 = vector.broadcast %add3A_807 : i32 to vector<16xi32>
        %add3A_809 = arith.addi %add3A_274, %add3A_808 : vector<16xi32>
        %gather3A_810 = tpu.vector_load_idx %arg17[%add3A_809, %broadcast_in_dim3A_718] : memref<336x64xf32, #tpu.memory_space<vmem>>[vector<16xi32>, vector<16xi32>], vector<16xf32>,
        %mul3A_811 = arith.mulf %gather3A_719, %gather3A_810 : vector<16xf32>
        %add3A_812 = arith.addf %scan3A_708, %mul3A_811 : vector<16xf32>
        %add3A_813 = arith.constant 15 : i32
        %add3A_814 = vector.broadcast %add3A_813 : i32 to vector<16xi32>
        %add3A_815 = arith.addi %add3A_274, %add3A_814 : vector<16xi32>
        %gather3A_816 = tpu.vector_load_idx %arg17[%add3A_815, %broadcast_in_dim3A_718] : memref<336x64xf32, #tpu.memory_space<vmem>>[vector<16xi32>, vector<16xi32>], vector<16xf32>,
        %mul3A_817 = arith.mulf %gather3A_719, %gather3A_816 : vector<16xf32>
        %add3A_818 = arith.addf %scan3A_709, %mul3A_817 : vector<16xf32>
        %add3A_819 = arith.constant 16 : i32
        %add3A_820 = vector.broadcast %add3A_819 : i32 to vector<16xi32>
        %add3A_821 = arith.addi %add3A_274, %add3A_820 : vector<16xi32>
        %gather3A_822 = tpu.vector_load_idx %arg17[%add3A_821, %broadcast_in_dim3A_718] : memref<336x64xf32, #tpu.memory_space<vmem>>[vector<16xi32>, vector<16xi32>], vector<16xf32>,
        %mul3A_823 = arith.mulf %gather3A_719, %gather3A_822 : vector<16xf32>
        %add3A_824 = arith.addf %scan3A_710, %mul3A_823 : vector<16xf32>
        %add3A_825 = arith.constant 17 : i32
        %add3A_826 = vector.broadcast %add3A_825 : i32 to vector<16xi32>
        %add3A_827 = arith.addi %add3A_274, %add3A_826 : vector<16xi32>
        %gather3A_828 = tpu.vector_load_idx %arg17[%add3A_827, %broadcast_in_dim3A_718] : memref<336x64xf32, #tpu.memory_space<vmem>>[vector<16xi32>, vector<16xi32>], vector<16xf32>,
        %mul3A_829 = arith.mulf %gather3A_719, %gather3A_828 : vector<16xf32>
        %add3A_830 = arith.addf %scan3A_711, %mul3A_829 : vector<16xf32>
        %add3A_831 = arith.constant 18 : i32
        %add3A_832 = vector.broadcast %add3A_831 : i32 to vector<16xi32>
        %add3A_833 = arith.addi %add3A_274, %add3A_832 : vector<16xi32>
        %gather3A_834 = tpu.vector_load_idx %arg17[%add3A_833, %broadcast_in_dim3A_718] : memref<336x64xf32, #tpu.memory_space<vmem>>[vector<16xi32>, vector<16xi32>], vector<16xf32>,
        %mul3A_835 = arith.mulf %gather3A_719, %gather3A_834 : vector<16xf32>
        %add3A_836 = arith.addf %scan3A_712, %mul3A_835 : vector<16xf32>
        %add3A_837 = arith.constant 19 : i32
        %add3A_838 = vector.broadcast %add3A_837 : i32 to vector<16xi32>
        %add3A_839 = arith.addi %add3A_274, %add3A_838 : vector<16xi32>
        %gather3A_840 = tpu.vector_load_idx %arg17[%add3A_839, %broadcast_in_dim3A_718] : memref<336x64xf32, #tpu.memory_space<vmem>>[vector<16xi32>, vector<16xi32>], vector<16xf32>,
        %mul3A_841 = arith.mulf %gather3A_719, %gather3A_840 : vector<16xf32>
        %add3A_842 = arith.addf %scan3A_713, %mul3A_841 : vector<16xf32>
        scf.yield %add3A_722, %add3A_728, %add3A_734, %add3A_740, %add3A_746, %add3A_752, %add3A_758, %add3A_764, %add3A_770, %add3A_776, %add3A_782, %add3A_788, %add3A_794, %add3A_800, %add3A_806, %add3A_812, %add3A_818, %add3A_824, %add3A_830, %add3A_836, %add3A_842 : vector<16xf32>, vector<16xf32>, vector<16xf32>, vector<16xf32>, vector<16xf32>, vector<16xf32>, vector<16xf32>, vector<16xf32>, vector<16xf32>, vector<16xf32>, vector<16xf32>, vector<16xf32>, vector<16xf32>, vector<16xf32>, vector<16xf32>, vector<16xf32>, vector<16xf32>, vector<16xf32>, vector<16xf32>, vector<16xf32>, vector<16xf32>
      }
      %scan3A_378 = arith.constant 64 : i32
      %mul3A_379 = arith.constant 16 : i32
      %mul3A_380 = arith.muli %add3A_320, %mul3A_379 : i32
      %multiple_of3A_381 = tpu.assume_multiple %mul3A_380, 8 : i32
      %swap3A = arith.index_cast %multiple_of3A_381 : i32 to index
      %swap3A_382 = tpu.vector_load %arg25[%swap3A] {strides = array<i32>} : memref<512xf32, #tpu.memory_space<vmem>>, vector<16xf32>,
      tpu.vector_store %arg25[%swap3A], %scan3A_377#0 {strides = array<i32>} : memref<512xf32, #tpu.memory_space<vmem>>, vector<16xf32>,
      %mul3A_383 = arith.constant 320 : i32
      %mul3A_384 = arith.muli %add3A_320, %mul3A_383 : i32
      %add3A_385 = arith.constant 0 : i32
      %add3A_386 = arith.addi %mul3A_384, %add3A_385 : i32
      %multiple_of3A_387 = tpu.assume_multiple %add3A_386, 8 : i32
      %swap3A_388 = arith.index_cast %multiple_of3A_387 : i32 to index
      %swap3A_389 = tpu.vector_load %arg26[%swap3A_388] {strides = array<i32>} : memref<10240xf32, #tpu.memory_space<vmem>>, vector<16xf32>,
      tpu.vector_store %arg26[%swap3A_388], %scan3A_377#1 {strides = array<i32>} : memref<10240xf32, #tpu.memory_space<vmem>>, vector<16xf32>,
      %mul3A_390 = arith.constant 320 : i32
      %mul3A_391 = arith.muli %add3A_320, %mul3A_390 : i32
      %add3A_392 = arith.constant 16 : i32
      %add3A_393 = arith.addi %mul3A_391, %add3A_392 : i32
      %multiple_of3A_394 = tpu.assume_multiple %add3A_393, 8 : i32
      %swap3A_395 = arith.index_cast %multiple_of3A_394 : i32 to index
      %swap3A_396 = tpu.vector_load %arg26[%swap3A_395] {strides = array<i32>} : memref<10240xf32, #tpu.memory_space<vmem>>, vector<16xf32>,
      tpu.vector_store %arg26[%swap3A_395], %scan3A_377#2 {strides = array<i32>} : memref<10240xf32, #tpu.memory_space<vmem>>, vector<16xf32>,
      %mul3A_397 = arith.constant 320 : i32
      %mul3A_398 = arith.muli %add3A_320, %mul3A_397 : i32
      %add3A_399 = arith.constant 32 : i32
      %add3A_400 = arith.addi %mul3A_398, %add3A_399 : i32
      %multiple_of3A_401 = tpu.assume_multiple %add3A_400, 8 : i32
      %swap3A_402 = arith.index_cast %multiple_of3A_401 : i32 to index
      %swap3A_403 = tpu.vector_load %arg26[%swap3A_402] {strides = array<i32>} : memref<10240xf32, #tpu.memory_space<vmem>>, vector<16xf32>,
      tpu.vector_store %arg26[%swap3A_402], %scan3A_377#3 {strides = array<i32>} : memref<10240xf32, #tpu.memory_space<vmem>>, vector<16xf32>,
      %mul3A_404 = arith.constant 320 : i32
      %mul3A_405 = arith.muli %add3A_320, %mul3A_404 : i32
      %add3A_406 = arith.constant 48 : i32
      %add3A_407 = arith.addi %mul3A_405, %add3A_406 : i32
      %multiple_of3A_408 = tpu.assume_multiple %add3A_407, 8 : i32
      %swap3A_409 = arith.index_cast %multiple_of3A_408 : i32 to index
      %swap3A_410 = tpu.vector_load %arg26[%swap3A_409] {strides = array<i32>} : memref<10240xf32, #tpu.memory_space<vmem>>, vector<16xf32>,
      tpu.vector_store %arg26[%swap3A_409], %scan3A_377#4 {strides = array<i32>} : memref<10240xf32, #tpu.memory_space<vmem>>, vector<16xf32>,
      %mul3A_411 = arith.constant 320 : i32
      %mul3A_412 = arith.muli %add3A_320, %mul3A_411 : i32
      %add3A_413 = arith.constant 64 : i32
      %add3A_414 = arith.addi %mul3A_412, %add3A_413 : i32
      %multiple_of3A_415 = tpu.assume_multiple %add3A_414, 8 : i32
      %swap3A_416 = arith.index_cast %multiple_of3A_415 : i32 to index
      %swap3A_417 = tpu.vector_load %arg26[%swap3A_416] {strides = array<i32>} : memref<10240xf32, #tpu.memory_space<vmem>>, vector<16xf32>,
      tpu.vector_store %arg26[%swap3A_416], %scan3A_377#5 {strides = array<i32>} : memref<10240xf32, #tpu.memory_space<vmem>>, vector<16xf32>,
      %mul3A_418 = arith.constant 320 : i32
      %mul3A_419 = arith.muli %add3A_320, %mul3A_418 : i32
      %add3A_420 = arith.constant 80 : i32
      %add3A_421 = arith.addi %mul3A_419, %add3A_420 : i32
      %multiple_of3A_422 = tpu.assume_multiple %add3A_421, 8 : i32
      %swap3A_423 = arith.index_cast %multiple_of3A_422 : i32 to index
      %swap3A_424 = tpu.vector_load %arg26[%swap3A_423] {strides = array<i32>} : memref<10240xf32, #tpu.memory_space<vmem>>, vector<16xf32>,
      tpu.vector_store %arg26[%swap3A_423], %scan3A_377#6 {strides = array<i32>} : memref<10240xf32, #tpu.memory_space<vmem>>, vector<16xf32>,
      %mul3A_425 = arith.constant 320 : i32
      %mul3A_426 = arith.muli %add3A_320, %mul3A_425 : i32
      %add3A_427 = arith.constant 96 : i32
      %add3A_428 = arith.addi %mul3A_426, %add3A_427 : i32
      %multiple_of3A_429 = tpu.assume_multiple %add3A_428, 8 : i32
      %swap3A_430 = arith.index_cast %multiple_of3A_429 : i32 to index
      %swap3A_431 = tpu.vector_load %arg26[%swap3A_430] {strides = array<i32>} : memref<10240xf32, #tpu.memory_space<vmem>>, vector<16xf32>,
      tpu.vector_store %arg26[%swap3A_430], %scan3A_377#7 {strides = array<i32>} : memref<10240xf32, #tpu.memory_space<vmem>>, vector<16xf32>,
      %mul3A_432 = arith.constant 320 : i32
      %mul3A_433 = arith.muli %add3A_320, %mul3A_432 : i32
      %add3A_434 = arith.constant 112 : i32
      %add3A_435 = arith.addi %mul3A_433, %add3A_434 : i32
      %multiple_of3A_436 = tpu.assume_multiple %add3A_435, 8 : i32
      %swap3A_437 = arith.index_cast %multiple_of3A_436 : i32 to index
      %swap3A_438 = tpu.vector_load %arg26[%swap3A_437] {strides = array<i32>} : memref<10240xf32, #tpu.memory_space<vmem>>, vector<16xf32>,
      tpu.vector_store %arg26[%swap3A_437], %scan3A_377#8 {strides = array<i32>} : memref<10240xf32, #tpu.memory_space<vmem>>, vector<16xf32>,
      %mul3A_439 = arith.constant 320 : i32
      %mul3A_440 = arith.muli %add3A_320, %mul3A_439 : i32
      %add3A_441 = arith.constant 128 : i32
      %add3A_442 = arith.addi %mul3A_440, %add3A_441 : i32
      %multiple_of3A_443 = tpu.assume_multiple %add3A_442, 8 : i32
      %swap3A_444 = arith.index_cast %multiple_of3A_443 : i32 to index
      %swap3A_445 = tpu.vector_load %arg26[%swap3A_444] {strides = array<i32>} : memref<10240xf32, #tpu.memory_space<vmem>>, vector<16xf32>,
      tpu.vector_store %arg26[%swap3A_444], %scan3A_377#9 {strides = array<i32>} : memref<10240xf32, #tpu.memory_space<vmem>>, vector<16xf32>,
      %mul3A_446 = arith.constant 320 : i32
      %mul3A_447 = arith.muli %add3A_320, %mul3A_446 : i32
      %add3A_448 = arith.constant 144 : i32
      %add3A_449 = arith.addi %mul3A_447, %add3A_448 : i32
      %multiple_of3A_450 = tpu.assume_multiple %add3A_449, 8 : i32
      %swap3A_451 = arith.index_cast %multiple_of3A_450 : i32 to index
      %swap3A_452 = tpu.vector_load %arg26[%swap3A_451] {strides = array<i32>} : memref<10240xf32, #tpu.memory_space<vmem>>, vector<16xf32>,
      tpu.vector_store %arg26[%swap3A_451], %scan3A_377#10 {strides = array<i32>} : memref<10240xf32, #tpu.memory_space<vmem>>, vector<16xf32>,
      %mul3A_453 = arith.constant 320 : i32
      %mul3A_454 = arith.muli %add3A_320, %mul3A_453 : i32
      %add3A_455 = arith.constant 160 : i32
      %add3A_456 = arith.addi %mul3A_454, %add3A_455 : i32
      %multiple_of3A_457 = tpu.assume_multiple %add3A_456, 8 : i32
      %swap3A_458 = arith.index_cast %multiple_of3A_457 : i32 to index
      %swap3A_459 = tpu.vector_load %arg26[%swap3A_458] {strides = array<i32>} : memref<10240xf32, #tpu.memory_space<vmem>>, vector<16xf32>,
      tpu.vector_store %arg26[%swap3A_458], %scan3A_377#11 {strides = array<i32>} : memref<10240xf32, #tpu.memory_space<vmem>>, vector<16xf32>,
      %mul3A_460 = arith.constant 320 : i32
      %mul3A_461 = arith.muli %add3A_320, %mul3A_460 : i32
      %add3A_462 = arith.constant 176 : i32
      %add3A_463 = arith.addi %mul3A_461, %add3A_462 : i32
      %multiple_of3A_464 = tpu.assume_multiple %add3A_463, 8 : i32
      %swap3A_465 = arith.index_cast %multiple_of3A_464 : i32 to index
      %swap3A_466 = tpu.vector_load %arg26[%swap3A_465] {strides = array<i32>} : memref<10240xf32, #tpu.memory_space<vmem>>, vector<16xf32>,
      tpu.vector_store %arg26[%swap3A_465], %scan3A_377#12 {strides = array<i32>} : memref<10240xf32, #tpu.memory_space<vmem>>, vector<16xf32>,
      %mul3A_467 = arith.constant 320 : i32
      %mul3A_468 = arith.muli %add3A_320, %mul3A_467 : i32
      %add3A_469 = arith.constant 192 : i32
      %add3A_470 = arith.addi %mul3A_468, %add3A_469 : i32
      %multiple_of3A_471 = tpu.assume_multiple %add3A_470, 8 : i32
      %swap3A_472 = arith.index_cast %multiple_of3A_471 : i32 to index
      %swap3A_473 = tpu.vector_load %arg26[%swap3A_472] {strides = array<i32>} : memref<10240xf32, #tpu.memory_space<vmem>>, vector<16xf32>,
      tpu.vector_store %arg26[%swap3A_472], %scan3A_377#13 {strides = array<i32>} : memref<10240xf32, #tpu.memory_space<vmem>>, vector<16xf32>,
      %mul3A_474 = arith.constant 320 : i32
      %mul3A_475 = arith.muli %add3A_320, %mul3A_474 : i32
      %add3A_476 = arith.constant 208 : i32
      %add3A_477 = arith.addi %mul3A_475, %add3A_476 : i32
      %multiple_of3A_478 = tpu.assume_multiple %add3A_477, 8 : i32
      %swap3A_479 = arith.index_cast %multiple_of3A_478 : i32 to index
      %swap3A_480 = tpu.vector_load %arg26[%swap3A_479] {strides = array<i32>} : memref<10240xf32, #tpu.memory_space<vmem>>, vector<16xf32>,
      tpu.vector_store %arg26[%swap3A_479], %scan3A_377#14 {strides = array<i32>} : memref<10240xf32, #tpu.memory_space<vmem>>, vector<16xf32>,
      %mul3A_481 = arith.constant 320 : i32
      %mul3A_482 = arith.muli %add3A_320, %mul3A_481 : i32
      %add3A_483 = arith.constant 224 : i32
      %add3A_484 = arith.addi %mul3A_482, %add3A_483 : i32
      %multiple_of3A_485 = tpu.assume_multiple %add3A_484, 8 : i32
      %swap3A_486 = arith.index_cast %multiple_of3A_485 : i32 to index
      %swap3A_487 = tpu.vector_load %arg26[%swap3A_486] {strides = array<i32>} : memref<10240xf32, #tpu.memory_space<vmem>>, vector<16xf32>,
      tpu.vector_store %arg26[%swap3A_486], %scan3A_377#15 {strides = array<i32>} : memref<10240xf32, #tpu.memory_space<vmem>>, vector<16xf32>,
      %mul3A_488 = arith.constant 320 : i32
      %mul3A_489 = arith.muli %add3A_320, %mul3A_488 : i32
      %add3A_490 = arith.constant 240 : i32
      %add3A_491 = arith.addi %mul3A_489, %add3A_490 : i32
      %multiple_of3A_492 = tpu.assume_multiple %add3A_491, 8 : i32
      %swap3A_493 = arith.index_cast %multiple_of3A_492 : i32 to index
      %swap3A_494 = tpu.vector_load %arg26[%swap3A_493] {strides = array<i32>} : memref<10240xf32, #tpu.memory_space<vmem>>, vector<16xf32>,
      tpu.vector_store %arg26[%swap3A_493], %scan3A_377#16 {strides = array<i32>} : memref<10240xf32, #tpu.memory_space<vmem>>, vector<16xf32>,
      %mul3A_495 = arith.constant 320 : i32
      %mul3A_496 = arith.muli %add3A_320, %mul3A_495 : i32
      %add3A_497 = arith.constant 256 : i32
      %add3A_498 = arith.addi %mul3A_496, %add3A_497 : i32
      %multiple_of3A_499 = tpu.assume_multiple %add3A_498, 8 : i32
      %swap3A_500 = arith.index_cast %multiple_of3A_499 : i32 to index
      %swap3A_501 = tpu.vector_load %arg26[%swap3A_500] {strides = array<i32>} : memref<10240xf32, #tpu.memory_space<vmem>>, vector<16xf32>,
      tpu.vector_store %arg26[%swap3A_500], %scan3A_377#17 {strides = array<i32>} : memref<10240xf32, #tpu.memory_space<vmem>>, vector<16xf32>,
      %mul3A_502 = arith.constant 320 : i32
      %mul3A_503 = arith.muli %add3A_320, %mul3A_502 : i32
      %add3A_504 = arith.constant 272 : i32
      %add3A_505 = arith.addi %mul3A_503, %add3A_504 : i32
      %multiple_of3A_506 = tpu.assume_multiple %add3A_505, 8 : i32
      %swap3A_507 = arith.index_cast %multiple_of3A_506 : i32 to index
      %swap3A_508 = tpu.vector_load %arg26[%swap3A_507] {strides = array<i32>} : memref<10240xf32, #tpu.memory_space<vmem>>, vector<16xf32>,
      tpu.vector_store %arg26[%swap3A_507], %scan3A_377#18 {strides = array<i32>} : memref<10240xf32, #tpu.memory_space<vmem>>, vector<16xf32>,
      %mul3A_509 = arith.constant 320 : i32
      %mul3A_510 = arith.muli %add3A_320, %mul3A_509 : i32
      %add3A_511 = arith.constant 288 : i32
      %add3A_512 = arith.addi %mul3A_510, %add3A_511 : i32
      %multiple_of3A_513 = tpu.assume_multiple %add3A_512, 8 : i32
      %swap3A_514 = arith.index_cast %multiple_of3A_513 : i32 to index
      %swap3A_515 = tpu.vector_load %arg26[%swap3A_514] {strides = array<i32>} : memref<10240xf32, #tpu.memory_space<vmem>>, vector<16xf32>,
      tpu.vector_store %arg26[%swap3A_514], %scan3A_377#19 {strides = array<i32>} : memref<10240xf32, #tpu.memory_space<vmem>>, vector<16xf32>,
      %mul3A_516 = arith.constant 320 : i32
      %mul3A_517 = arith.muli %add3A_320, %mul3A_516 : i32
      %add3A_518 = arith.constant 304 : i32
      %add3A_519 = arith.addi %mul3A_517, %add3A_518 : i32
      %multiple_of3A_520 = tpu.assume_multiple %add3A_519, 8 : i32
      %swap3A_521 = arith.index_cast %multiple_of3A_520 : i32 to index
      %swap3A_522 = tpu.vector_load %arg26[%swap3A_521] {strides = array<i32>} : memref<10240xf32, #tpu.memory_space<vmem>>, vector<16xf32>,
      tpu.vector_store %arg26[%swap3A_521], %scan3A_377#20 {strides = array<i32>} : memref<10240xf32, #tpu.memory_space<vmem>>, vector<16xf32>,
      %add3A_523 = arith.constant 2 : i32
      %add3A_524 = arith.addi %add3A_320, %add3A_523 : i32
      %lt3A = arith.constant 32 : i32
      %lt3A_525 = arith.cmpi slt, %add3A_524, %lt3A : i32
      %convert_element_type3A = arith.extui %lt3A_525 : i1 to i32
      %cond3A = arith.constant 0 : i32
      %cond3A_526 = arith.cmpi ne, %convert_element_type3A, %cond3A : i32
      scf.if %cond3A_526 {
        %add3A_692 = arith.constant 2 : i32
        %add3A_693 = arith.addi %add3A_320, %add3A_692 : i32
        %mul3A_694 = arith.constant 16 : i32
        %mul3A_695 = arith.muli %add3A_693, %mul3A_694 : i32
        %multiple_of3A_696 = tpu.assume_multiple %mul3A_695, 8 : i32
        %mul3A_697 = arith.constant 320 : i32
        %mul3A_698 = arith.muli %add3A_693, %mul3A_697 : i32
        %multiple_of3A_699 = tpu.assume_multiple %mul3A_698, 8 : i32
        %dma_start3A_700 = arith.constant 0 : i32
        %dma_start3A_701 = arith.constant 0 : i32
        %dma_start3A_702 = tpu.memref_slice %arg17[%dma_start3A_700, %dma_start3A_701] : memref<336x64xf32, #tpu.memory_space<vmem>> -> memref<16x64xf32, #tpu.memory_space<vmem>>
        %dma_start3A_703 = tpu.memref_slice %arg21[%multiple_of3A_696] : memref<512xi32, #tpu.memory_space<vmem>> -> memref<16xi32, #tpu.memory_space<vmem>>
        %dma_start3A_704 = arith.constant 0 : i32
        %dma_start3A_705 = arith.constant 0 : i32
        %dma_start3A_706 = tpu.memref_slice %arg12[%dma_start3A_704, %dma_start3A_705] : memref<1000000x64xf32, #tpu.memory_space<hbm>> -> memref<1000000x64xf32, #tpu.memory_space<hbm>>
        tpu.enqueue_indirect_dma source(%dma_start3A_706 : memref<1000000x64xf32, #tpu.memory_space<hbm>>) target(%dma_start3A_702 : memref<16x64xf32, #tpu.memory_space<vmem>>) offsets(%dma_start3A_703 : memref<16xi32, #tpu.memory_space<vmem>>) semaphore(%arg28 : memref<!tpu.dma_semaphore, #tpu.memory_space<semaphore_mem>>)
        %dma_start3A_707 = arith.constant 16 : i32
        %dma_start3A_708 = arith.constant 0 : i32
        %dma_start3A_709 = tpu.memref_slice %arg17[%dma_start3A_707, %dma_start3A_708] : memref<336x64xf32, #tpu.memory_space<vmem>> -> memref<128x64xf32, #tpu.memory_space<vmem>>
        %dma_start3A_710 = tpu.memref_slice %arg19[%multiple_of3A_699] : memref<10240xi32, #tpu.memory_space<vmem>> -> memref<128xi32, #tpu.memory_space<vmem>>
        %dma_start3A_711 = arith.constant 0 : i32
        %dma_start3A_712 = arith.constant 0 : i32
        %dma_start3A_713 = tpu.memref_slice %arg12[%dma_start3A_711, %dma_start3A_712] : memref<1000000x64xf32, #tpu.memory_space<hbm>> -> memref<1000000x64xf32, #tpu.memory_space<hbm>>
        tpu.enqueue_indirect_dma source(%dma_start3A_713 : memref<1000000x64xf32, #tpu.memory_space<hbm>>) target(%dma_start3A_709 : memref<128x64xf32, #tpu.memory_space<vmem>>) offsets(%dma_start3A_710 : memref<128xi32, #tpu.memory_space<vmem>>) semaphore(%arg28 : memref<!tpu.dma_semaphore, #tpu.memory_space<semaphore_mem>>)
        %add3A_714 = arith.constant 128 : i32
        %add3A_715 = arith.addi %multiple_of3A_699, %add3A_714 : i32
        %dma_start3A_716 = arith.constant 144 : i32
        %dma_start3A_717 = arith.constant 0 : i32
        %dma_start3A_718 = tpu.memref_slice %arg17[%dma_start3A_716, %dma_start3A_717] : memref<336x64xf32, #tpu.memory_space<vmem>> -> memref<128x64xf32, #tpu.memory_space<vmem>>
        %dma_start3A_719 = tpu.memref_slice %arg19[%add3A_715] : memref<10240xi32, #tpu.memory_space<vmem>> -> memref<128xi32, #tpu.memory_space<vmem>>
        %dma_start3A_720 = arith.constant 0 : i32
        %dma_start3A_721 = arith.constant 0 : i32
        %dma_start3A_722 = tpu.memref_slice %arg12[%dma_start3A_720, %dma_start3A_721] : memref<1000000x64xf32, #tpu.memory_space<hbm>> -> memref<1000000x64xf32, #tpu.memory_space<hbm>>
        tpu.enqueue_indirect_dma source(%dma_start3A_722 : memref<1000000x64xf32, #tpu.memory_space<hbm>>) target(%dma_start3A_718 : memref<128x64xf32, #tpu.memory_space<vmem>>) offsets(%dma_start3A_719 : memref<128xi32, #tpu.memory_space<vmem>>) semaphore(%arg28 : memref<!tpu.dma_semaphore, #tpu.memory_space<semaphore_mem>>)
        %add3A_723 = arith.constant 256 : i32
        %add3A_724 = arith.addi %multiple_of3A_699, %add3A_723 : i32
        %dma_start3A_725 = arith.constant 272 : i32
        %dma_start3A_726 = arith.constant 0 : i32
        %dma_start3A_727 = tpu.memref_slice %arg17[%dma_start3A_725, %dma_start3A_726] : memref<336x64xf32, #tpu.memory_space<vmem>> -> memref<64x64xf32, #tpu.memory_space<vmem>>
        %dma_start3A_728 = tpu.memref_slice %arg19[%add3A_724] : memref<10240xi32, #tpu.memory_space<vmem>> -> memref<64xi32, #tpu.memory_space<vmem>>
        %dma_start3A_729 = arith.constant 0 : i32
        %dma_start3A_730 = arith.constant 0 : i32
        %dma_start3A_731 = tpu.memref_slice %arg12[%dma_start3A_729, %dma_start3A_730] : memref<1000000x64xf32, #tpu.memory_space<hbm>> -> memref<1000000x64xf32, #tpu.memory_space<hbm>>
        tpu.enqueue_indirect_dma source(%dma_start3A_731 : memref<1000000x64xf32, #tpu.memory_space<hbm>>) target(%dma_start3A_727 : memref<64x64xf32, #tpu.memory_space<vmem>>) offsets(%dma_start3A_728 : memref<64xi32, #tpu.memory_space<vmem>>) semaphore(%arg28 : memref<!tpu.dma_semaphore, #tpu.memory_space<semaphore_mem>>)
      } else {
      }
      %dma_wait3A_527 = arith.constant 0 : i32
      %dma_wait3A_528 = arith.constant 0 : i32
      %dma_wait3A_529 = tpu.memref_slice %arg12[%dma_wait3A_527, %dma_wait3A_528] : memref<1000000x64xf32, #tpu.memory_space<hbm>> -> memref<336x64xf32, #tpu.memory_space<hbm>>
      %dma_wait3A_530 = arith.constant 0 : i32
      %dma_wait3A_531 = arith.constant 0 : i32
      %dma_wait3A_532 = tpu.memref_slice %arg12[%dma_wait3A_530, %dma_wait3A_531] : memref<1000000x64xf32, #tpu.memory_space<hbm>> -> memref<336x64xf32, #tpu.memory_space<hbm>>
      tpu.wait_dma2 semaphore(%arg29 : memref<!tpu.dma_semaphore, #tpu.memory_space<semaphore_mem>>) src(%dma_wait3A_532 : memref<336x64xf32, #tpu.memory_space<hbm>>) dst(%arg18 : memref<336x64xf32, #tpu.memory_space<vmem>>)
      %add3A_533 = arith.constant 1 : i32
      %add3A_534 = arith.addi %add3A_320, %add3A_533 : i32
      %mul3A_535 = arith.constant 16 : i32
      %mul3A_536 = arith.muli %add3A_534, %mul3A_535 : i32
      %add3A_537 = vector.broadcast %mul3A_536 : i32 to vector<16xi32>
      %add3A_538 = arith.addi %add3A_537, %iota3A : vector<16xi32>
      %broadcast_in_dim3A_539 = arith.constant 0.000000e+00 : f32
      %broadcast_in_dim3A_540 = vector.broadcast %broadcast_in_dim3A_539 : f32 to vector<16xf32>
      %scan3A_541 = arith.constant 0 : i32
      %scan3A_542 = arith.constant 64 : i32
      %scan3A_543 = arith.addi %scan3A_541, %scan3A_542 : i32
      %scan3A_544 = arith.constant 1 : i32
      %scan3A_545:21 = scf.for %scan3A_692 = %scan3A_541 to %scan3A_543 step %scan3A_544 iter_args(%scan3A_693 = %broadcast_in_dim3A_540, %scan3A_694 = %broadcast_in_dim3A_540, %scan3A_695 = %broadcast_in_dim3A_540, %scan3A_696 = %broadcast_in_dim3A_540, %scan3A_697 = %broadcast_in_dim3A_540, %scan3A_698 = %broadcast_in_dim3A_540, %scan3A_699 = %broadcast_in_dim3A_540, %scan3A_700 = %broadcast_in_dim3A_540, %scan3A_701 = %broadcast_in_dim3A_540, %scan3A_702 = %broadcast_in_dim3A_540, %scan3A_703 = %broadcast_in_dim3A_540, %scan3A_704 = %broadcast_in_dim3A_540, %scan3A_705 = %broadcast_in_dim3A_540, %scan3A_706 = %broadcast_in_dim3A_540, %scan3A_707 = %broadcast_in_dim3A_540, %scan3A_708 = %broadcast_in_dim3A_540, %scan3A_709 = %broadcast_in_dim3A_540, %scan3A_710 = %broadcast_in_dim3A_540, %scan3A_711 = %broadcast_in_dim3A_540, %scan3A_712 = %broadcast_in_dim3A_540, %scan3A_713 = %broadcast_in_dim3A_540) -> (vector<16xf32>, vector<16xf32>, vector<16xf32>, vector<16xf32>, vector<16xf32>, vector<16xf32>, vector<16xf32>, vector<16xf32>, vector<16xf32>, vector<16xf32>, vector<16xf32>, vector<16xf32>, vector<16xf32>, vector<16xf32>, vector<16xf32>, vector<16xf32>, vector<16xf32>, vector<16xf32>, vector<16xf32>, vector<16xf32>, vector<16xf32>)  : i32 {
        %mul3A_714 = arith.constant 1 : i32
        %mul3A_715 = arith.muli %scan3A_692, %mul3A_714 : i32
        %add3A_716 = arith.constant 0 : i32
        %add3A_717 = arith.addi %add3A_716, %mul3A_715 : i32
        %broadcast_in_dim3A_718 = vector.broadcast %add3A_717 : i32 to vector<16xi32>
        %gather3A_719 = tpu.vector_load_idx %arg16[%add3A_538, %broadcast_in_dim3A_718] : memref<512x64xf32, #tpu.memory_space<vmem>>[vector<16xi32>, vector<16xi32>], vector<16xf32>,
        %gather3A_720 = tpu.vector_load_idx %arg18[%iota3A, %broadcast_in_dim3A_718] : memref<336x64xf32, #tpu.memory_space<vmem>>[vector<16xi32>, vector<16xi32>], vector<16xf32>,
        %mul3A_721 = arith.mulf %gather3A_719, %gather3A_720 : vector<16xf32>
        %add3A_722 = arith.addf %scan3A_693, %mul3A_721 : vector<16xf32>
        %add3A_723 = arith.constant 0 : i32
        %add3A_724 = vector.broadcast %add3A_723 : i32 to vector<16xi32>
        %add3A_725 = arith.addi %add3A_274, %add3A_724 : vector<16xi32>
        %gather3A_726 = tpu.vector_load_idx %arg18[%add3A_725, %broadcast_in_dim3A_718] : memref<336x64xf32, #tpu.memory_space<vmem>>[vector<16xi32>, vector<16xi32>], vector<16xf32>,
        %mul3A_727 = arith.mulf %gather3A_719, %gather3A_726 : vector<16xf32>
        %add3A_728 = arith.addf %scan3A_694, %mul3A_727 : vector<16xf32>
        %add3A_729 = arith.constant 1 : i32
        %add3A_730 = vector.broadcast %add3A_729 : i32 to vector<16xi32>
        %add3A_731 = arith.addi %add3A_274, %add3A_730 : vector<16xi32>
        %gather3A_732 = tpu.vector_load_idx %arg18[%add3A_731, %broadcast_in_dim3A_718] : memref<336x64xf32, #tpu.memory_space<vmem>>[vector<16xi32>, vector<16xi32>], vector<16xf32>,
        %mul3A_733 = arith.mulf %gather3A_719, %gather3A_732 : vector<16xf32>
        %add3A_734 = arith.addf %scan3A_695, %mul3A_733 : vector<16xf32>
        %add3A_735 = arith.constant 2 : i32
        %add3A_736 = vector.broadcast %add3A_735 : i32 to vector<16xi32>
        %add3A_737 = arith.addi %add3A_274, %add3A_736 : vector<16xi32>
        %gather3A_738 = tpu.vector_load_idx %arg18[%add3A_737, %broadcast_in_dim3A_718] : memref<336x64xf32, #tpu.memory_space<vmem>>[vector<16xi32>, vector<16xi32>], vector<16xf32>,
        %mul3A_739 = arith.mulf %gather3A_719, %gather3A_738 : vector<16xf32>
        %add3A_740 = arith.addf %scan3A_696, %mul3A_739 : vector<16xf32>
        %add3A_741 = arith.constant 3 : i32
        %add3A_742 = vector.broadcast %add3A_741 : i32 to vector<16xi32>
        %add3A_743 = arith.addi %add3A_274, %add3A_742 : vector<16xi32>
        %gather3A_744 = tpu.vector_load_idx %arg18[%add3A_743, %broadcast_in_dim3A_718] : memref<336x64xf32, #tpu.memory_space<vmem>>[vector<16xi32>, vector<16xi32>], vector<16xf32>,
        %mul3A_745 = arith.mulf %gather3A_719, %gather3A_744 : vector<16xf32>
        %add3A_746 = arith.addf %scan3A_697, %mul3A_745 : vector<16xf32>
        %add3A_747 = arith.constant 4 : i32
        %add3A_748 = vector.broadcast %add3A_747 : i32 to vector<16xi32>
        %add3A_749 = arith.addi %add3A_274, %add3A_748 : vector<16xi32>
        %gather3A_750 = tpu.vector_load_idx %arg18[%add3A_749, %broadcast_in_dim3A_718] : memref<336x64xf32, #tpu.memory_space<vmem>>[vector<16xi32>, vector<16xi32>], vector<16xf32>,
        %mul3A_751 = arith.mulf %gather3A_719, %gather3A_750 : vector<16xf32>
        %add3A_752 = arith.addf %scan3A_698, %mul3A_751 : vector<16xf32>
        %add3A_753 = arith.constant 5 : i32
        %add3A_754 = vector.broadcast %add3A_753 : i32 to vector<16xi32>
        %add3A_755 = arith.addi %add3A_274, %add3A_754 : vector<16xi32>
        %gather3A_756 = tpu.vector_load_idx %arg18[%add3A_755, %broadcast_in_dim3A_718] : memref<336x64xf32, #tpu.memory_space<vmem>>[vector<16xi32>, vector<16xi32>], vector<16xf32>,
        %mul3A_757 = arith.mulf %gather3A_719, %gather3A_756 : vector<16xf32>
        %add3A_758 = arith.addf %scan3A_699, %mul3A_757 : vector<16xf32>
        %add3A_759 = arith.constant 6 : i32
        %add3A_760 = vector.broadcast %add3A_759 : i32 to vector<16xi32>
        %add3A_761 = arith.addi %add3A_274, %add3A_760 : vector<16xi32>
        %gather3A_762 = tpu.vector_load_idx %arg18[%add3A_761, %broadcast_in_dim3A_718] : memref<336x64xf32, #tpu.memory_space<vmem>>[vector<16xi32>, vector<16xi32>], vector<16xf32>,
        %mul3A_763 = arith.mulf %gather3A_719, %gather3A_762 : vector<16xf32>
        %add3A_764 = arith.addf %scan3A_700, %mul3A_763 : vector<16xf32>
        %add3A_765 = arith.constant 7 : i32
        %add3A_766 = vector.broadcast %add3A_765 : i32 to vector<16xi32>
        %add3A_767 = arith.addi %add3A_274, %add3A_766 : vector<16xi32>
        %gather3A_768 = tpu.vector_load_idx %arg18[%add3A_767, %broadcast_in_dim3A_718] : memref<336x64xf32, #tpu.memory_space<vmem>>[vector<16xi32>, vector<16xi32>], vector<16xf32>,
        %mul3A_769 = arith.mulf %gather3A_719, %gather3A_768 : vector<16xf32>
        %add3A_770 = arith.addf %scan3A_701, %mul3A_769 : vector<16xf32>
        %add3A_771 = arith.constant 8 : i32
        %add3A_772 = vector.broadcast %add3A_771 : i32 to vector<16xi32>
        %add3A_773 = arith.addi %add3A_274, %add3A_772 : vector<16xi32>
        %gather3A_774 = tpu.vector_load_idx %arg18[%add3A_773, %broadcast_in_dim3A_718] : memref<336x64xf32, #tpu.memory_space<vmem>>[vector<16xi32>, vector<16xi32>], vector<16xf32>,
        %mul3A_775 = arith.mulf %gather3A_719, %gather3A_774 : vector<16xf32>
        %add3A_776 = arith.addf %scan3A_702, %mul3A_775 : vector<16xf32>
        %add3A_777 = arith.constant 9 : i32
        %add3A_778 = vector.broadcast %add3A_777 : i32 to vector<16xi32>
        %add3A_779 = arith.addi %add3A_274, %add3A_778 : vector<16xi32>
        %gather3A_780 = tpu.vector_load_idx %arg18[%add3A_779, %broadcast_in_dim3A_718] : memref<336x64xf32, #tpu.memory_space<vmem>>[vector<16xi32>, vector<16xi32>], vector<16xf32>,
        %mul3A_781 = arith.mulf %gather3A_719, %gather3A_780 : vector<16xf32>
        %add3A_782 = arith.addf %scan3A_703, %mul3A_781 : vector<16xf32>
        %add3A_783 = arith.constant 10 : i32
        %add3A_784 = vector.broadcast %add3A_783 : i32 to vector<16xi32>
        %add3A_785 = arith.addi %add3A_274, %add3A_784 : vector<16xi32>
        %gather3A_786 = tpu.vector_load_idx %arg18[%add3A_785, %broadcast_in_dim3A_718] : memref<336x64xf32, #tpu.memory_space<vmem>>[vector<16xi32>, vector<16xi32>], vector<16xf32>,
        %mul3A_787 = arith.mulf %gather3A_719, %gather3A_786 : vector<16xf32>
        %add3A_788 = arith.addf %scan3A_704, %mul3A_787 : vector<16xf32>
        %add3A_789 = arith.constant 11 : i32
        %add3A_790 = vector.broadcast %add3A_789 : i32 to vector<16xi32>
        %add3A_791 = arith.addi %add3A_274, %add3A_790 : vector<16xi32>
        %gather3A_792 = tpu.vector_load_idx %arg18[%add3A_791, %broadcast_in_dim3A_718] : memref<336x64xf32, #tpu.memory_space<vmem>>[vector<16xi32>, vector<16xi32>], vector<16xf32>,
        %mul3A_793 = arith.mulf %gather3A_719, %gather3A_792 : vector<16xf32>
        %add3A_794 = arith.addf %scan3A_705, %mul3A_793 : vector<16xf32>
        %add3A_795 = arith.constant 12 : i32
        %add3A_796 = vector.broadcast %add3A_795 : i32 to vector<16xi32>
        %add3A_797 = arith.addi %add3A_274, %add3A_796 : vector<16xi32>
        %gather3A_798 = tpu.vector_load_idx %arg18[%add3A_797, %broadcast_in_dim3A_718] : memref<336x64xf32, #tpu.memory_space<vmem>>[vector<16xi32>, vector<16xi32>], vector<16xf32>,
        %mul3A_799 = arith.mulf %gather3A_719, %gather3A_798 : vector<16xf32>
        %add3A_800 = arith.addf %scan3A_706, %mul3A_799 : vector<16xf32>
        %add3A_801 = arith.constant 13 : i32
        %add3A_802 = vector.broadcast %add3A_801 : i32 to vector<16xi32>
        %add3A_803 = arith.addi %add3A_274, %add3A_802 : vector<16xi32>
        %gather3A_804 = tpu.vector_load_idx %arg18[%add3A_803, %broadcast_in_dim3A_718] : memref<336x64xf32, #tpu.memory_space<vmem>>[vector<16xi32>, vector<16xi32>], vector<16xf32>,
        %mul3A_805 = arith.mulf %gather3A_719, %gather3A_804 : vector<16xf32>
        %add3A_806 = arith.addf %scan3A_707, %mul3A_805 : vector<16xf32>
        %add3A_807 = arith.constant 14 : i32
        %add3A_808 = vector.broadcast %add3A_807 : i32 to vector<16xi32>
        %add3A_809 = arith.addi %add3A_274, %add3A_808 : vector<16xi32>
        %gather3A_810 = tpu.vector_load_idx %arg18[%add3A_809, %broadcast_in_dim3A_718] : memref<336x64xf32, #tpu.memory_space<vmem>>[vector<16xi32>, vector<16xi32>], vector<16xf32>,
        %mul3A_811 = arith.mulf %gather3A_719, %gather3A_810 : vector<16xf32>
        %add3A_812 = arith.addf %scan3A_708, %mul3A_811 : vector<16xf32>
        %add3A_813 = arith.constant 15 : i32
        %add3A_814 = vector.broadcast %add3A_813 : i32 to vector<16xi32>
        %add3A_815 = arith.addi %add3A_274, %add3A_814 : vector<16xi32>
        %gather3A_816 = tpu.vector_load_idx %arg18[%add3A_815, %broadcast_in_dim3A_718] : memref<336x64xf32, #tpu.memory_space<vmem>>[vector<16xi32>, vector<16xi32>], vector<16xf32>,
        %mul3A_817 = arith.mulf %gather3A_719, %gather3A_816 : vector<16xf32>
        %add3A_818 = arith.addf %scan3A_709, %mul3A_817 : vector<16xf32>
        %add3A_819 = arith.constant 16 : i32
        %add3A_820 = vector.broadcast %add3A_819 : i32 to vector<16xi32>
        %add3A_821 = arith.addi %add3A_274, %add3A_820 : vector<16xi32>
        %gather3A_822 = tpu.vector_load_idx %arg18[%add3A_821, %broadcast_in_dim3A_718] : memref<336x64xf32, #tpu.memory_space<vmem>>[vector<16xi32>, vector<16xi32>], vector<16xf32>,
        %mul3A_823 = arith.mulf %gather3A_719, %gather3A_822 : vector<16xf32>
        %add3A_824 = arith.addf %scan3A_710, %mul3A_823 : vector<16xf32>
        %add3A_825 = arith.constant 17 : i32
        %add3A_826 = vector.broadcast %add3A_825 : i32 to vector<16xi32>
        %add3A_827 = arith.addi %add3A_274, %add3A_826 : vector<16xi32>
        %gather3A_828 = tpu.vector_load_idx %arg18[%add3A_827, %broadcast_in_dim3A_718] : memref<336x64xf32, #tpu.memory_space<vmem>>[vector<16xi32>, vector<16xi32>], vector<16xf32>,
        %mul3A_829 = arith.mulf %gather3A_719, %gather3A_828 : vector<16xf32>
        %add3A_830 = arith.addf %scan3A_711, %mul3A_829 : vector<16xf32>
        %add3A_831 = arith.constant 18 : i32
        %add3A_832 = vector.broadcast %add3A_831 : i32 to vector<16xi32>
        %add3A_833 = arith.addi %add3A_274, %add3A_832 : vector<16xi32>
        %gather3A_834 = tpu.vector_load_idx %arg18[%add3A_833, %broadcast_in_dim3A_718] : memref<336x64xf32, #tpu.memory_space<vmem>>[vector<16xi32>, vector<16xi32>], vector<16xf32>,
        %mul3A_835 = arith.mulf %gather3A_719, %gather3A_834 : vector<16xf32>
        %add3A_836 = arith.addf %scan3A_712, %mul3A_835 : vector<16xf32>
        %add3A_837 = arith.constant 19 : i32
        %add3A_838 = vector.broadcast %add3A_837 : i32 to vector<16xi32>
        %add3A_839 = arith.addi %add3A_274, %add3A_838 : vector<16xi32>
        %gather3A_840 = tpu.vector_load_idx %arg18[%add3A_839, %broadcast_in_dim3A_718] : memref<336x64xf32, #tpu.memory_space<vmem>>[vector<16xi32>, vector<16xi32>], vector<16xf32>,
        %mul3A_841 = arith.mulf %gather3A_719, %gather3A_840 : vector<16xf32>
        %add3A_842 = arith.addf %scan3A_713, %mul3A_841 : vector<16xf32>
        scf.yield %add3A_722, %add3A_728, %add3A_734, %add3A_740, %add3A_746, %add3A_752, %add3A_758, %add3A_764, %add3A_770, %add3A_776, %add3A_782, %add3A_788, %add3A_794, %add3A_800, %add3A_806, %add3A_812, %add3A_818, %add3A_824, %add3A_830, %add3A_836, %add3A_842 : vector<16xf32>, vector<16xf32>, vector<16xf32>, vector<16xf32>, vector<16xf32>, vector<16xf32>, vector<16xf32>, vector<16xf32>, vector<16xf32>, vector<16xf32>, vector<16xf32>, vector<16xf32>, vector<16xf32>, vector<16xf32>, vector<16xf32>, vector<16xf32>, vector<16xf32>, vector<16xf32>, vector<16xf32>, vector<16xf32>, vector<16xf32>
      }
      %scan3A_546 = arith.constant 64 : i32
      %mul3A_547 = arith.constant 16 : i32
      %mul3A_548 = arith.muli %add3A_534, %mul3A_547 : i32
      %multiple_of3A_549 = tpu.assume_multiple %mul3A_548, 8 : i32
      %swap3A_550 = arith.index_cast %multiple_of3A_549 : i32 to index
      %swap3A_551 = tpu.vector_load %arg25[%swap3A_550] {strides = array<i32>} : memref<512xf32, #tpu.memory_space<vmem>>, vector<16xf32>,
      tpu.vector_store %arg25[%swap3A_550], %scan3A_545#0 {strides = array<i32>} : memref<512xf32, #tpu.memory_space<vmem>>, vector<16xf32>,
      %mul3A_552 = arith.constant 320 : i32
      %mul3A_553 = arith.muli %add3A_534, %mul3A_552 : i32
      %add3A_554 = arith.constant 0 : i32
      %add3A_555 = arith.addi %mul3A_553, %add3A_554 : i32
      %multiple_of3A_556 = tpu.assume_multiple %add3A_555, 8 : i32
      %swap3A_557 = arith.index_cast %multiple_of3A_556 : i32 to index
      %swap3A_558 = tpu.vector_load %arg26[%swap3A_557] {strides = array<i32>} : memref<10240xf32, #tpu.memory_space<vmem>>, vector<16xf32>,
      tpu.vector_store %arg26[%swap3A_557], %scan3A_545#1 {strides = array<i32>} : memref<10240xf32, #tpu.memory_space<vmem>>, vector<16xf32>,
      %mul3A_559 = arith.constant 320 : i32
      %mul3A_560 = arith.muli %add3A_534, %mul3A_559 : i32
      %add3A_561 = arith.constant 16 : i32
      %add3A_562 = arith.addi %mul3A_560, %add3A_561 : i32
      %multiple_of3A_563 = tpu.assume_multiple %add3A_562, 8 : i32
      %swap3A_564 = arith.index_cast %multiple_of3A_563 : i32 to index
      %swap3A_565 = tpu.vector_load %arg26[%swap3A_564] {strides = array<i32>} : memref<10240xf32, #tpu.memory_space<vmem>>, vector<16xf32>,
      tpu.vector_store %arg26[%swap3A_564], %scan3A_545#2 {strides = array<i32>} : memref<10240xf32, #tpu.memory_space<vmem>>, vector<16xf32>,
      %mul3A_566 = arith.constant 320 : i32
      %mul3A_567 = arith.muli %add3A_534, %mul3A_566 : i32
      %add3A_568 = arith.constant 32 : i32
      %add3A_569 = arith.addi %mul3A_567, %add3A_568 : i32
      %multiple_of3A_570 = tpu.assume_multiple %add3A_569, 8 : i32
      %swap3A_571 = arith.index_cast %multiple_of3A_570 : i32 to index
      %swap3A_572 = tpu.vector_load %arg26[%swap3A_571] {strides = array<i32>} : memref<10240xf32, #tpu.memory_space<vmem>>, vector<16xf32>,
      tpu.vector_store %arg26[%swap3A_571], %scan3A_545#3 {strides = array<i32>} : memref<10240xf32, #tpu.memory_space<vmem>>, vector<16xf32>,
      %mul3A_573 = arith.constant 320 : i32
      %mul3A_574 = arith.muli %add3A_534, %mul3A_573 : i32
      %add3A_575 = arith.constant 48 : i32
      %add3A_576 = arith.addi %mul3A_574, %add3A_575 : i32
      %multiple_of3A_577 = tpu.assume_multiple %add3A_576, 8 : i32
      %swap3A_578 = arith.index_cast %multiple_of3A_577 : i32 to index
      %swap3A_579 = tpu.vector_load %arg26[%swap3A_578] {strides = array<i32>} : memref<10240xf32, #tpu.memory_space<vmem>>, vector<16xf32>,
      tpu.vector_store %arg26[%swap3A_578], %scan3A_545#4 {strides = array<i32>} : memref<10240xf32, #tpu.memory_space<vmem>>, vector<16xf32>,
      %mul3A_580 = arith.constant 320 : i32
      %mul3A_581 = arith.muli %add3A_534, %mul3A_580 : i32
      %add3A_582 = arith.constant 64 : i32
      %add3A_583 = arith.addi %mul3A_581, %add3A_582 : i32
      %multiple_of3A_584 = tpu.assume_multiple %add3A_583, 8 : i32
      %swap3A_585 = arith.index_cast %multiple_of3A_584 : i32 to index
      %swap3A_586 = tpu.vector_load %arg26[%swap3A_585] {strides = array<i32>} : memref<10240xf32, #tpu.memory_space<vmem>>, vector<16xf32>,
      tpu.vector_store %arg26[%swap3A_585], %scan3A_545#5 {strides = array<i32>} : memref<10240xf32, #tpu.memory_space<vmem>>, vector<16xf32>,
      %mul3A_587 = arith.constant 320 : i32
      %mul3A_588 = arith.muli %add3A_534, %mul3A_587 : i32
      %add3A_589 = arith.constant 80 : i32
      %add3A_590 = arith.addi %mul3A_588, %add3A_589 : i32
      %multiple_of3A_591 = tpu.assume_multiple %add3A_590, 8 : i32
      %swap3A_592 = arith.index_cast %multiple_of3A_591 : i32 to index
      %swap3A_593 = tpu.vector_load %arg26[%swap3A_592] {strides = array<i32>} : memref<10240xf32, #tpu.memory_space<vmem>>, vector<16xf32>,
      tpu.vector_store %arg26[%swap3A_592], %scan3A_545#6 {strides = array<i32>} : memref<10240xf32, #tpu.memory_space<vmem>>, vector<16xf32>,
      %mul3A_594 = arith.constant 320 : i32
      %mul3A_595 = arith.muli %add3A_534, %mul3A_594 : i32
      %add3A_596 = arith.constant 96 : i32
      %add3A_597 = arith.addi %mul3A_595, %add3A_596 : i32
      %multiple_of3A_598 = tpu.assume_multiple %add3A_597, 8 : i32
      %swap3A_599 = arith.index_cast %multiple_of3A_598 : i32 to index
      %swap3A_600 = tpu.vector_load %arg26[%swap3A_599] {strides = array<i32>} : memref<10240xf32, #tpu.memory_space<vmem>>, vector<16xf32>,
      tpu.vector_store %arg26[%swap3A_599], %scan3A_545#7 {strides = array<i32>} : memref<10240xf32, #tpu.memory_space<vmem>>, vector<16xf32>,
      %mul3A_601 = arith.constant 320 : i32
      %mul3A_602 = arith.muli %add3A_534, %mul3A_601 : i32
      %add3A_603 = arith.constant 112 : i32
      %add3A_604 = arith.addi %mul3A_602, %add3A_603 : i32
      %multiple_of3A_605 = tpu.assume_multiple %add3A_604, 8 : i32
      %swap3A_606 = arith.index_cast %multiple_of3A_605 : i32 to index
      %swap3A_607 = tpu.vector_load %arg26[%swap3A_606] {strides = array<i32>} : memref<10240xf32, #tpu.memory_space<vmem>>, vector<16xf32>,
      tpu.vector_store %arg26[%swap3A_606], %scan3A_545#8 {strides = array<i32>} : memref<10240xf32, #tpu.memory_space<vmem>>, vector<16xf32>,
      %mul3A_608 = arith.constant 320 : i32
      %mul3A_609 = arith.muli %add3A_534, %mul3A_608 : i32
      %add3A_610 = arith.constant 128 : i32
      %add3A_611 = arith.addi %mul3A_609, %add3A_610 : i32
      %multiple_of3A_612 = tpu.assume_multiple %add3A_611, 8 : i32
      %swap3A_613 = arith.index_cast %multiple_of3A_612 : i32 to index
      %swap3A_614 = tpu.vector_load %arg26[%swap3A_613] {strides = array<i32>} : memref<10240xf32, #tpu.memory_space<vmem>>, vector<16xf32>,
      tpu.vector_store %arg26[%swap3A_613], %scan3A_545#9 {strides = array<i32>} : memref<10240xf32, #tpu.memory_space<vmem>>, vector<16xf32>,
      %mul3A_615 = arith.constant 320 : i32
      %mul3A_616 = arith.muli %add3A_534, %mul3A_615 : i32
      %add3A_617 = arith.constant 144 : i32
      %add3A_618 = arith.addi %mul3A_616, %add3A_617 : i32
      %multiple_of3A_619 = tpu.assume_multiple %add3A_618, 8 : i32
      %swap3A_620 = arith.index_cast %multiple_of3A_619 : i32 to index
      %swap3A_621 = tpu.vector_load %arg26[%swap3A_620] {strides = array<i32>} : memref<10240xf32, #tpu.memory_space<vmem>>, vector<16xf32>,
      tpu.vector_store %arg26[%swap3A_620], %scan3A_545#10 {strides = array<i32>} : memref<10240xf32, #tpu.memory_space<vmem>>, vector<16xf32>,
      %mul3A_622 = arith.constant 320 : i32
      %mul3A_623 = arith.muli %add3A_534, %mul3A_622 : i32
      %add3A_624 = arith.constant 160 : i32
      %add3A_625 = arith.addi %mul3A_623, %add3A_624 : i32
      %multiple_of3A_626 = tpu.assume_multiple %add3A_625, 8 : i32
      %swap3A_627 = arith.index_cast %multiple_of3A_626 : i32 to index
      %swap3A_628 = tpu.vector_load %arg26[%swap3A_627] {strides = array<i32>} : memref<10240xf32, #tpu.memory_space<vmem>>, vector<16xf32>,
      tpu.vector_store %arg26[%swap3A_627], %scan3A_545#11 {strides = array<i32>} : memref<10240xf32, #tpu.memory_space<vmem>>, vector<16xf32>,
      %mul3A_629 = arith.constant 320 : i32
      %mul3A_630 = arith.muli %add3A_534, %mul3A_629 : i32
      %add3A_631 = arith.constant 176 : i32
      %add3A_632 = arith.addi %mul3A_630, %add3A_631 : i32
      %multiple_of3A_633 = tpu.assume_multiple %add3A_632, 8 : i32
      %swap3A_634 = arith.index_cast %multiple_of3A_633 : i32 to index
      %swap3A_635 = tpu.vector_load %arg26[%swap3A_634] {strides = array<i32>} : memref<10240xf32, #tpu.memory_space<vmem>>, vector<16xf32>,
      tpu.vector_store %arg26[%swap3A_634], %scan3A_545#12 {strides = array<i32>} : memref<10240xf32, #tpu.memory_space<vmem>>, vector<16xf32>,
      %mul3A_636 = arith.constant 320 : i32
      %mul3A_637 = arith.muli %add3A_534, %mul3A_636 : i32
      %add3A_638 = arith.constant 192 : i32
      %add3A_639 = arith.addi %mul3A_637, %add3A_638 : i32
      %multiple_of3A_640 = tpu.assume_multiple %add3A_639, 8 : i32
      %swap3A_641 = arith.index_cast %multiple_of3A_640 : i32 to index
      %swap3A_642 = tpu.vector_load %arg26[%swap3A_641] {strides = array<i32>} : memref<10240xf32, #tpu.memory_space<vmem>>, vector<16xf32>,
      tpu.vector_store %arg26[%swap3A_641], %scan3A_545#13 {strides = array<i32>} : memref<10240xf32, #tpu.memory_space<vmem>>, vector<16xf32>,
      %mul3A_643 = arith.constant 320 : i32
      %mul3A_644 = arith.muli %add3A_534, %mul3A_643 : i32
      %add3A_645 = arith.constant 208 : i32
      %add3A_646 = arith.addi %mul3A_644, %add3A_645 : i32
      %multiple_of3A_647 = tpu.assume_multiple %add3A_646, 8 : i32
      %swap3A_648 = arith.index_cast %multiple_of3A_647 : i32 to index
      %swap3A_649 = tpu.vector_load %arg26[%swap3A_648] {strides = array<i32>} : memref<10240xf32, #tpu.memory_space<vmem>>, vector<16xf32>,
      tpu.vector_store %arg26[%swap3A_648], %scan3A_545#14 {strides = array<i32>} : memref<10240xf32, #tpu.memory_space<vmem>>, vector<16xf32>,
      %mul3A_650 = arith.constant 320 : i32
      %mul3A_651 = arith.muli %add3A_534, %mul3A_650 : i32
      %add3A_652 = arith.constant 224 : i32
      %add3A_653 = arith.addi %mul3A_651, %add3A_652 : i32
      %multiple_of3A_654 = tpu.assume_multiple %add3A_653, 8 : i32
      %swap3A_655 = arith.index_cast %multiple_of3A_654 : i32 to index
      %swap3A_656 = tpu.vector_load %arg26[%swap3A_655] {strides = array<i32>} : memref<10240xf32, #tpu.memory_space<vmem>>, vector<16xf32>,
      tpu.vector_store %arg26[%swap3A_655], %scan3A_545#15 {strides = array<i32>} : memref<10240xf32, #tpu.memory_space<vmem>>, vector<16xf32>,
      %mul3A_657 = arith.constant 320 : i32
      %mul3A_658 = arith.muli %add3A_534, %mul3A_657 : i32
      %add3A_659 = arith.constant 240 : i32
      %add3A_660 = arith.addi %mul3A_658, %add3A_659 : i32
      %multiple_of3A_661 = tpu.assume_multiple %add3A_660, 8 : i32
      %swap3A_662 = arith.index_cast %multiple_of3A_661 : i32 to index
      %swap3A_663 = tpu.vector_load %arg26[%swap3A_662] {strides = array<i32>} : memref<10240xf32, #tpu.memory_space<vmem>>, vector<16xf32>,
      tpu.vector_store %arg26[%swap3A_662], %scan3A_545#16 {strides = array<i32>} : memref<10240xf32, #tpu.memory_space<vmem>>, vector<16xf32>,
      %mul3A_664 = arith.constant 320 : i32
      %mul3A_665 = arith.muli %add3A_534, %mul3A_664 : i32
      %add3A_666 = arith.constant 256 : i32
      %add3A_667 = arith.addi %mul3A_665, %add3A_666 : i32
      %multiple_of3A_668 = tpu.assume_multiple %add3A_667, 8 : i32
      %swap3A_669 = arith.index_cast %multiple_of3A_668 : i32 to index
      %swap3A_670 = tpu.vector_load %arg26[%swap3A_669] {strides = array<i32>} : memref<10240xf32, #tpu.memory_space<vmem>>, vector<16xf32>,
      tpu.vector_store %arg26[%swap3A_669], %scan3A_545#17 {strides = array<i32>} : memref<10240xf32, #tpu.memory_space<vmem>>, vector<16xf32>,
      %mul3A_671 = arith.constant 320 : i32
      %mul3A_672 = arith.muli %add3A_534, %mul3A_671 : i32
      %add3A_673 = arith.constant 272 : i32
      %add3A_674 = arith.addi %mul3A_672, %add3A_673 : i32
      %multiple_of3A_675 = tpu.assume_multiple %add3A_674, 8 : i32
      %swap3A_676 = arith.index_cast %multiple_of3A_675 : i32 to index
      %swap3A_677 = tpu.vector_load %arg26[%swap3A_676] {strides = array<i32>} : memref<10240xf32, #tpu.memory_space<vmem>>, vector<16xf32>,
      tpu.vector_store %arg26[%swap3A_676], %scan3A_545#18 {strides = array<i32>} : memref<10240xf32, #tpu.memory_space<vmem>>, vector<16xf32>,
      %mul3A_678 = arith.constant 320 : i32
      %mul3A_679 = arith.muli %add3A_534, %mul3A_678 : i32
      %add3A_680 = arith.constant 288 : i32
      %add3A_681 = arith.addi %mul3A_679, %add3A_680 : i32
      %multiple_of3A_682 = tpu.assume_multiple %add3A_681, 8 : i32
      %swap3A_683 = arith.index_cast %multiple_of3A_682 : i32 to index
      %swap3A_684 = tpu.vector_load %arg26[%swap3A_683] {strides = array<i32>} : memref<10240xf32, #tpu.memory_space<vmem>>, vector<16xf32>,
      tpu.vector_store %arg26[%swap3A_683], %scan3A_545#19 {strides = array<i32>} : memref<10240xf32, #tpu.memory_space<vmem>>, vector<16xf32>,
      %mul3A_685 = arith.constant 320 : i32
      %mul3A_686 = arith.muli %add3A_534, %mul3A_685 : i32
      %add3A_687 = arith.constant 304 : i32
      %add3A_688 = arith.addi %mul3A_686, %add3A_687 : i32
      %multiple_of3A_689 = tpu.assume_multiple %add3A_688, 8 : i32
      %swap3A_690 = arith.index_cast %multiple_of3A_689 : i32 to index
      %swap3A_691 = tpu.vector_load %arg26[%swap3A_690] {strides = array<i32>} : memref<10240xf32, #tpu.memory_space<vmem>>, vector<16xf32>,
      tpu.vector_store %arg26[%swap3A_690], %scan3A_545#20 {strides = array<i32>} : memref<10240xf32, #tpu.memory_space<vmem>>, vector<16xf32>,
    }
    %scan3A_315 = arith.constant 16 : i32
    "tpu.region"() ({
      %run_scoped3A = tpu.sem_alloc : memref<!tpu.dma_semaphore, #tpu.memory_space<semaphore_mem>>
      %dma_start3A_316 = tpu.memref_slice %arg14[%multiple_of3A] : memref<16384xf32, #tpu.memory_space<hbm>> -> memref<512xf32, #tpu.memory_space<hbm>>
      %dma_start3A_317 = tpu.memref_slice %arg14[%multiple_of3A] : memref<16384xf32, #tpu.memory_space<hbm>> -> memref<512xf32, #tpu.memory_space<hbm>>
      tpu.enqueue_dma source(%arg25 : memref<512xf32, #tpu.memory_space<vmem>>) target(%dma_start3A_317 : memref<512xf32, #tpu.memory_space<hbm>>) target_semaphore(%run_scoped3A : memref<!tpu.dma_semaphore, #tpu.memory_space<semaphore_mem>>)
      %dma_wait3A_318 = tpu.memref_slice %arg14[%multiple_of3A] : memref<16384xf32, #tpu.memory_space<hbm>> -> memref<512xf32, #tpu.memory_space<hbm>>
      %dma_wait3A_319 = tpu.memref_slice %arg14[%multiple_of3A] : memref<16384xf32, #tpu.memory_space<hbm>> -> memref<512xf32, #tpu.memory_space<hbm>>
      tpu.wait_dma2 semaphore(%run_scoped3A : memref<!tpu.dma_semaphore, #tpu.memory_space<semaphore_mem>>) src(%arg25 : memref<512xf32, #tpu.memory_space<vmem>>) dst(%dma_wait3A_319 : memref<512xf32, #tpu.memory_space<hbm>>)
      tpu.yield
    }) : () -> ()
    "tpu.region"() ({
      %run_scoped3A = tpu.sem_alloc : memref<!tpu.dma_semaphore, #tpu.memory_space<semaphore_mem>>
      %dma_start3A_316 = tpu.memref_slice %arg15[%multiple_of3A_5] : memref<327680xf32, #tpu.memory_space<hbm>> -> memref<10240xf32, #tpu.memory_space<hbm>>
      %dma_start3A_317 = tpu.memref_slice %arg15[%multiple_of3A_5] : memref<327680xf32, #tpu.memory_space<hbm>> -> memref<10240xf32, #tpu.memory_space<hbm>>
      tpu.enqueue_dma source(%arg26 : memref<10240xf32, #tpu.memory_space<vmem>>) target(%dma_start3A_317 : memref<10240xf32, #tpu.memory_space<hbm>>) target_semaphore(%run_scoped3A : memref<!tpu.dma_semaphore, #tpu.memory_space<semaphore_mem>>)
      %dma_wait3A_318 = tpu.memref_slice %arg15[%multiple_of3A_5] : memref<327680xf32, #tpu.memory_space<hbm>> -> memref<10240xf32, #tpu.memory_space<hbm>>
      %dma_wait3A_319 = tpu.memref_slice %arg15[%multiple_of3A_5] : memref<327680xf32, #tpu.memory_space<hbm>> -> memref<10240xf32, #tpu.memory_space<hbm>>
      tpu.wait_dma2 semaphore(%run_scoped3A : memref<!tpu.dma_semaphore, #tpu.memory_space<semaphore_mem>>) src(%arg26 : memref<10240xf32, #tpu.memory_space<vmem>>) dst(%dma_wait3A_319 : memref<10240xf32, #tpu.memory_space<hbm>>)
      tpu.yield
    }) : () -> ()
    return
  }
}

module attributes {stable_mosaic.version = 14 : i64} {
  func.func @body(%arg0: memref<128x128xf32, #tpu.memory_space<vmem>>, %arg1: memref<2560x128xf32, #tpu.memory_space<vmem>>, %arg2: memref<1x1xf32, #tpu.memory_space<smem>>) attributes {dimension_semantics = [], scalar_prefetch = 0 : i64, scratch_operands = 0 : i64, tpu.core_type = #tpu.core_type<tc>} {
    %get3A = arith.constant 0 : index
    %get3A_0 = arith.constant 0 : index
    %get3A_1 = vector.load %arg0[%get3A, %get3A_0] : memref<128x128xf32, #tpu.memory_space<vmem>>, vector<128x128xf32>
    %get3A_2 = arith.constant 0 : index
    %get3A_3 = arith.constant 0 : index
    %get3A_4 = vector.load %arg1[%get3A_2, %get3A_3] : memref<2560x128xf32, #tpu.memory_space<vmem>>, vector<2560x128xf32>
    %neg3A = arith.constant 0.000000e+00 : f32
    %neg3A_5 = vector.broadcast %neg3A : f32 to vector<128x128xf32>
    %neg3A_6 = arith.subf %neg3A_5, %get3A_1 : vector<128x128xf32>
    %max3A = arith.constant 0.000000e+00 : f32
    %max3A_7 = vector.broadcast %max3A : f32 to vector<128x128xf32>
    %max3A_8 = arith.maximumf %neg3A_6, %max3A_7 : vector<128x128xf32>
    %abs3A = math.absf %neg3A_6 : vector<128x128xf32>
    %neg3A_9 = arith.constant 0.000000e+00 : f32
    %neg3A_10 = vector.broadcast %neg3A_9 : f32 to vector<128x128xf32>
    %neg3A_11 = arith.subf %neg3A_10, %abs3A : vector<128x128xf32>
    %exp3A = math.exp %neg3A_11 : vector<128x128xf32>
    %log1p3A = math.log1p %exp3A : vector<128x128xf32>
    %add3A = arith.addf %max3A_8, %log1p3A : vector<128x128xf32>
    %reduce_sum3A = vector.shape_cast %add3A : vector<128x128xf32> to vector<1x128x128xf32>
    %reduce_sum3A_12 = arith.constant dense<0.000000e+00> : vector<1xf32>
    %reduce_sum3A_13 = vector.multi_reduction <add>, %reduce_sum3A, %reduce_sum3A_12 [1, 2] : vector<1x128x128xf32> to vector<1xf32>
    %reduce_sum3A_14 = vector.shape_cast %reduce_sum3A_13 : vector<1xf32> to vector<1x1x1xf32>
    %reduce_sum3A_15 = vector.extract %reduce_sum3A_14[0, 0, 0] : f32 from vector<1x1x1xf32>
    %max3A_16 = arith.constant 0.000000e+00 : f32
    %max3A_17 = vector.broadcast %max3A_16 : f32 to vector<2560x128xf32>
    %max3A_18 = arith.maximumf %get3A_4, %max3A_17 : vector<2560x128xf32>
    %abs3A_19 = math.absf %get3A_4 : vector<2560x128xf32>
    %neg3A_20 = arith.constant 0.000000e+00 : f32
    %neg3A_21 = vector.broadcast %neg3A_20 : f32 to vector<2560x128xf32>
    %neg3A_22 = arith.subf %neg3A_21, %abs3A_19 : vector<2560x128xf32>
    %exp3A_23 = math.exp %neg3A_22 : vector<2560x128xf32>
    %log1p3A_24 = math.log1p %exp3A_23 : vector<2560x128xf32>
    %add3A_25 = arith.addf %max3A_18, %log1p3A_24 : vector<2560x128xf32>
    %reduce_sum3A_26 = vector.shape_cast %add3A_25 : vector<2560x128xf32> to vector<1x2560x128xf32>
    %reduce_sum3A_27 = arith.constant dense<0.000000e+00> : vector<1xf32>
    %reduce_sum3A_28 = vector.multi_reduction <add>, %reduce_sum3A_26, %reduce_sum3A_27 [1, 2] : vector<1x2560x128xf32> to vector<1xf32>
    %reduce_sum3A_29 = vector.shape_cast %reduce_sum3A_28 : vector<1xf32> to vector<1x1x1xf32>
    %reduce_sum3A_30 = vector.extract %reduce_sum3A_29[0, 0, 0] : f32 from vector<1x1x1xf32>
    %add3A_31 = arith.addf %reduce_sum3A_15, %reduce_sum3A_30 : f32
    %div3A = arith.constant 1.638400e+04 : f32
    %div3A_32 = arith.divf %add3A_31, %div3A : f32
    %swap3A = arith.constant 0 : index
    %swap3A_33 = arith.constant 0 : index
    %swap3A_34 = memref.load %arg2[%swap3A, %swap3A_33] : memref<1x1xf32, #tpu.memory_space<smem>>
    memref.store %div3A_32, %arg2[%swap3A, %swap3A_33] : memref<1x1xf32, #tpu.memory_space<smem>>
    return
  }
}

</mosaic_0001>

<sc_bundles>
// kernel: kernel.4.cloned.1.call-start
scs
__scs_entry_jumppad:
0x0: {  	(pc) =	sbr.rel $0x88, $3  }
0x1: {  	(tag) =	ssettag $0x0;
	lr =	simm.s32 $0x1  }
0x2: {  	[smem:$0x3F97] =	sst lr;
	_ =	strace $0xD0000000  }
0x3: {  	_ = 	snop  }
0x4: {  	_ = 	snop  }
0x5: {  	_ = 	snop  }
0x6: {  	_ = 	snop  }
0x7: {  	_ = 	snop  }
__scs_overlays_trampoline_lowered:
0x8: {  	[smem:$0x3FA6] =	sst s0  }
0x9: {  	[smem:$0x3FA7] =	sst s1  }
0xa: {  	[smem:$0x3FA8] =	sst s2  }
0xb: {  	[smem:$0x3FA9] =	sst s3  }
0xc: {  	[smem:$0x3FAA] =	sst s4  }
0xd: {  	[smem:$0x3FAB] =	sst s5  }
0xe: {  	[smem:$0x3FAC] =	sst s6  }
0xf: {  	[smem:$0x3FAD] =	sst s7  }
0x10: {  	[smem:$0x3FAE] =	sst s8  }
0x11: {  	[smem:$0x3FAF] =	sst s9;
	s0 =	simm.s32 @!p0 $0x0  }
0x12: {  	s1 =	sld [smem:$0x3F95];
	s0 =	simm.s32 @p0 $0x1  }
0x13: {  	[smem:$0x3FB0] =	sst s0;
	s0 =	simm.s32 @!p1 $0x0  }
0x14: {  	s2 =	sld [smem:$0x3F94];
	s0 =	simm.s32 @p1 $0x1  }
0x15: {  	[smem:$0x3FB1] =	sst s0;
	s0 =	simm.s32 @!p2 $0x0  }
0x16: {  	s3 =	sld [smem:$0x3FDB];
	s0 =	simm.s32 @p2 $0x1  }
0x17: {  	s4 =	simm.s32 $0x1BF5;
	[smem:$0x3FB3] =	sst s0  }
0x18: {  	s0 =	sld [smem:$0x3F96];
	_ =	swait.ge [sflag:s4], $0x0  }
0x19: {  	s7 =	sld [smem:$0x3F97]  }
0x1a: {  	s8 =	sadd.s32 $0xFFFFE003, lr  }
0x1b: {  	s9 =	sadd.s32 $0xFFFFFEF7, lr;
	s5 =	simm.s32 $0xFFFFFFFF;
	p2 =	slt.u32 s8, $0xFFFFF086  }
0x1c: {  	p1 =	slt.u32 s9, $0xF7A;
	s5 =	simm.s32 @!p2 $0x0  }
0x1d: {  	s5 =	simm.s32 @p1 $0x1;
	p0 =	seq.s32 s7, s2  }
0x1e: {  	s7 =	smul.u32 @!p0 $0xF7A, s2;
	p2 =	seq.s32 @!p0 s5, $0x0  }
0x1f: {  	s9 =	smul.u32 $0xF7A, s1;
	s8 =	simm.s32 @!p0 $0x1BF5;
	p2 =	por !p2, p0  }
0x20: {  	[sflag:s8] =	ssyncset.s32 @!p0 $0xFFFFF086;
	s6 =	sadd.s32 @!p0 s3, s7;
	s7 =	simm.s32 @!p0 $0x108  }
0x21: {  	s3 =	sadd.s32 s3, s9;
	s6 =	sadd.s32 @!p0 $0x88, s6;
	s7 =	simm.s32 @p2 $0x1082  }
0x22: {  	[simem:s7], [sflag:s8] =	dma.local @!p0 [hbm:s6], $0xF7A  }
0x23: {  	s9 =	sor.u32 $0xD0000000, s2;
	s6 =	simm.s32 $0x108;
	_ =	swait.ge @!p0 [sflag:s8], $0x0  }
0x24: {  	s3 =	sadd.s32 $0x88, s3;
	s6 =	simm.s32 @!p1 $0x1082;
	[sflag:s4] =	ssyncset.s32 $0xFFFFF086  }
0x25: {  	[simem:s6], [sflag:s4] =	dma.local [hbm:s3], $0xF7A  }
0x26: {  	[smem:$0x3F97] =	sst s1;
	(tag) =	ssettag s2;
	_ =	strace s9  }
0x27: {  	s1 =	sld [smem:$0x3FA7]  }
0x28: {  	s2 =	sld [smem:$0x3FA8]  }
0x29: {  	s4 =	sld [smem:$0x3FAA]  }
0x2a: {  	p0 =	seq.s32 s5, $0x0;
	s5 =	sld [smem:$0x3FAB]  }
0x2b: {  	s6 =	sld [smem:$0x3FAC]  }
0x2c: {  	s7 =	sld [smem:$0x3FAD]  }
0x2d: {  	s3 =	simm.s32 $0x108;
	s8 =	sld [smem:$0x3FAE]  }
0x2e: {  	s3 =	simm.s32 @!p0 $0x1082;
	s9 =	sld [smem:$0x3FAF]  }
0x2f: {  	lr =	sadd.s32 s0, s3;
	s0 =	sld [smem:$0x3FA6]  }
0x30: {  	s3 =	sld [smem:$0x3FA9]  }
0x31: {  	[smem:$0x3FB2] =	sst s10  }
0x32: {  	s10 =	sld [smem:$0x3FB0];
	_ =	sdelay $0x3  }
0x33: {  	p0 =	seq.s32 s10, $0x1;
	s10 =	sld [smem:$0x3FB2];
	_ =	sdelay $0x3  }
0x34: {  	[smem:$0x3FB2] =	sst s10  }
0x35: {  	s10 =	sld [smem:$0x3FB1];
	_ =	sdelay $0x3  }
0x36: {  	p1 =	seq.s32 s10, $0x1;
	s10 =	sld [smem:$0x3FB2];
	_ =	sdelay $0x3  }
0x37: {  	[smem:$0x3FB2] =	sst s10  }
0x38: {  	s10 =	sld [smem:$0x3FB3]  }
0x39: {  	_ = 	snop;
	(pc) =	sbr.ind lr, $3  }
0x3a: {  	_ = 	snop  }
0x3b: {  	_ = 	snop  }
0x3c: {  	p2 =	seq.s32 s10, $0x1;
	s10 =	sld [smem:$0x3FB2]  }
0x3d: {  	_ =	shalt  }
0x3e: {  	_ =	shalt  }
0x3f: {  	_ =	shalt  }
0x40: {  	_ =	shalt  }
0x41: {  	_ =	shalt  }
0x42: {  	_ =	shalt  }
0x43: {  	_ =	shalt  }
0x44: {  	_ =	shalt  }
0x45: {  	_ =	shalt  }
0x46: {  	_ =	shalt  }
0x47: {  	_ =	shalt  }
0x48: {  	_ =	shalt  }
0x49: {  	_ =	shalt  }
0x4a: {  	_ =	shalt  }
0x4b: {  	_ =	shalt  }
0x4c: {  	_ =	shalt  }
0x4d: {  	_ =	shalt  }
0x4e: {  	_ =	shalt  }
0x4f: {  	_ =	shalt  }
0x50: {  	_ =	shalt  }
0x51: {  	_ =	shalt  }
0x52: {  	_ =	shalt  }
0x53: {  	_ =	shalt  }
0x54: {  	_ =	shalt  }
0x55: {  	_ =	shalt  }
0x56: {  	_ =	shalt  }
0x57: {  	_ =	shalt  }
0x58: {  	_ =	shalt  }
0x59: {  	_ =	shalt  }
0x5a: {  	_ =	shalt  }
0x5b: {  	_ =	shalt  }
0x5c: {  	_ =	shalt  }
0x5d: {  	_ =	shalt  }
0x5e: {  	_ =	shalt  }
0x5f: {  	_ =	shalt  }
0x60: {  	_ =	shalt  }
0x61: {  	_ =	shalt  }
0x62: {  	_ =	shalt  }
0x63: {  	_ =	shalt  }
0x64: {  	_ =	shalt  }
0x65: {  	_ =	shalt  }
0x66: {  	_ =	shalt  }
0x67: {  	_ =	shalt  }
0x68: {  	_ =	shalt  }
0x69: {  	_ =	shalt  }
0x6a: {  	_ =	shalt  }
0x6b: {  	_ =	shalt  }
0x6c: {  	_ =	shalt  }
0x6d: {  	_ =	shalt  }
0x6e: {  	_ =	shalt  }
0x6f: {  	_ =	shalt  }
0x70: {  	_ =	shalt  }
0x71: {  	_ =	shalt  }
0x72: {  	_ =	shalt  }
0x73: {  	_ =	shalt  }
0x74: {  	_ =	shalt  }
0x75: {  	_ =	shalt  }
0x76: {  	_ =	shalt  }
0x77: {  	_ =	shalt  }
0x78: {  	_ =	shalt  }
0x79: {  	_ =	shalt  }
0x7a: {  	_ =	shalt  }
0x7b: {  	_ =	shalt  }
0x7c: {  	_ =	shalt  }
0x7d: {  	_ =	shalt  }
0x7e: {  	_ =	shalt  }
0x7f: {  	_ =	shalt  }
0x80: {  	_ =	shalt  }
0x81: {  	_ =	shalt  }
0x82: {  	_ =	shalt  }
0x83: {  	_ =	shalt  }
0x84: {  	_ =	shalt  }
0x85: {  	_ =	shalt  }
0x86: {  	_ =	shalt  }
0x87: {  	_ =	shalt  }
.Lfunc_end0:
.L_simem_size_0:
called_computation_lowered:
.L_overlay_start_0:
0x88: {  	s2 =	sld [smem:$0x3FD9]  }
0x89: {  	s3 =	sld [smem:$0x3FFE];
	_ =	sdelay $0x1  }
0x8a: {  	s1 =	srdreg.scid  }
0x8b: {  	s0 =	sand.u32 $0x1, s1  }
0x8c: {  	s17 =	sshll.u32 s0, $0xA;
	s2 =	sadd.s32 s3, s2  }
0x8d: {  	s2 =	sadd.s32 s2, s17  }
0x8e: {  	[smem:$0x3FBE] =	sst s2  }
0x8f: {  	_ = 	snop  }
0x90: {  	s2 =	sld [smem:$0x3FC9]  }
0x91: {  	s18 =	sld [smem:$0x3FC8]  }
0x92: {  	s4 =	sld [smem:$0x3FD0];
	(tm) =	ssettm $0x1  }
0x93: {  	s5 =	sld [smem:$0x3FFB];
	_ =	sdelay $0x3  }
0x94: {  	_ =	strace s5  }
0x95: {  	s5 =	sld [smem:$0x3FFC];
	_ =	sdelay $0x3  }
0x96: {  	_ =	strace s5  }
0x97: {  	s5 =	sld [smem:$0x3FFD];
	_ =	sdelay $0x3  }
0x98: {  	_ =	strace s5  }
0x99: {  	_ =	strace $0x8FFFFFFF  }
0x9a: {  	s19 =	sld [smem:$0x3FDB];
	_ =	sdelay $0x1  }
0x9b: {  	s6 =	simm.s32 $_scs_section_size  }
0x9c: {  	s7 =	simm.s32 $_size__tile_overlayer_lowered;
	s8 =	simm.s32 $_tile_overlayer_lowered  }
0x9d: {  	s22 =	simm.s32 $0x1BFF;
	s21 =	sshll.u32 s8, $0x1;
	s5 =	sadd.s32 s6, s19  }
0x9e: {  	s9 =	simm.s32 $0x0;
	s20 =	sshll.u32 s7, $0x1;
	s7 =	sadd.s32 s21, s5  }
0x9f: {  	[timem:s9], [sflag:s22] =	dma.local [hbm:s7], s20  }
0xa0: {  	_ =	swait.ge [sflag:s22], s20  }
0xa1: {  	s6 =	ssub.s32 $0x0, s20;
	[sflag:s22] =	ssyncset.done $0x0  }
0xa2: {  	[sflag:s22] =	ssyncadd.s32 s6;
	_ =	sdelay $0x1  }
0xa3: {  	s23 =	simm.s32 $0x1B8B  }
0xa4: {  	_ =	swait.ge [sflag:s23], $0x1  }
0xa5: {  	[sflag:s23] =	ssyncset.done $0x0  }
0xa6: {  	s25 =	simm.s32 $0x1B8E;
	s24 =	sld [smem:$0x3FFE];
	[sflag:s23] =	ssyncadd.s32 $0xFFFFFFFF  }
0xa7: {  	s26 =	simm.s32 $execute0_lowered;
	[smem:$0x3FD2] =	sst s25  }
0xa8: {  	s7 =	sshll.u32 s26, $0x1;
	_ =	strace $0x80000046;
	[dreg:$0x1] =	wrdreg $0xFFFFFFFF  }
0xa9: {  	s28 =	simm.s32 $_size_execute0_lowered;
	s5 =	sadd.s32 s5, s7;
	[dreg:$0x0] =	wrdreg $0x0  }
0xaa: {  	s7 =	sshll.u32 s28, $0x1;
	[dreg:$0x2] =	wrdreg s5  }
0xab: {  	[dreg:$0x3] =	wrdreg s7  }
0xac: {  	[dreg:$0x4] =	wrdreg $0xC0  }
0xad: {  	_ =	task [dreg:s9], $0x5FFFF  }
0xae: {  	[dreg:$0x1] =	wrdreg $0xFFFFFFFF  }
0xaf: {  	[dreg:$0x0] =	wrdreg $0x60  }
0xb0: {  	[dreg:$0x2] =	wrdreg s2  }
0xb1: {  	[dreg:$0x3] =	wrdreg s18  }
0xb2: {  	[dreg:$0x4] =	wrdreg s24  }
0xb3: {  	[dreg:$0x5] =	wrdreg s4  }
0xb4: {  	[dreg:$0x6] =	wrdreg $0x9  }
0xb5: {  	_ =	task.clear_ibuf [dreg:s9], $0x7FFFF;
	_ =	strace $0x90000046  }
0xb6: {  	s29 =	simm.s32 $0x9;
	_ =	strace $0x80000048  }
0xb7: {  	_ =	swait.ge [sflag:s29], $0x1  }
0xb8: {  	[sflag:s29] =	ssyncadd.s32 $0xFFFFFFFF  }
0xb9: {  	_ =	strace $0x90000048  }
0xba: {  	_ =	sfence  }
0xbb: {  	s30 =	sld [smem:$0x0];
	_ =	sdelay $0x2  }
0xbc: {  	s31 =	sshll.u32 s1, $0xD;
	s1 =	sshrl.u32 s1, $0x2  }
0xbd: {  	s3 =	sand.u32 $0x4000, s31;
	s1 =	sadd.s32 s1, s30  }
0xbe: {  	s0 =	sor.u32 s3, s0;
	s1 =	sshll.u32 s1, $0x11  }
0xbf: {  	s0 =	sor.u32 s1, s0  }
0xc0: {  	s0 =	sadd.s32 $0x8F2B, s0  }
0xc1: {  	[sflag:s0] =	ssyncadd.remote.s32 $0x1  }
0xc2: {  	_ =	sfence.sel $0xFFFF  }
0xc3: {  	[dreg:$0x0] =	wrdreg $0xFFFFFFFF;
	(pc) =	sbr.abs _section_cstart, $3  }
0xc4: {  	[dreg:$0x1] =	wrdreg $0xFFFFFFFF  }
0xc5: {  	_ =	task.clear_ibuf [dreg:s9], $0x2FFFF;
	_ =	strace $0x9FFFFFFF  }
0xc6: {  	(tm) =	ssettm $0x7FFFFFFF  }
0xc7: {  	_ =	shalt  }
tec
execute0_lowered:
.L_overlay_start_1:
0x0: {  	(tag) =	ssettag $0x1  }
0x1: {  	v3 =	vlaneseq.u32  }
0x2: {  	s0 =	rddreg [dreg:$0x0];
	v23 =	vmul.u32 $0x500, v3  }
0x3: {  	s1 =	rddreg [dreg:$0x1];
	s2 =	simm.s32 $0x0  }
0x4: {  	[smem:$0x7FF] =	sst s2;
	v21 =	vadd.s32 $0x580, v23  }
0x5: {  	s3 =	rddreg [dreg:$0x2];
	_ =	strace $0x80000047;
	v22 =	vadd.s32 $0x5C0, v23;
	[tilespmem:$0x1FEC0] =	vst v21  }
0x6: {  	v41 =	vadd.s32 $0x600, v23;
	[tilespmem:$0x1FED0] =	vst v22  }
0x7: {  	s6 =	srdreg.scid;
	s7 =	stileid.u32;
	v17 =	vadd.s32 $0x400, v23;
	[tilespmem:$0x1FEE0] =	vst v41  }
0x8: {  	s15 =	simm.s32 $0x12800;
	s28 =	simm.s32 $0x8000;
	s29 =	simm.s32 $0xA000;
	v19 =	vadd.s32 $0x640, v23;
	[tilespmem:$0x1FEF0] =	vst v17  }
0x9: {  	s30 =	simm.s32 $0xD400;
	s31 =	simm.s32 $0xF400;
	s4 =	sadd.s32 $0x16E6600, s3;
	v2 =	vadd.s32 $0x680, v23;
	[tilespmem:$0x1FF00] =	vst v19  }
0xa: {  	s5 =	sadd.s32 $0x11000, s3;
	s8 =	sand.u32 $0x1, s6;
	s9 =	sshll.u32 s7, $0x1;
	v16 =	vmul.u32 $0x40, v3;
	v3 =	vadd.s32 $0x6C0, v23;
	[tilespmem:$0x1FF10] =	vst v2  }
0xb: {  	s6 =	sadd.s32 $0xF000, s3;
	s7 =	sadd.s32 $0xD000, s3;
	s9 =	sor.u32 s8, s9;
	v4 =	vadd.s32 $0x700, v23;
	[tilespmem:$0x1FF20] =	vst v3  }
0xc: {  	s11 =	ssub.s32 $0x2, s8;
	s8 =	sadd.s32 $0xF45400, s3;
	s10 =	sshll.u32 s9, $0x6;
	v6 =	vadd.s32 $0x740, v23;
	[tilespmem:$0x1FF30] =	vst v4  }
0xd: {  	s9 =	smul.u32 $0x500, s9;
	s13 =	sshrl.u32 s11, $0x1;
	v7 =	vadd.s32 $0x780, v23;
	s12 =	sadd.s32 s10, s3;
	[tilespmem:$0x1FF40] =	vst v6  }
0xe: {  	v8 =	vadd.s32 $0x7C0, v23;
	s18 =	ssub.s32 s11, s13;
	s0 =	sadd.s32 s0, s10;
	s19 =	sadd.s32 s1, s10;
	[tilespmem:$0x1FF50] =	vst v7  }
0xf: {  	v9 =	vadd.s32 $0x800, v23;
	s1 =	simm.s32 $0x10;
	[tilespmem:$0x1FF60] =	vst v8;
	s3 =	sadd.s32 s9, s3;
	[dreg:$0x5] =	wrdreg s0  }
0x10: {  	v11 =	vadd.s32 $0x840, v23;
	[tilespmem:$0x1FF70] =	vst v9;
	[dreg:$0x6] =	wrdreg s19;
	s20 =	sadd.s32 $0x2800, s12;
	s21 =	sadd.s32 $0x2000, s12  }
0x11: {  	v5 =	vadd.s32 $0x880, v23;
	[tilespmem:$0x1FF80] =	vst v11;
	s22 =	sadd.s32 $0x1800, s12;
	s24 =	sadd.s32 $0x1D000, s12;
	[dreg:$0x7] =	wrdreg s20  }
0x12: {  	v15 =	vadd.s32 $0x540, v23;
	[tilespmem:$0x1FF90] =	vst v5;
	s26 =	smax.u32 s18, $0x1;
	s19 =	simm.s32 $0x3;
	[dreg:$0x8] =	wrdreg s21  }
0x13: {  	v12 =	vadd.s32 $0x480, v23;
	[tilespmem:$0x1FFA0] =	vst v15;
	s12 =	simm.s32 $0x15200;
	s0 =	simm.s32 $0x1;
	[dreg:$0x9] =	wrdreg s22  }
0x14: {  	v13 =	vadd.s32 $0x4C0, v23;
	[tilespmem:$0x1FFB0] =	vst v12;
	s18 =	simm.s32 $0x40;
	s23 =	sadd.s32 $0x3000, s3;
	[dreg:$0xb] =	wrdreg s24  }
0x15: {  	v14 =	vadd.s32 $0x500, v23;
	[tilespmem:$0x1FFC0] =	vst v13;
	s25 =	sadd.s32 $0x13000, s3;
	[dreg:$0xd] =	wrdreg s26;
	s26 =	simm.s32 $0x80  }
0x16: {  	v20 =	vadd.s32 $0x8C0, v23;
	[tilespmem:$0x1FFD0] =	vst v14;
	s3 =	simm.s32 $0x2;
	s20 =	simm.s32 $0xD800;
	s21 =	simm.s32 $0xF800  }
0x17: {  	v10 =	vadd.s32 $0x440, v23;
	[tilespmem:$0x1FFE0] =	vst v20;
	s22 =	simm.s32 $0x11800;
	s24 =	simm.s32 $0x0;
	[dreg:$0xa] =	wrdreg s23  }
0x18: {  	[tilespmem:$0x1FFF0] =	vst v10;
	[dreg:$0xc] =	wrdreg s25;
	s25 =	simm.s32 $0x18400;
	s23 =	simm.s32 $0x0  }
.LBB2_1:
0x19: {  	s9 =	rddreg [dreg:$0x5];
	s10 =	simm.s32 $0x15000  }
0x1a: {  	[tilespmem:s10], [sflag:$0x3] =	stream.linear.gather [hbm4b:s9+s2], $0x200, $0x38;
	[tilespmem:$0x18410] =	vst v63  }
0x1b: {  	_ =	swait.ge [sflag:s19], $0x200  }
0x1c: {  	[sflag:s19] =	ssyncset.done $0x0  }
0x1d: {  	s13 =	rddreg [dreg:$0x6];
	[sflag:s19] =	ssyncadd.s32 $0xFFFFFE00  }
0x1e: {  	[tilespmem:s12], [sflag:$0x3] =	stream.linear.gather [hbm4b:s13+s2], $0x200, $0x38;
	[tilespmem:$0x18410] =	vst v63  }
0x1f: {  	_ =	swait.ge [sflag:s19], $0x200  }
0x20: {  	[sflag:s19] =	ssyncset.done $0x0  }
0x21: {  	s11 =	simm.s32 $0x15400;
	s14 =	rddreg [dreg:$0x7];
	[sflag:s19] =	ssyncadd.s32 $0xFFFFFE00  }
0x22: {  	[tilespmem:s11], [sflag:$0x3] =	stream.linear.gather [hbm4b:s14+s2], $0x200, $0x38;
	[tilespmem:$0x18410] =	vst v63  }
0x23: {  	_ =	swait.ge [sflag:s19], $0x200  }
0x24: {  	[sflag:s19] =	ssyncset.done $0x0  }
0x25: {  	s13 =	simm.s32 $0x15600;
	s16 =	rddreg [dreg:$0x8];
	[sflag:s19] =	ssyncadd.s32 $0xFFFFFE00  }
0x26: {  	[tilespmem:s13], [sflag:$0x3] =	stream.linear.gather [hbm4b:s16+s2], $0x200, $0x38;
	[tilespmem:$0x18410] =	vst v63  }
0x27: {  	_ =	swait.ge [sflag:s19], $0x200  }
0x28: {  	[sflag:s19] =	ssyncset.done $0x0  }
0x29: {  	s14 =	simm.s32 $0x15800;
	s17 =	rddreg [dreg:$0x9];
	[sflag:s19] =	ssyncadd.s32 $0xFFFFFE00  }
0x2a: {  	[tilespmem:s14], [sflag:$0x3] =	stream.linear.gather [hbm4b:s17+s2], $0x200, $0x38;
	[tilespmem:$0x18410] =	vst v63  }
0x2b: {  	_ =	swait.ge [sflag:s19], $0x200  }
0x2c: {  	[sflag:s19] =	ssyncset.done $0x0  }
0x2d: {  	s16 =	rddreg [dreg:$0xa];
	[sflag:s19] =	ssyncadd.s32 $0xFFFFFE00  }
0x2e: {  	[tilespmem:s15], [sflag:$0x3] =	stream.linear.gather [hbm4b:s16+s2], $0x2800, $0x38;
	[tilespmem:$0x18410] =	vst v63  }
0x2f: {  	_ =	swait.ge [sflag:s19], $0x2800  }
0x30: {  	[sflag:s19] =	ssyncset.done $0x0  }
0x31: {  	[sflag:s19] =	ssyncadd.s32 $0xFFFFD800  }
0x32: {  	v0 =	vimm.s32 $0x1;
	s17 =	rddreg [dreg:$0x3]  }
0x33: {  	[tilespmem:s25], [sflag:$0x3] =	stream.linear.gather [hbm4b:s17+s2], $0x10, $0x38;
	[tilespmem:$0x18410] =	vst v63  }
0x34: {  	_ =	swait.ge [sflag:s19], $0x10  }
0x35: {  	[sflag:s19] =	ssyncset.done $0x0  }
0x36: {  	[sflag:s19] =	ssyncadd.s32 $0xFFFFFFF0  }
0x37: {  	v25 =	vld.idx.msk [tilespmem:v0+s25+$0x0], $0xffff;
	v0 =	vimm.s32 $0x2;
	_ =	sdelay $0x3  }
0x38: {  	v24 =	vld.msk [tilespmem:s25+$0x0], $0xffff  }
0x39: {  	v26 =	vld.idx.msk [tilespmem:v0+s25+$0x0], $0xffff;
	v0 =	vimm.s32 $0x3;
	_ =	sdelay $0x4  }
0x3a: {  	v24 =	vmul.f32 $1.442695020e+00, v24;
	v27 =	vld.idx.msk [tilespmem:v0+s25+$0x0], $0xffff  }
0x3b: {  	v25 =	vmul.f32 $1.442695020e+00, v25  }
0x3c: {  	(erf) = vpow2.f32 v24  }
0x3d: {  	(erf) = vpow2.f32 v25;
	v24 =	vmul.f32 $1.442695020e+00, v26;
	_ =	sdelay $0x1  }
0x3e: {  	(erf) = vpow2.f32 v24;
	v24 =	vmul.f32 $1.442695020e+00, v27;
	_ =	sdelay $0x1  }
0x3f: {  	(erf) = vpow2.f32 v24;
	_ =	sdelay $0x3  }
0x40: {  	v24 =	vpop (erf)  }
0x41: {  	v25 =	vpop (erf)  }
0x42: {  	v26 =	vadd.f32 v25, v24  }
0x43: {  	v28 =	vpop (erf)  }
0x44: {  	v26 =	vadd.f32 v28, v26  }
0x45: {  	v29 =	vpop (erf)  }
0x46: {  	v26 =	vadd.f32 v29, v26;
	_ =	sdelay $0x1  }
0x47: {  	v26 =	vmul.f32 $4.000000000e+00, v26;
	_ =	sdelay $0x1  }
0x48: {  	(erf) = vrcp.f32 v26;
	_ =	sdelay $0x2  }
0x49: {  	[tilespmem:s28], [sflag:$0x1] =	stream.indirect.gather [hbm4b:s4+s26], $0x40, s10, s26, $0xb8;
	[tilespmem:$0x18410] =	vst v63  }
0x4a: {  	_ = 	snop  }
0x4b: {  	[tilespmem:s29], [sflag:$0x1] =	stream.indirect.gather [hbm4b:s5+s26], $0x40, s11, s26, $0xb8;
	[tilespmem:$0x18410] =	vst v63  }
0x4c: {  	_ = 	snop  }
0x4d: {  	[tilespmem:s30], [sflag:$0x2] =	stream.indirect.gather [hbm4b:s6+s26], $0x40, s13, s26, $0xb8;
	[tilespmem:$0x18410] =	vst v63  }
0x4e: {  	_ = 	snop  }
0x4f: {  	[tilespmem:s31], [sflag:$0x2] =	stream.indirect.gather [hbm4b:s7+s26], $0x40, s14, s26, $0xb8;
	v30 =	vpop (erf);
	[tilespmem:$0x18410] =	vst v63  }
0x50: {  	_ =	swait.ge [sflag:s0], $0x4000  }
0x51: {  	[sflag:s0] =	ssyncset.done $0x0  }
0x52: {  	[sflag:s0] =	ssyncadd.s32 $0xFFFFC000  }
0x53: {  	_ =	swait.ge [sflag:s3], $0x4000  }
0x54: {  	[sflag:s3] =	ssyncset.done $0x0  }
0x55: {  	s9 =	simm.s32 $0x0;
	[sflag:s3] =	ssyncadd.s32 $0xFFFFC000  }
0x56: {  	v31 =	vld [tilespmem:s9+$0x8030]  }
0x57: {  	v32 =	vld [tilespmem:s9+$0xA030]  }
0x58: {  	v33 =	vld [tilespmem:s9+$0x8000]  }
0x59: {  	v34 =	vld [tilespmem:s9+$0xD430]  }
0x5a: {  	v35 =	vld [tilespmem:s9+$0xA000]  }
0x5b: {  	v26 =	vmul.f32 v30, v24;
	v27 =	vmul.f32 v30, v25;
	v36 =	vld [tilespmem:s9+$0xF430]  }
0x5c: {  	v24 =	vmul.f32 v30, v28;
	v28 =	vld [tilespmem:s9+$0x8010]  }
0x5d: {  	v37 =	vld [tilespmem:s9+$0xA010];
	v31 =	vmul.f32 v31, v26;
	v32 =	vmul.f32 v32, v27  }
0x5e: {  	v38 =	vld [tilespmem:s9+$0x8020]  }
0x5f: {  	v25 =	vmul.f32 v30, v29;
	v58 =	vld [tilespmem:s9+$0xA020];
	v30 =	vmul.f32 v34, v24;
	v29 =	vadd.f32 v32, v31  }
0x60: {  	v39 =	vld [tilespmem:s9+$0xD400]  }
0x61: {  	v59 =	vld [tilespmem:s9+$0xD410];
	v31 =	vmul.f32 v36, v25;
	v30 =	vadd.f32 v30, v29  }
0x62: {  	v33 =	vmul.f32 v33, v26;
	v60 =	vmul.f32 v35, v27;
	v29 =	vld [tilespmem:s9+$0xD420]  }
0x63: {  	v28 =	vmul.f32 v28, v26;
	v37 =	vmul.f32 v37, v27;
	v61 =	vadd.f32 v31, v30;
	v31 =	vld [tilespmem:s9+$0xF400]  }
0x64: {  	v62 =	vmul.f32 v38, v26;
	v63 =	vmul.f32 v58, v27;
	v30 =	vld [tilespmem:s9+$0xF410]  }
0x65: {  	s10 =	simm.s32 $0x40;
	v33 =	vadd.f32 v60, v33;
	v34 =	vadd.f32 v37, v28;
	v32 =	vld [tilespmem:s9+$0xF420];
	v37 =	vmul.f32 v39, v24;
	[tilespmem:s9+$0x30] =	vst v61  }
0x66: {  	s11 =	simm.s32 $0x200;
	v36 =	vmul.f32 v59, v24;
	v35 =	vadd.f32 v63, v62;
	v28 =	vld [tilespmem:s10+$0x8030]  }
.LBB2_2:
0x67: {  	p0 =	sne.s32 s11, $0x7F00;
	v38 =	vld [tilespmem:s10+$0xA030];
	v33 =	vadd.f32 v37, v33;
	v29 =	vmul.f32 v29, v24  }
0x68: {  	v37 =	vld [tilespmem:s10+$0x8000];
	v31 =	vmul.f32 v31, v25;
	v34 =	vadd.f32 v36, v34  }
0x69: {  	v36 =	vld [tilespmem:s10+$0xD430];
	v30 =	vmul.f32 v30, v25;
	v29 =	vadd.f32 v29, v35  }
0x6a: {  	v35 =	vld [tilespmem:s10+$0xA000];
	v31 =	vadd.f32 v31, v33;
	v32 =	vmul.f32 v32, v25  }
0x6b: {  	v33 =	vld [tilespmem:s10+$0xF430];
	v30 =	vadd.f32 v30, v34  }
0x6c: {  	v28 =	vmul.f32 v28, v26;
	v34 =	vld [tilespmem:s10+$0x8010];
	v38 =	vmul.f32 v38, v27;
	[tilespmem:s9+$0x0] =	vst v31;
	v29 =	vadd.f32 v32, v29  }
0x6d: {  	v31 =	vmul.f32 v37, v26;
	v32 =	vld [tilespmem:s10+$0xA010];
	[tilespmem:s9+$0x10] =	vst v30  }
0x6e: {  	v30 =	vld [tilespmem:s10+$0x8020];
	v28 =	vadd.f32 v38, v28;
	v36 =	vmul.f32 v36, v24;
	[tilespmem:s9+$0x20] =	vst v29;
	s9 =	smov.u32 s10  }
0x6f: {  	v29 =	vmul.f32 v35, v27;
	v35 =	vld [tilespmem:s9+$0xA020]  }
0x70: {  	v37 =	vld [tilespmem:s9+$0xD400];
	v28 =	vadd.f32 v36, v28;
	v36 =	vmul.f32 v33, v25  }
0x71: {  	v33 =	vadd.f32 v29, v31;
	v34 =	vmul.f32 v34, v26;
	v38 =	vld [tilespmem:s9+$0xD410]  }
.Ltmp0:
0x72: {  	v32 =	vmul.f32 v32, v27;
	v29 =	vld [tilespmem:s9+$0xD420];
	v28 =	vadd.f32 v36, v28;
	(pc) =	sbr.rel @p0 .LBB2_2-.Ltmp0, $4  }
0x73: {  	v31 =	vld [tilespmem:s9+$0xF400];
	v39 =	vmul.f32 v30, v26  }
0x74: {  	v34 =	vadd.f32 v32, v34;
	v30 =	vld [tilespmem:s9+$0xF410];
	v35 =	vmul.f32 v35, v27;
	[tilespmem:s9+$0x30] =	vst v28  }
0x75: {  	s10 =	sshra.s32 s11, $0x2;
	v37 =	vmul.f32 v37, v24;
	v32 =	vld [tilespmem:s9+$0xF420]  }
0x76: {  	s11 =	sadd.s32 $0x100, s11;
	v28 =	vld [tilespmem:s10+$0x8030];
	v36 =	vmul.f32 v38, v24;
	v35 =	vadd.f32 v35, v39  }
0x77: {  	v38 =	vld [tilespmem:s10+$0xA030]  }
0x78: {  	v39 =	vld [tilespmem:s10+$0x8000];
	v33 =	vadd.f32 v37, v33;
	v29 =	vmul.f32 v29, v24;
	v31 =	vmul.f32 v31, v25  }
0x79: {  	v63 =	vld [tilespmem:s10+$0xD430];
	v34 =	vadd.f32 v36, v34;
	v30 =	vmul.f32 v30, v25  }
0x7a: {  	v40 =	vld [tilespmem:s10+$0xA000];
	v29 =	vadd.f32 v29, v35;
	v31 =	vadd.f32 v31, v33;
	v32 =	vmul.f32 v32, v25  }
0x7b: {  	v42 =	vld [tilespmem:s10+$0xF430];
	v30 =	vadd.f32 v30, v34  }
0x7c: {  	v43 =	vld [tilespmem:s10+$0x8010];
	[tilespmem:s9+$0x0] =	vst v31;
	v29 =	vadd.f32 v32, v29  }
0x7d: {  	v28 =	vmul.f32 v28, v26;
	v31 =	vld [tilespmem:s10+$0xA010];
	[tilespmem:s9+$0x10] =	vst v30;
	v30 =	vmul.f32 v38, v27  }
0x7e: {  	v44 =	vld [tilespmem:s10+$0x8020];
	[tilespmem:s9+$0x20] =	vst v29  }
0x7f: {  	v28 =	vadd.f32 v30, v28;
	v30 =	vld [tilespmem:s10+$0xA020]  }
0x80: {  	v29 =	vmul.f32 v63, v24;
	v45 =	vld [tilespmem:s10+$0xD400]  }
0x81: {  	v46 =	vld [tilespmem:s10+$0xD410]  }
0x82: {  	v47 =	vld [tilespmem:s10+$0xD420];
	v28 =	vadd.f32 v29, v28;
	v29 =	vmul.f32 v42, v25  }
0x83: {  	v50 =	vld [tilespmem:s10+$0xF410]  }
0x84: {  	v36 =	vmul.f32 v43, v26;
	v31 =	vmul.f32 v31, v27;
	v28 =	vadd.f32 v29, v28;
	v29 =	vld [tilespmem:s10+$0xF400]  }
0x85: {  	v48 =	vmul.f32 v39, v26;
	v49 =	vmul.f32 v40, v27  }
0x86: {  	v51 =	vld [tilespmem:s10+$0xF420];
	v30 =	vmul.f32 v30, v27;
	v31 =	vadd.f32 v31, v36;
	v33 =	vmul.f32 v46, v24  }
0x87: {  	v37 =	vadd.f32 v49, v48;
	v34 =	vmul.f32 v45, v24;
	[tilespmem:s10+$0x30] =	vst v28;
	v28 =	vmul.f32 v44, v26  }
0x88: {  	v52 =	vmul.f32 v47, v24;
	v53 =	vmul.f32 v50, v25;
	v31 =	vadd.f32 v33, v31  }
0x89: {  	v28 =	vadd.f32 v30, v28;
	v30 =	vadd.f32 v34, v37;
	v29 =	vmul.f32 v29, v25  }
0x8a: {  	v31 =	vadd.f32 v53, v31  }
0x8b: {  	v28 =	vadd.f32 v52, v28;
	v29 =	vadd.f32 v29, v30;
	v30 =	vmul.f32 v51, v25;
	_ =	sdelay $0x1  }
0x8c: {  	[tilespmem:s10+$0x10] =	vst v31;
	v28 =	vadd.f32 v30, v28  }
0x8d: {  	[tilespmem:s10+$0x0] =	vst v29  }
0x8e: {  	s13 =	simm.s32 $0x15080;
	[tilespmem:s10+$0x20] =	vst v28  }
0x8f: {  	[tilespmem:s28], [sflag:$0x1] =	stream.indirect.gather [hbm4b:s4+s26], $0x40, s13, s26, $0xb8;
	[tilespmem:$0x18410] =	vst v63  }
0x90: {  	s14 =	simm.s32 $0x15480  }
0x91: {  	[tilespmem:s29], [sflag:$0x1] =	stream.indirect.gather [hbm4b:s5+s26], $0x40, s14, s26, $0xb8;
	[tilespmem:$0x18410] =	vst v63  }
0x92: {  	s16 =	simm.s32 $0x15680  }
0x93: {  	[tilespmem:s30], [sflag:$0x2] =	stream.indirect.gather [hbm4b:s6+s26], $0x40, s16, s26, $0xb8;
	[tilespmem:$0x18410] =	vst v63  }
0x94: {  	s17 =	simm.s32 $0x15880  }
0x95: {  	[tilespmem:s31], [sflag:$0x2] =	stream.indirect.gather [hbm4b:s7+s26], $0x40, s17, s26, $0xb8;
	[tilespmem:$0x18410] =	vst v63  }
0x96: {  	_ =	swait.ge [sflag:s0], $0x4000  }
0x97: {  	[sflag:s0] =	ssyncset.done $0x0  }
0x98: {  	[sflag:s0] =	ssyncadd.s32 $0xFFFFC000  }
0x99: {  	_ =	swait.ge [sflag:s3], $0x4000  }
0x9a: {  	[sflag:s3] =	ssyncset.done $0x0  }
0x9b: {  	s9 =	simm.s32 $0x0;
	[sflag:s3] =	ssyncadd.s32 $0xFFFFC000  }
0x9c: {  	v28 =	vld [tilespmem:s9+$0x8030]  }
0x9d: {  	v29 =	vld [tilespmem:s9+$0xA030]  }
0x9e: {  	v30 =	vld [tilespmem:s9+$0x8000]  }
0x9f: {  	v31 =	vld [tilespmem:s9+$0xD430]  }
0xa0: {  	v54 =	vld [tilespmem:s9+$0xA000]  }
0xa1: {  	v55 =	vld [tilespmem:s9+$0xF430]  }
0xa2: {  	v56 =	vld [tilespmem:s9+$0x8010]  }
0xa3: {  	v57 =	vld [tilespmem:s9+$0xA010];
	v28 =	vmul.f32 v28, v26;
	v29 =	vmul.f32 v29, v27  }
0xa4: {  	v58 =	vld [tilespmem:s9+$0x8020]  }
0xa5: {  	v59 =	vld [tilespmem:s9+$0xA020];
	v28 =	vadd.f32 v29, v28;
	v29 =	vmul.f32 v31, v24  }
0xa6: {  	v60 =	vld [tilespmem:s9+$0xD400]  }
0xa7: {  	v61 =	vld [tilespmem:s9+$0xD410];
	v31 =	vmul.f32 v55, v25;
	v28 =	vadd.f32 v29, v28  }
0xa8: {  	v62 =	vmul.f32 v30, v26;
	v32 =	vmul.f32 v54, v27;
	v29 =	vld [tilespmem:s9+$0xD420]  }
0xa9: {  	v34 =	vmul.f32 v56, v26;
	v35 =	vmul.f32 v57, v27;
	v28 =	vadd.f32 v31, v28;
	v31 =	vld [tilespmem:s9+$0xF400]  }
0xaa: {  	v30 =	vld [tilespmem:s9+$0xF410];
	v63 =	vmul.f32 v58, v26;
	v41 =	vmul.f32 v59, v27  }
0xab: {  	s10 =	simm.s32 $0x40;
	v37 =	vmul.f32 v60, v24;
	v33 =	vadd.f32 v32, v62;
	v32 =	vld [tilespmem:s9+$0xF420];
	[tilespmem:s9+$0x2030] =	vst v28  }
0xac: {  	s11 =	simm.s32 $0x200;
	v36 =	vmul.f32 v61, v24;
	v34 =	vadd.f32 v35, v34;
	v35 =	vadd.f32 v41, v63;
	v28 =	vld [tilespmem:s10+$0x8030]  }
.LBB2_4:
0xad: {  	p0 =	sne.s32 s11, $0x7F00;
	v38 =	vld [tilespmem:s10+$0xA030];
	v33 =	vadd.f32 v37, v33;
	v29 =	vmul.f32 v29, v24  }
0xae: {  	v37 =	vld [tilespmem:s10+$0x8000];
	v31 =	vmul.f32 v31, v25;
	v34 =	vadd.f32 v36, v34  }
0xaf: {  	v36 =	vld [tilespmem:s10+$0xD430];
	v30 =	vmul.f32 v30, v25;
	v29 =	vadd.f32 v29, v35  }
0xb0: {  	v35 =	vld [tilespmem:s10+$0xA000];
	v31 =	vadd.f32 v31, v33;
	v32 =	vmul.f32 v32, v25  }
0xb1: {  	v33 =	vld [tilespmem:s10+$0xF430];
	v30 =	vadd.f32 v30, v34  }
0xb2: {  	v28 =	vmul.f32 v28, v26;
	v34 =	vld [tilespmem:s10+$0x8010];
	v38 =	vmul.f32 v38, v27;
	[tilespmem:s9+$0x2000] =	vst v31;
	v29 =	vadd.f32 v32, v29  }
0xb3: {  	v31 =	vmul.f32 v37, v26;
	v32 =	vld [tilespmem:s10+$0xA010];
	[tilespmem:s9+$0x2010] =	vst v30  }
0xb4: {  	v30 =	vld [tilespmem:s10+$0x8020];
	v28 =	vadd.f32 v38, v28;
	v36 =	vmul.f32 v36, v24;
	[tilespmem:s9+$0x2020] =	vst v29;
	s9 =	smov.u32 s10  }
0xb5: {  	v29 =	vmul.f32 v35, v27;
	v35 =	vld [tilespmem:s9+$0xA020]  }
0xb6: {  	v37 =	vld [tilespmem:s9+$0xD400];
	v28 =	vadd.f32 v36, v28;
	v36 =	vmul.f32 v33, v25  }
0xb7: {  	v33 =	vadd.f32 v29, v31;
	v34 =	vmul.f32 v34, v26;
	v38 =	vld [tilespmem:s9+$0xD410]  }
.Ltmp1:
0xb8: {  	v32 =	vmul.f32 v32, v27;
	v29 =	vld [tilespmem:s9+$0xD420];
	v28 =	vadd.f32 v36, v28;
	(pc) =	sbr.rel @p0 .LBB2_4-.Ltmp1, $4  }
0xb9: {  	v31 =	vld [tilespmem:s9+$0xF400];
	v39 =	vmul.f32 v30, v26  }
0xba: {  	v34 =	vadd.f32 v32, v34;
	v30 =	vld [tilespmem:s9+$0xF410];
	v35 =	vmul.f32 v35, v27;
	[tilespmem:s9+$0x2030] =	vst v28  }
0xbb: {  	s10 =	sshra.s32 s11, $0x2;
	v37 =	vmul.f32 v37, v24;
	v32 =	vld [tilespmem:s9+$0xF420]  }
0xbc: {  	s11 =	sadd.s32 $0x100, s11;
	v28 =	vld [tilespmem:s10+$0x8030];
	v36 =	vmul.f32 v38, v24;
	v35 =	vadd.f32 v35, v39  }
0xbd: {  	v38 =	vld [tilespmem:s10+$0xA030]  }
0xbe: {  	v39 =	vld [tilespmem:s10+$0x8000];
	v33 =	vadd.f32 v37, v33;
	v29 =	vmul.f32 v29, v24;
	v31 =	vmul.f32 v31, v25  }
0xbf: {  	v63 =	vld [tilespmem:s10+$0xD430];
	v34 =	vadd.f32 v36, v34;
	v30 =	vmul.f32 v30, v25  }
0xc0: {  	v40 =	vld [tilespmem:s10+$0xA000];
	v29 =	vadd.f32 v29, v35;
	v31 =	vadd.f32 v31, v33;
	v32 =	vmul.f32 v32, v25  }
0xc1: {  	v42 =	vld [tilespmem:s10+$0xF430];
	v30 =	vadd.f32 v30, v34  }
0xc2: {  	v43 =	vld [tilespmem:s10+$0x8010];
	[tilespmem:s9+$0x2000] =	vst v31;
	v29 =	vadd.f32 v32, v29  }
0xc3: {  	v28 =	vmul.f32 v28, v26;
	v31 =	vld [tilespmem:s10+$0xA010];
	[tilespmem:s9+$0x2010] =	vst v30;
	v30 =	vmul.f32 v38, v27  }
0xc4: {  	v44 =	vld [tilespmem:s10+$0x8020];
	[tilespmem:s9+$0x2020] =	vst v29  }
0xc5: {  	v28 =	vadd.f32 v30, v28;
	v30 =	vld [tilespmem:s10+$0xA020]  }
0xc6: {  	v29 =	vmul.f32 v63, v24;
	v45 =	vld [tilespmem:s10+$0xD400]  }
0xc7: {  	v46 =	vld [tilespmem:s10+$0xD410]  }
0xc8: {  	v47 =	vld [tilespmem:s10+$0xD420];
	v28 =	vadd.f32 v29, v28;
	v29 =	vmul.f32 v42, v25  }
0xc9: {  	v50 =	vld [tilespmem:s10+$0xF410]  }
0xca: {  	v36 =	vmul.f32 v43, v26;
	v31 =	vmul.f32 v31, v27;
	v28 =	vadd.f32 v29, v28;
	v29 =	vld [tilespmem:s10+$0xF400]  }
0xcb: {  	v48 =	vmul.f32 v39, v26;
	v49 =	vmul.f32 v40, v27  }
0xcc: {  	v51 =	vld [tilespmem:s10+$0xF420];
	v30 =	vmul.f32 v30, v27;
	v31 =	vadd.f32 v31, v36;
	v33 =	vmul.f32 v46, v24  }
0xcd: {  	v37 =	vadd.f32 v49, v48;
	v34 =	vmul.f32 v45, v24;
	[tilespmem:s10+$0x2030] =	vst v28;
	v28 =	vmul.f32 v44, v26  }
0xce: {  	v52 =	vmul.f32 v47, v24;
	v53 =	vmul.f32 v50, v25;
	v31 =	vadd.f32 v33, v31  }
0xcf: {  	v28 =	vadd.f32 v30, v28;
	v30 =	vadd.f32 v34, v37;
	v29 =	vmul.f32 v29, v25  }
0xd0: {  	v31 =	vadd.f32 v53, v31  }
0xd1: {  	v28 =	vadd.f32 v52, v28;
	v29 =	vadd.f32 v29, v30;
	v30 =	vmul.f32 v51, v25;
	_ =	sdelay $0x1  }
0xd2: {  	[tilespmem:s10+$0x2010] =	vst v31;
	v28 =	vadd.f32 v30, v28  }
0xd3: {  	[tilespmem:s10+$0x2000] =	vst v29  }
0xd4: {  	s13 =	simm.s32 $0x15100;
	[tilespmem:s10+$0x2020] =	vst v28  }
0xd5: {  	[tilespmem:s28], [sflag:$0x1] =	stream.indirect.gather [hbm4b:s4+s26], $0x40, s13, s26, $0xb8;
	[tilespmem:$0x18410] =	vst v63  }
0xd6: {  	s14 =	simm.s32 $0x15500  }
0xd7: {  	[tilespmem:s29], [sflag:$0x1] =	stream.indirect.gather [hbm4b:s5+s26], $0x40, s14, s26, $0xb8;
	[tilespmem:$0x18410] =	vst v63  }
0xd8: {  	s16 =	simm.s32 $0x15700  }
0xd9: {  	[tilespmem:s30], [sflag:$0x2] =	stream.indirect.gather [hbm4b:s6+s26], $0x40, s16, s26, $0xb8;
	[tilespmem:$0x18410] =	vst v63  }
0xda: {  	s17 =	simm.s32 $0x15900  }
0xdb: {  	[tilespmem:s31], [sflag:$0x2] =	stream.indirect.gather [hbm4b:s7+s26], $0x40, s17, s26, $0xb8;
	[tilespmem:$0x18410] =	vst v63  }
0xdc: {  	_ =	swait.ge [sflag:s0], $0x4000  }
0xdd: {  	[sflag:s0] =	ssyncset.done $0x0  }
0xde: {  	[sflag:s0] =	ssyncadd.s32 $0xFFFFC000  }
0xdf: {  	_ =	swait.ge [sflag:s3], $0x4000  }
0xe0: {  	[sflag:s3] =	ssyncset.done $0x0  }
0xe1: {  	s9 =	simm.s32 $0x0;
	[sflag:s3] =	ssyncadd.s32 $0xFFFFC000  }
0xe2: {  	v28 =	vld [tilespmem:s9+$0x8030]  }
0xe3: {  	v29 =	vld [tilespmem:s9+$0xA030]  }
0xe4: {  	v30 =	vld [tilespmem:s9+$0x8000]  }
0xe5: {  	v31 =	vld [tilespmem:s9+$0xD430]  }
0xe6: {  	v54 =	vld [tilespmem:s9+$0xA000]  }
0xe7: {  	v55 =	vld [tilespmem:s9+$0xF430]  }
0xe8: {  	v56 =	vld [tilespmem:s9+$0x8010]  }
0xe9: {  	v57 =	vld [tilespmem:s9+$0xA010];
	v28 =	vmul.f32 v28, v26;
	v29 =	vmul.f32 v29, v27  }
0xea: {  	v58 =	vld [tilespmem:s9+$0x8020]  }
0xeb: {  	v59 =	vld [tilespmem:s9+$0xA020];
	v28 =	vadd.f32 v29, v28;
	v29 =	vmul.f32 v31, v24  }
0xec: {  	v60 =	vld [tilespmem:s9+$0xD400]  }
0xed: {  	v61 =	vld [tilespmem:s9+$0xD410];
	v31 =	vmul.f32 v55, v25;
	v28 =	vadd.f32 v29, v28  }
0xee: {  	v62 =	vmul.f32 v30, v26;
	v32 =	vmul.f32 v54, v27;
	v29 =	vld [tilespmem:s9+$0xD420]  }
0xef: {  	v34 =	vmul.f32 v56, v26;
	v35 =	vmul.f32 v57, v27;
	v28 =	vadd.f32 v31, v28;
	v31 =	vld [tilespmem:s9+$0xF400]  }
0xf0: {  	v30 =	vld [tilespmem:s9+$0xF410];
	v63 =	vmul.f32 v58, v26;
	v41 =	vmul.f32 v59, v27  }
0xf1: {  	s10 =	simm.s32 $0x40;
	v37 =	vmul.f32 v60, v24;
	v33 =	vadd.f32 v32, v62;
	v32 =	vld [tilespmem:s9+$0xF420];
	[tilespmem:s9+$0x4030] =	vst v28  }
0xf2: {  	s11 =	simm.s32 $0x200;
	v36 =	vmul.f32 v61, v24;
	v34 =	vadd.f32 v35, v34;
	v35 =	vadd.f32 v41, v63;
	v28 =	vld [tilespmem:s10+$0x8030]  }
.LBB2_6:
0xf3: {  	p0 =	sne.s32 s11, $0x7F00;
	v38 =	vld [tilespmem:s10+$0xA030];
	v33 =	vadd.f32 v37, v33;
	v29 =	vmul.f32 v29, v24  }
0xf4: {  	v37 =	vld [tilespmem:s10+$0x8000];
	v31 =	vmul.f32 v31, v25;
	v34 =	vadd.f32 v36, v34  }
0xf5: {  	v36 =	vld [tilespmem:s10+$0xD430];
	v30 =	vmul.f32 v30, v25;
	v29 =	vadd.f32 v29, v35  }
0xf6: {  	v35 =	vld [tilespmem:s10+$0xA000];
	v31 =	vadd.f32 v31, v33;
	v32 =	vmul.f32 v32, v25  }
0xf7: {  	v33 =	vld [tilespmem:s10+$0xF430];
	v30 =	vadd.f32 v30, v34  }
0xf8: {  	v28 =	vmul.f32 v28, v26;
	v34 =	vld [tilespmem:s10+$0x8010];
	v38 =	vmul.f32 v38, v27;
	[tilespmem:s9+$0x4000] =	vst v31;
	v29 =	vadd.f32 v32, v29  }
0xf9: {  	v31 =	vmul.f32 v37, v26;
	v32 =	vld [tilespmem:s10+$0xA010];
	[tilespmem:s9+$0x4010] =	vst v30  }
0xfa: {  	v30 =	vld [tilespmem:s10+$0x8020];
	v28 =	vadd.f32 v38, v28;
	v36 =	vmul.f32 v36, v24;
	[tilespmem:s9+$0x4020] =	vst v29;
	s9 =	smov.u32 s10  }
0xfb: {  	v29 =	vmul.f32 v35, v27;
	v35 =	vld [tilespmem:s9+$0xA020]  }
0xfc: {  	v37 =	vld [tilespmem:s9+$0xD400];
	v28 =	vadd.f32 v36, v28;
	v36 =	vmul.f32 v33, v25  }
0xfd: {  	v33 =	vadd.f32 v29, v31;
	v34 =	vmul.f32 v34, v26;
	v38 =	vld [tilespmem:s9+$0xD410]  }
.Ltmp2:
0xfe: {  	v32 =	vmul.f32 v32, v27;
	v29 =	vld [tilespmem:s9+$0xD420];
	v28 =	vadd.f32 v36, v28;
	(pc) =	sbr.rel @p0 .LBB2_6-.Ltmp2, $4  }
0xff: {  	v31 =	vld [tilespmem:s9+$0xF400];
	v39 =	vmul.f32 v30, v26  }
0x100: {  	v34 =	vadd.f32 v32, v34;
	v30 =	vld [tilespmem:s9+$0xF410];
	v35 =	vmul.f32 v35, v27;
	[tilespmem:s9+$0x4030] =	vst v28  }
0x101: {  	s10 =	sshra.s32 s11, $0x2;
	v37 =	vmul.f32 v37, v24;
	v32 =	vld [tilespmem:s9+$0xF420]  }
0x102: {  	s11 =	sadd.s32 $0x100, s11;
	v28 =	vld [tilespmem:s10+$0x8030];
	v36 =	vmul.f32 v38, v24;
	v35 =	vadd.f32 v35, v39  }
0x103: {  	v38 =	vld [tilespmem:s10+$0xA030]  }
0x104: {  	v39 =	vld [tilespmem:s10+$0x8000];
	v33 =	vadd.f32 v37, v33;
	v29 =	vmul.f32 v29, v24;
	v31 =	vmul.f32 v31, v25  }
0x105: {  	v63 =	vld [tilespmem:s10+$0xD430];
	v34 =	vadd.f32 v36, v34;
	v30 =	vmul.f32 v30, v25  }
0x106: {  	v40 =	vld [tilespmem:s10+$0xA000];
	v29 =	vadd.f32 v29, v35;
	v31 =	vadd.f32 v31, v33;
	v32 =	vmul.f32 v32, v25  }
0x107: {  	v42 =	vld [tilespmem:s10+$0xF430];
	v30 =	vadd.f32 v30, v34  }
0x108: {  	v43 =	vld [tilespmem:s10+$0x8010];
	[tilespmem:s9+$0x4000] =	vst v31;
	v29 =	vadd.f32 v32, v29  }
0x109: {  	v28 =	vmul.f32 v28, v26;
	v31 =	vld [tilespmem:s10+$0xA010];
	[tilespmem:s9+$0x4010] =	vst v30;
	v30 =	vmul.f32 v38, v27  }
0x10a: {  	v44 =	vld [tilespmem:s10+$0x8020];
	[tilespmem:s9+$0x4020] =	vst v29  }
0x10b: {  	v28 =	vadd.f32 v30, v28;
	v30 =	vld [tilespmem:s10+$0xA020]  }
0x10c: {  	v29 =	vmul.f32 v63, v24;
	v45 =	vld [tilespmem:s10+$0xD400]  }
0x10d: {  	v46 =	vld [tilespmem:s10+$0xD410]  }
0x10e: {  	v47 =	vld [tilespmem:s10+$0xD420];
	v28 =	vadd.f32 v29, v28;
	v29 =	vmul.f32 v42, v25  }
0x10f: {  	v50 =	vld [tilespmem:s10+$0xF410]  }
0x110: {  	v36 =	vmul.f32 v43, v26;
	v31 =	vmul.f32 v31, v27;
	v28 =	vadd.f32 v29, v28;
	v29 =	vld [tilespmem:s10+$0xF400]  }
0x111: {  	v48 =	vmul.f32 v39, v26;
	v49 =	vmul.f32 v40, v27  }
0x112: {  	v51 =	vld [tilespmem:s10+$0xF420];
	v30 =	vmul.f32 v30, v27;
	v31 =	vadd.f32 v31, v36;
	v33 =	vmul.f32 v46, v24  }
0x113: {  	v37 =	vadd.f32 v49, v48;
	v34 =	vmul.f32 v45, v24;
	[tilespmem:s10+$0x4030] =	vst v28;
	v28 =	vmul.f32 v44, v26  }
0x114: {  	v52 =	vmul.f32 v47, v24;
	v53 =	vmul.f32 v50, v25;
	v31 =	vadd.f32 v33, v31  }
0x115: {  	v28 =	vadd.f32 v30, v28;
	v30 =	vadd.f32 v34, v37;
	v29 =	vmul.f32 v29, v25  }
0x116: {  	v31 =	vadd.f32 v53, v31  }
0x117: {  	v28 =	vadd.f32 v52, v28;
	v29 =	vadd.f32 v29, v30;
	v30 =	vmul.f32 v51, v25;
	_ =	sdelay $0x1  }
0x118: {  	[tilespmem:s10+$0x4010] =	vst v31;
	v28 =	vadd.f32 v30, v28  }
0x119: {  	[tilespmem:s10+$0x4000] =	vst v29  }
0x11a: {  	s13 =	simm.s32 $0x15180;
	[tilespmem:s10+$0x4020] =	vst v28  }
0x11b: {  	[tilespmem:s28], [sflag:$0x1] =	stream.indirect.gather [hbm4b:s4+s26], $0x40, s13, s26, $0xb8;
	[tilespmem:$0x18410] =	vst v63  }
0x11c: {  	s14 =	simm.s32 $0x15580  }
0x11d: {  	[tilespmem:s29], [sflag:$0x1] =	stream.indirect.gather [hbm4b:s5+s26], $0x40, s14, s26, $0xb8;
	[tilespmem:$0x18410] =	vst v63  }
0x11e: {  	s16 =	simm.s32 $0x15780  }
0x11f: {  	[tilespmem:s30], [sflag:$0x2] =	stream.indirect.gather [hbm4b:s6+s26], $0x40, s16, s26, $0xb8;
	[tilespmem:$0x18410] =	vst v63  }
0x120: {  	s17 =	simm.s32 $0x15980  }
0x121: {  	[tilespmem:s31], [sflag:$0x2] =	stream.indirect.gather [hbm4b:s7+s26], $0x40, s17, s26, $0xb8;
	[tilespmem:$0x18410] =	vst v63  }
0x122: {  	_ =	swait.ge [sflag:s0], $0x4000  }
0x123: {  	[sflag:s0] =	ssyncset.done $0x0  }
0x124: {  	[sflag:s0] =	ssyncadd.s32 $0xFFFFC000  }
0x125: {  	_ =	swait.ge [sflag:s3], $0x4000  }
0x126: {  	[sflag:s3] =	ssyncset.done $0x0  }
0x127: {  	s9 =	simm.s32 $0x0;
	[sflag:s3] =	ssyncadd.s32 $0xFFFFC000  }
0x128: {  	v28 =	vld [tilespmem:s9+$0x8030]  }
0x129: {  	v29 =	vld [tilespmem:s9+$0xA030]  }
0x12a: {  	v30 =	vld [tilespmem:s9+$0x8000]  }
0x12b: {  	v31 =	vld [tilespmem:s9+$0xD430]  }
0x12c: {  	v54 =	vld [tilespmem:s9+$0xA000]  }
0x12d: {  	v55 =	vld [tilespmem:s9+$0xF430]  }
0x12e: {  	v56 =	vld [tilespmem:s9+$0x8010]  }
0x12f: {  	v57 =	vld [tilespmem:s9+$0xA010];
	v28 =	vmul.f32 v28, v26;
	v29 =	vmul.f32 v29, v27  }
0x130: {  	v58 =	vld [tilespmem:s9+$0x8020]  }
0x131: {  	v59 =	vld [tilespmem:s9+$0xA020];
	v28 =	vadd.f32 v29, v28;
	v29 =	vmul.f32 v31, v24  }
0x132: {  	v60 =	vld [tilespmem:s9+$0xD400]  }
0x133: {  	v61 =	vld [tilespmem:s9+$0xD410];
	v31 =	vmul.f32 v55, v25;
	v28 =	vadd.f32 v29, v28  }
0x134: {  	v62 =	vmul.f32 v30, v26;
	v32 =	vmul.f32 v54, v27;
	v29 =	vld [tilespmem:s9+$0xD420]  }
0x135: {  	v34 =	vmul.f32 v56, v26;
	v35 =	vmul.f32 v57, v27;
	v28 =	vadd.f32 v31, v28;
	v31 =	vld [tilespmem:s9+$0xF400]  }
0x136: {  	v30 =	vld [tilespmem:s9+$0xF410];
	v63 =	vmul.f32 v58, v26;
	v41 =	vmul.f32 v59, v27  }
0x137: {  	s10 =	simm.s32 $0x40;
	v37 =	vmul.f32 v60, v24;
	v33 =	vadd.f32 v32, v62;
	v32 =	vld [tilespmem:s9+$0xF420];
	[tilespmem:s9+$0x6030] =	vst v28  }
0x138: {  	s11 =	simm.s32 $0x200;
	v36 =	vmul.f32 v61, v24;
	v34 =	vadd.f32 v35, v34;
	v35 =	vadd.f32 v41, v63;
	v28 =	vld [tilespmem:s10+$0x8030]  }
.LBB2_8:
0x139: {  	p0 =	sne.s32 s11, $0x7F00;
	v38 =	vld [tilespmem:s10+$0xA030];
	v33 =	vadd.f32 v37, v33;
	v29 =	vmul.f32 v29, v24  }
0x13a: {  	v37 =	vld [tilespmem:s10+$0x8000];
	v31 =	vmul.f32 v31, v25;
	v34 =	vadd.f32 v36, v34  }
0x13b: {  	v36 =	vld [tilespmem:s10+$0xD430];
	v30 =	vmul.f32 v30, v25;
	v29 =	vadd.f32 v29, v35  }
0x13c: {  	v35 =	vld [tilespmem:s10+$0xA000];
	v31 =	vadd.f32 v31, v33;
	v32 =	vmul.f32 v32, v25  }
0x13d: {  	v33 =	vld [tilespmem:s10+$0xF430];
	v30 =	vadd.f32 v30, v34  }
0x13e: {  	v28 =	vmul.f32 v28, v26;
	v34 =	vld [tilespmem:s10+$0x8010];
	v38 =	vmul.f32 v38, v27;
	[tilespmem:s9+$0x6000] =	vst v31;
	v29 =	vadd.f32 v32, v29  }
0x13f: {  	v31 =	vmul.f32 v37, v26;
	v32 =	vld [tilespmem:s10+$0xA010];
	[tilespmem:s9+$0x6010] =	vst v30  }
0x140: {  	v30 =	vld [tilespmem:s10+$0x8020];
	v28 =	vadd.f32 v38, v28;
	v36 =	vmul.f32 v36, v24;
	[tilespmem:s9+$0x6020] =	vst v29;
	s9 =	smov.u32 s10  }
0x141: {  	v29 =	vmul.f32 v35, v27;
	v35 =	vld [tilespmem:s9+$0xA020]  }
0x142: {  	v37 =	vld [tilespmem:s9+$0xD400];
	v28 =	vadd.f32 v36, v28;
	v36 =	vmul.f32 v33, v25  }
0x143: {  	v33 =	vadd.f32 v29, v31;
	v34 =	vmul.f32 v34, v26;
	v38 =	vld [tilespmem:s9+$0xD410]  }
.Ltmp3:
0x144: {  	v32 =	vmul.f32 v32, v27;
	v29 =	vld [tilespmem:s9+$0xD420];
	v28 =	vadd.f32 v36, v28;
	(pc) =	sbr.rel @p0 .LBB2_8-.Ltmp3, $4  }
0x145: {  	v31 =	vld [tilespmem:s9+$0xF400];
	v39 =	vmul.f32 v30, v26  }
0x146: {  	v34 =	vadd.f32 v32, v34;
	v30 =	vld [tilespmem:s9+$0xF410];
	v35 =	vmul.f32 v35, v27;
	[tilespmem:s9+$0x6030] =	vst v28  }
0x147: {  	s10 =	sshra.s32 s11, $0x2;
	v37 =	vmul.f32 v37, v24;
	v32 =	vld [tilespmem:s9+$0xF420]  }
0x148: {  	s11 =	sadd.s32 $0x100, s11;
	v28 =	vld [tilespmem:s10+$0x8030];
	v36 =	vmul.f32 v38, v24;
	v35 =	vadd.f32 v35, v39  }
0x149: {  	v38 =	vld [tilespmem:s10+$0xA030]  }
0x14a: {  	v39 =	vld [tilespmem:s10+$0x8000];
	v33 =	vadd.f32 v37, v33;
	v29 =	vmul.f32 v29, v24;
	v31 =	vmul.f32 v31, v25  }
0x14b: {  	v59 =	vld [tilespmem:s10+$0xD430];
	v34 =	vadd.f32 v36, v34;
	v30 =	vmul.f32 v30, v25  }
0x14c: {  	v40 =	vld [tilespmem:s10+$0xA000];
	v29 =	vadd.f32 v29, v35;
	v31 =	vadd.f32 v31, v33;
	v32 =	vmul.f32 v32, v25  }
0x14d: {  	v60 =	vld [tilespmem:s10+$0xF430];
	v30 =	vadd.f32 v30, v34  }
0x14e: {  	v61 =	vld [tilespmem:s10+$0x8010];
	[tilespmem:s9+$0x6000] =	vst v31;
	v29 =	vadd.f32 v32, v29  }
0x14f: {  	v31 =	vld [tilespmem:s10+$0xA010];
	[tilespmem:s9+$0x6010] =	vst v30  }
0x150: {  	v63 =	vld [tilespmem:s10+$0x8020];
	[tilespmem:s9+$0x6020] =	vst v29  }
0x151: {  	v28 =	vmul.f32 v28, v26;
	v62 =	vmul.f32 v38, v27;
	v43 =	vld [tilespmem:s10+$0xA020]  }
0x152: {  	v44 =	vld [tilespmem:s10+$0xD400]  }
0x153: {  	v42 =	vmul.f32 v59, v24;
	v28 =	vadd.f32 v62, v28;
	v46 =	vld [tilespmem:s10+$0xD410]  }
0x154: {  	v47 =	vld [tilespmem:s10+$0xD420]  }
0x155: {  	v45 =	vmul.f32 v60, v25;
	v49 =	vmul.f32 v39, v26;
	v48 =	vld [tilespmem:s10+$0xF400];
	v28 =	vadd.f32 v42, v28  }
0x156: {  	v50 =	vmul.f32 v40, v27;
	v52 =	vmul.f32 v61, v26;
	v51 =	vld [tilespmem:s10+$0xF410]  }
0x157: {  	v55 =	vld [tilespmem:s10+$0xF420];
	v28 =	vadd.f32 v45, v28;
	v31 =	vmul.f32 v31, v27;
	v53 =	vmul.f32 v63, v26  }
0x158: {  	v56 =	vadd.f32 v50, v49;
	v54 =	vmul.f32 v43, v27;
	v34 =	vmul.f32 v44, v24  }
0x159: {  	[tilespmem:s10+$0x6030] =	vst v28;
	v28 =	vadd.f32 v31, v52;
	v57 =	vmul.f32 v46, v24;
	v59 =	vmul.f32 v47, v24  }
0x15a: {  	v29 =	vmul.f32 v48, v25;
	v26 =	vadd.f32 v54, v53;
	v58 =	vadd.f32 v34, v56  }
0x15b: {  	v60 =	vmul.f32 v51, v25;
	v28 =	vadd.f32 v57, v28  }
0x15c: {  	v62 =	vmul.f32 v55, v25;
	v24 =	vadd.f32 v59, v26;
	v61 =	vadd.f32 v29, v58  }
0x15d: {  	v63 =	vadd.f32 v60, v28  }
0x15e: {  	[tilespmem:s10+$0x6000] =	vst v61;
	v24 =	vadd.f32 v62, v24  }
0x15f: {  	[tilespmem:s10+$0x6010] =	vst v63  }
0x160: {  	[tilespmem:s10+$0x6020] =	vst v24  }
0x161: {  	[tilespmem:s28], [sflag:$0x1] =	stream.indirect.gather [hbm4b:s8+s1], $0x40, s12, s1, $0xb8;
	[tilespmem:$0x18410] =	vst v63  }
0x162: {  	s13 =	simm.s32 $0x8400  }
0x163: {  	[tilespmem:s13], [sflag:$0x1] =	stream.indirect.gather [hbm4b:s8+s26], $0x40, s15, s26, $0xb8;
	[tilespmem:$0x18410] =	vst v63  }
0x164: {  	s14 =	simm.s32 $0x12880;
	s15 =	simm.s32 $0xA400  }
0x165: {  	v21 =	vld [tilespmem:$0x1FEC0];
	[tilespmem:s15], [sflag:$0x1] =	stream.indirect.gather [hbm4b:s8+s26], $0x40, s14, s26, $0xb8  }
0x166: {  	s16 =	simm.s32 $0x12900;
	s17 =	simm.s32 $0xC400;
	v22 =	vld [tilespmem:$0x1FED0];
	s9 =	simm.s32 $0x0  }
0x167: {  	v41 =	vld [tilespmem:$0x1FEE0];
	[tilespmem:s17], [sflag:$0x1] =	stream.indirect.gather [hbm4b:s8+s18], $0x40, s16, s18, $0xb8  }
.LBB2_10:
0x168: {  	s10 =	sshllo.u32 s9, $0x1  }
0x169: {  	s11 =	sshll.u32 s10, $0x4  }
0x16a: {  	s10 =	smul.u32 $0x140, s10;
	s12 =	sadd.s32 $0x15200, s11  }
0x16b: {  	[tilespmem:s30], [sflag:$0x2] =	stream.indirect.gather [hbm4b:s8+s1], $0x40, s12, s1, $0xb8;
	[tilespmem:$0x18410] =	vst v63  }
0x16c: {  	s14 =	sshll.u32 s9, $0x5;
	v24 =	vmov s24;
	s13 =	sadd.s32 $0x12800, s10  }
0x16d: {  	v25 =	vmov s14;
	v24 =	vand.u32 $0x3F, v24;
	[tilespmem:s20], [sflag:$0x2] =	stream.indirect.gather [hbm4b:s8+s26], $0x40, s13, s26, $0xb8;
	[tilespmem:$0x18410] =	vst v63  }
0x16e: {  	v25 =	vshll.u32 v25, $0x6;
	v24 =	vbroadcast v24, $0x0;
	s15 =	sadd.s32 $0x12880, s10  }
0x16f: {  	v0 =	vor.u32 v16, v25;
	[tilespmem:s21], [sflag:$0x2] =	stream.indirect.gather [hbm4b:s8+s26], $0x40, s15, s26, $0xb8;
	[tilespmem:$0x18410] =	vst v63  }
0x170: {  	s16 =	sadd.s32 $0x12900, s10;
	[tilespmem:$0x1FEB0] =	vst v0;
	v25 =	vor.u32 v0, v24  }
0x171: {  	v26 =	vor.u32 v20, v24;
	[tilespmem:s22], [sflag:$0x2] =	stream.indirect.gather [hbm4b:s8+s18], $0x40, s16, s18, $0xb8;
	[tilespmem:$0x18410] =	vst v63  }
0x172: {  	v27 =	vor.u32 v16, v24;
	_ =	swait.ge [sflag:s0], $0x5400  }
0x173: {  	v28 =	vor.u32 v17, v24;
	[sflag:s0] =	ssyncset.done $0x0  }
0x174: {  	v29 =	vor.u32 v10, v24;
	[sflag:s0] =	ssyncadd.s32 $0xFFFFAC00  }
0x175: {  	v33 =	vor.u32 v15, v24;
	v25 =	vld.idx.msk [tilespmem:v25+s2+$0x0], $0xffff  }
0x176: {  	v35 =	vor.u32 v21, v24;
	v26 =	vld.idx.msk [tilespmem:v26+s28+$0x0], $0xffff  }
0x177: {  	v27 =	vld.idx.msk [tilespmem:v27+s28+$0x0], $0xffff  }
0x178: {  	v34 =	vimm.f32 $0.0e+00;
	v30 =	vor.u32 v12, v24;
	v28 =	vld.idx.msk [tilespmem:v28+s28+$0x0], $0xffff  }
0x179: {  	v46 =	vimm.f32 $0.0e+00;
	v45 =	vimm.f32 $0.0e+00;
	v31 =	vor.u32 v13, v24;
	v29 =	vld.idx.msk [tilespmem:v29+s28+$0x0], $0xffff  }
0x17a: {  	v44 =	vimm.f32 $0.0e+00;
	v32 =	vor.u32 v14, v24;
	v36 =	vor.u32 v22, v24;
	v33 =	vld.idx.msk [tilespmem:v33+s28+$0x0], $0xffff  }
0x17b: {  	v37 =	vor.u32 v41, v24;
	v42 =	vor.u32 v19, v24;
	v51 =	vor.u32 v2, v24;
	v43 =	vld.idx.msk [tilespmem:v35+s28+$0x0], $0xffff  }
0x17c: {  	v56 =	vor.u32 v3, v24;
	v62 =	vor.u32 v4, v24;
	v54 =	vor.u32 v6, v24  }
0x17d: {  	v52 =	vor.u32 v7, v24;
	v50 =	vor.u32 v8, v24;
	v49 =	vor.u32 v9, v24;
	v30 =	vld.idx.msk [tilespmem:v30+s28+$0x0], $0xffff  }
0x17e: {  	v47 =	vor.u32 v11, v24;
	v31 =	vld.idx.msk [tilespmem:v31+s28+$0x0], $0xffff;
	v26 =	vmul.f32 v26, v25;
	v27 =	vmul.f32 v27, v25  }
0x17f: {  	v48 =	vor.u32 v5, v24;
	v32 =	vld.idx.msk [tilespmem:v32+s28+$0x0], $0xffff;
	v28 =	vmul.f32 v28, v25;
	v29 =	vmul.f32 v29, v25  }
0x180: {  	v53 =	vld.idx.msk [tilespmem:v42+s28+$0x0], $0xffff;
	v42 =	vimm.f32 $0.0e+00;
	v59 =	vmul.f32 v33, v25;
	v60 =	vmul.f32 v43, v25  }
0x181: {  	v43 =	vimm.f32 $0.0e+00;
	v33 =	vimm.f32 $0.0e+00;
	v24 =	vadd.f32 v26, v34  }
0x182: {  	s17 =	simm.s32 $0x1;
	v40 =	vadd.f32 v27, v34;
	v26 =	vmul.f32 v30, v25;
	v39 =	vadd.f32 v28, v34  }
0x183: {  	v57 =	vld.idx.msk [tilespmem:v36+s28+$0x0], $0xffff;
	v38 =	vadd.f32 v29, v34;
	v27 =	vmul.f32 v31, v25;
	v28 =	vmov s17  }
0x184: {  	v58 =	vld.idx.msk [tilespmem:v37+s28+$0x0], $0xffff;
	v31 =	vimm.f32 $0.0e+00;
	v30 =	vimm.f32 $0.0e+00;
	v29 =	vimm.f32 $0.0e+00  }
0x185: {  	v55 =	vld.idx.msk [tilespmem:v51+s28+$0x0], $0xffff;
	v61 =	vand.u32 $0x3F, v28;
	v35 =	vadd.f32 v26, v34;
	v26 =	vmul.f32 v32, v25  }
0x186: {  	s12 =	sadd.s32 $0x100, s10;
	v51 =	vld.idx.msk [tilespmem:v56+s28+$0x0], $0xffff;
	v28 =	vimm.f32 $0.0e+00;
	v36 =	vadd.f32 v27, v34;
	v32 =	vimm.f32 $0.0e+00  }
0x187: {  	s13 =	sadd.s32 $0x80, s10;
	s15 =	sshll.u32 s9, $0x1;
	s16 =	simm.s32 $0x2;
	v56 =	vld.idx.msk [tilespmem:v62+s28+$0x0], $0xffff;
	v27 =	vimm.f32 $0.0e+00;
	v37 =	vadd.f32 v26, v34;
	v26 =	vimm.f32 $0.0e+00  }
.LBB2_11:
0x188: {  	v0 =	vld [tilespmem:$0x1FEB0]  }
0x189: {  	v3 =	vld.idx.msk [tilespmem:v49+s28+$0x0], $0xffff  }
0x18a: {  	v8 =	vld.idx.msk [tilespmem:v47+s28+$0x0], $0xffff  }
0x18b: {  	v49 =	vld [tilespmem:$0x1FF70]  }
0x18c: {  	v61 =	vbroadcast v61, $0x0;
	v34 =	vadd.f32 v59, v34;
	v59 =	vld.idx.msk [tilespmem:v54+s28+$0x0], $0xffff  }
0x18d: {  	v46 =	vadd.f32 v60, v46;
	v60 =	vld.idx.msk [tilespmem:v52+s28+$0x0], $0xffff  }
0x18e: {  	v23 =	vmovc v14;
	v1 =	vor.u32 v10, v61;
	v2 =	vor.u32 v12, v61;
	v6 =	vor.u32 v14, v61;
	v14 =	vld [tilespmem:$0x1FF10]  }
0x18f: {  	v4 =	vor.u32 v20, v61;
	v9 =	vor.u32 v21, v61;
	v21 =	vmov v12;
	v12 =	vld.idx.msk [tilespmem:v48+s28+$0x0], $0xffff  }
0x190: {  	v19 =	vmovc v20;
	v5 =	vor.u32 v13, v61;
	v20 =	vmovc v10;
	v10 =	vor.u32 v22, v61;
	v22 =	vmov v13;
	v13 =	vld [tilespmem:$0x1FF00]  }
0x191: {  	v7 =	vor.u32 v15, v61;
	v11 =	vor.u32 v41, v61;
	v41 =	vmov v15;
	v15 =	vld [tilespmem:$0x1FF20]  }
0x192: {  	v62 =	vor.u32 v16, v61;
	v63 =	vor.u32 v17, v61;
	v17 =	vld [tilespmem:$0x1FF30]  }
0x193: {  	v48 =	vld [tilespmem:$0x1FF60]  }
0x194: {  	v52 =	vor.u32 v0, v61;
	v0 =	vld.idx.msk [tilespmem:v50+s28+$0x0], $0xffff  }
0x195: {  	v50 =	vld [tilespmem:$0x1FF40]  }
0x196: {  	v4 =	vld.idx.msk [tilespmem:v4+s28+$0x0], $0xffff  }
0x197: {  	v62 =	vld.idx.msk [tilespmem:v62+s28+$0x0], $0xffff  }
0x198: {  	v1 =	vld.idx.msk [tilespmem:v1+s28+$0x0], $0xffff  }
0x199: {  	v2 =	vld.idx.msk [tilespmem:v2+s28+$0x0], $0xffff  }
0x19a: {  	v57 =	vmul.f32 v57, v25;
	v5 =	vld.idx.msk [tilespmem:v5+s28+$0x0], $0xffff  }
0x19b: {  	v58 =	vmul.f32 v58, v25;
	v54 =	vor.u32 v50, v61;
	v50 =	vor.u32 v48, v61;
	v48 =	vld [tilespmem:$0x1FF80]  }
0x19c: {  	v53 =	vmul.f32 v53, v25;
	v55 =	vmul.f32 v55, v25;
	v6 =	vld.idx.msk [tilespmem:v6+s28+$0x0], $0xffff  }
0x19d: {  	v18 =	vmov v16;
	v51 =	vmul.f32 v51, v25;
	v56 =	vmul.f32 v56, v25;
	v7 =	vld.idx.msk [tilespmem:v7+s28+$0x0], $0xffff  }
0x19e: {  	v49 =	vor.u32 v49, v61;
	v3 =	vmul.f32 v3, v25;
	v8 =	vmul.f32 v8, v25;
	v16 =	vld.idx.msk [tilespmem:v52+s2+$0x0], $0xffff  }
0x19f: {  	v45 =	vadd.f32 v57, v45;
	v44 =	vadd.f32 v58, v44;
	v14 =	vor.u32 v14, v61;
	v52 =	vld [tilespmem:$0x1FF50]  }
0x1a0: {  	v43 =	vadd.f32 v53, v43;
	v42 =	vadd.f32 v55, v42;
	v47 =	vor.u32 v48, v61;
	v48 =	vld [tilespmem:$0x1FF90]  }
0x1a1: {  	v60 =	vmul.f32 v60, v25;
	v33 =	vadd.f32 v51, v33;
	v32 =	vadd.f32 v56, v32;
	v9 =	vld.idx.msk [tilespmem:v9+s28+$0x0], $0xffff  }
0x1a2: {  	v29 =	vadd.f32 v3, v29;
	v13 =	vor.u32 v13, v61;
	v12 =	vmul.f32 v12, v25;
	v57 =	vld.idx.msk [tilespmem:v10+s28+$0x0], $0xffff  }
0x1a3: {  	v27 =	vadd.f32 v8, v27;
	v30 =	vadd.f32 v60, v30;
	v15 =	vor.u32 v15, v61;
	v58 =	vld.idx.msk [tilespmem:v11+s28+$0x0], $0xffff  }
0x1a4: {  	v17 =	vor.u32 v17, v61;
	v0 =	vmul.f32 v0, v25;
	v55 =	vld.idx.msk [tilespmem:v14+s28+$0x0], $0xffff;
	v52 =	vor.u32 v52, v61  }
0x1a5: {  	v4 =	vmul.f32 v4, v16;
	v5 =	vmul.f32 v5, v16;
	v48 =	vor.u32 v48, v61;
	v61 =	vld.idx.msk [tilespmem:v63+s28+$0x0], $0xffff  }
0x1a6: {  	v26 =	vadd.f32 v12, v26;
	v12 =	vmovc v21;
	v21 =	vld [tilespmem:$0x1FEC0];
	v63 =	vmul.f32 v59, v25;
	v25 =	vmul.f32 v62, v16  }
0x1a7: {  	p0 =	sne.s32 s16, $0x3F;
	v28 =	vadd.f32 v0, v28;
	v53 =	vld.idx.msk [tilespmem:v13+s28+$0x0], $0xffff;
	v13 =	vmov v22;
	v6 =	vmul.f32 v6, v16  }
.Ltmp4:
0x1a8: {  	v51 =	vld.idx.msk [tilespmem:v15+s28+$0x0], $0xffff;
	v24 =	vadd.f32 v4, v24;
	v4 =	vmul.f32 v2, v16;
	v36 =	vadd.f32 v5, v36;
	(pc) =	sbr.rel @p0 .LBB2_11-.Ltmp4, $4  }
0x1a9: {  	v15 =	vmovc v41;
	v41 =	vld [tilespmem:$0x1FEE0];
	v37 =	vadd.f32 v6, v37;
	v31 =	vadd.f32 v63, v31;
	v63 =	vmul.f32 v1, v16  }
0x1aa: {  	v22 =	vld [tilespmem:$0x1FED0];
	v35 =	vadd.f32 v4, v35;
	v40 =	vadd.f32 v25, v40;
	v25 =	vmovc v16;
	v62 =	vmul.f32 v61, v16  }
0x1ab: {  	v10 =	vmovc v20;
	v20 =	vmovc v19;
	v56 =	vld.idx.msk [tilespmem:v17+s28+$0x0], $0xffff;
	v38 =	vadd.f32 v63, v38;
	v63 =	vmov s16;
	v59 =	vmul.f32 v7, v25  }
0x1ac: {  	v14 =	vmovc v23;
	v17 =	vld [tilespmem:$0x1FEF0];
	s16 =	sadd.s32 $0x1, s16;
	v16 =	vmovc v18;
	v61 =	vand.u32 $0x3F, v63;
	v60 =	vmul.f32 v9, v25;
	v39 =	vadd.f32 v62, v39  }
0x1ad: {  	v0 =	vbroadcast v61, $0x0;
	_ =	sdelay $0x1  }
0x1ae: {  	v6 =	vor.u32 v16, v0;
	v16 =	vor.u32 v21, v0;
	v21 =	vld [tilespmem:$0x1FF00];
	_ =	sdelay $0x4  }
0x1af: {  	v63 =	vor.u32 v21, v0;
	v21 =	vld [tilespmem:$0x1FF10];
	_ =	sdelay $0x3  }
0x1b0: {  	v11 =	vld.idx.msk [tilespmem:v48+s28+$0x0], $0xffff  }
0x1b1: {  	v48 =	vor.u32 v21, v0;
	v21 =	vld [tilespmem:$0x1FF20];
	_ =	sdelay $0x3  }
0x1b2: {  	v7 =	vld.idx.msk [tilespmem:v49+s28+$0x0], $0xffff  }
0x1b3: {  	v49 =	vor.u32 v21, v0;
	v21 =	vld [tilespmem:$0x1FF30];
	_ =	sdelay $0x3  }
0x1b4: {  	v4 =	vld.idx.msk [tilespmem:v50+s28+$0x0], $0xffff  }
0x1b5: {  	v50 =	vor.u32 v21, v0;
	v21 =	vld [tilespmem:$0x1FF40];
	_ =	sdelay $0x3  }
0x1b6: {  	v2 =	vld.idx.msk [tilespmem:v52+s28+$0x0], $0xffff  }
0x1b7: {  	v52 =	vor.u32 v21, v0;
	v21 =	vld [tilespmem:$0x1FF50]  }
0x1b8: {  	v5 =	vor.u32 v20, v0  }
0x1b9: {  	v1 =	vld.idx.msk [tilespmem:v54+s28+$0x0], $0xffff  }
0x1ba: {  	v3 =	vld [tilespmem:$0x1FEB0];
	v62 =	vor.u32 v10, v0  }
0x1bb: {  	v9 =	vld.idx.msk [tilespmem:v47+s28+$0x0], $0xffff;
	v12 =	vor.u32 v12, v0  }
0x1bc: {  	v54 =	vor.u32 v21, v0;
	v21 =	vld [tilespmem:$0x1FF60]  }
0x1bd: {  	v13 =	vor.u32 v13, v0;
	v5 =	vld.idx.msk [tilespmem:v5+s28+$0x0], $0xffff  }
0x1be: {  	v14 =	vor.u32 v14, v0;
	v6 =	vld.idx.msk [tilespmem:v6+s28+$0x0], $0xffff  }
0x1bf: {  	v19 =	vmov v10;
	v15 =	vor.u32 v15, v0;
	v10 =	vld.idx.msk [tilespmem:v62+s28+$0x0], $0xffff  }
0x1c0: {  	v12 =	vld.idx.msk [tilespmem:v12+s28+$0x0], $0xffff  }
0x1c1: {  	v61 =	vor.u32 v21, v0;
	v21 =	vld [tilespmem:$0x1FF70]  }
0x1c2: {  	v41 =	vor.u32 v41, v0;
	v13 =	vld.idx.msk [tilespmem:v13+s28+$0x0], $0xffff  }
0x1c3: {  	v8 =	vor.u32 v17, v0;
	v14 =	vld.idx.msk [tilespmem:v14+s28+$0x0], $0xffff  }
0x1c4: {  	v17 =	vor.u32 v22, v0;
	v15 =	vld.idx.msk [tilespmem:v15+s28+$0x0], $0xffff  }
0x1c5: {  	v16 =	vld.idx.msk [tilespmem:v16+s28+$0x0], $0xffff  }
0x1c6: {  	v62 =	vor.u32 v21, v0;
	v21 =	vld [tilespmem:$0x1FF80]  }
0x1c7: {  	v3 =	vor.u32 v3, v0;
	v41 =	vld.idx.msk [tilespmem:v41+s28+$0x0], $0xffff  }
0x1c8: {  	v8 =	vld.idx.msk [tilespmem:v8+s28+$0x0], $0xffff  }
0x1c9: {  	v17 =	vld.idx.msk [tilespmem:v17+s28+$0x0], $0xffff  }
0x1ca: {  	v47 =	vld.idx.msk [tilespmem:v63+s28+$0x0], $0xffff  }
0x1cb: {  	v63 =	vor.u32 v21, v0;
	v21 =	vld [tilespmem:$0x1FF90]  }
0x1cc: {  	v3 =	vld.idx.msk [tilespmem:v3+s2+$0x0], $0xffff  }
0x1cd: {  	v48 =	vld.idx.msk [tilespmem:v48+s28+$0x0], $0xffff  }
0x1ce: {  	v57 =	vmul.f32 v57, v25;
	v58 =	vmul.f32 v58, v25;
	v49 =	vld.idx.msk [tilespmem:v49+s28+$0x0], $0xffff  }
0x1cf: {  	v34 =	vadd.f32 v59, v34;
	v53 =	vmul.f32 v53, v25;
	v55 =	vmul.f32 v55, v25;
	v50 =	vld.idx.msk [tilespmem:v50+s28+$0x0], $0xffff  }
0x1d0: {  	v46 =	vadd.f32 v60, v46;
	v45 =	vadd.f32 v57, v45;
	v52 =	vld.idx.msk [tilespmem:v52+s28+$0x0], $0xffff;
	v0 =	vor.u32 v21, v0  }
0x1d1: {  	v44 =	vadd.f32 v58, v44;
	v43 =	vadd.f32 v53, v43;
	v6 =	vmul.f32 v6, v3;
	v54 =	vld.idx.msk [tilespmem:v54+s28+$0x0], $0xffff  }
0x1d2: {  	v42 =	vadd.f32 v55, v42;
	v1 =	vmul.f32 v1, v25;
	v8 =	vmul.f32 v8, v3;
	v60 =	vld.idx.msk [tilespmem:v61+s28+$0x0], $0xffff  }
0x1d3: {  	s16 =	smul.u32 $0xA00, s9;
	v2 =	vmul.f32 v2, v25;
	v10 =	vmul.f32 v10, v3;
	v6 =	vadd.f32 v6, v40;
	v61 =	vld.idx.msk [tilespmem:v62+s28+$0x0], $0xffff  }
0x1d4: {  	v4 =	vmul.f32 v4, v25;
	v12 =	vmul.f32 v12, v3;
	v8 =	vadd.f32 v8, v39;
	v62 =	vld.idx.msk [tilespmem:v63+s28+$0x0], $0xffff  }
0x1d5: {  	s17 =	sshra.s32 s16, $0x2;
	v13 =	vmul.f32 v13, v3;
	v10 =	vadd.f32 v10, v38;
	v0 =	vld.idx.msk [tilespmem:v0+s28+$0x0], $0xffff;
	[tilespmem:s14+$0x15A00] =	vst v6  }
0x1d6: {  	v1 =	vadd.f32 v1, v31;
	v14 =	vmul.f32 v14, v3;
	v12 =	vadd.f32 v12, v35;
	[tilespmem:s17+$0x15C00] =	vst v8  }
0x1d7: {  	v13 =	vadd.f32 v13, v36;
	v36 =	vmul.f32 v15, v3;
	v15 =	vmul.f32 v47, v3;
	[tilespmem:s17+$0x15C10] =	vst v10  }
0x1d8: {  	v2 =	vadd.f32 v2, v30;
	v14 =	vadd.f32 v14, v37;
	v48 =	vmul.f32 v48, v3;
	[tilespmem:s17+$0x15C20] =	vst v12  }
0x1d9: {  	v4 =	vadd.f32 v4, v28;
	v15 =	vadd.f32 v15, v43;
	v53 =	vmul.f32 v52, v3;
	[tilespmem:s17+$0x15C30] =	vst v13  }
0x1da: {  	v47 =	vmul.f32 v11, v25;
	v11 =	vadd.f32 v48, v42;
	v55 =	vmul.f32 v54, v3;
	[tilespmem:s17+$0x15C40] =	vst v14  }
0x1db: {  	v35 =	vmul.f32 v56, v25;
	v1 =	vadd.f32 v53, v1;
	v56 =	vmul.f32 v60, v3;
	[tilespmem:s17+$0x15C90] =	vst v15  }
0x1dc: {  	v7 =	vmul.f32 v7, v25;
	v9 =	vmul.f32 v9, v25;
	v2 =	vadd.f32 v55, v2;
	[tilespmem:s17+$0x15CA0] =	vst v11  }
0x1dd: {  	v38 =	vmul.f32 v16, v3;
	v4 =	vadd.f32 v56, v4;
	v63 =	vmul.f32 v51, v25;
	[tilespmem:s17+$0x15CD0] =	vst v1  }
0x1de: {  	v39 =	vmul.f32 v17, v3;
	v60 =	vadd.f32 v9, v27;
	v10 =	vadd.f32 v36, v34;
	[tilespmem:s17+$0x15CE0] =	vst v2  }
0x1df: {  	v49 =	vmul.f32 v49, v3;
	v6 =	vadd.f32 v63, v33;
	v12 =	vadd.f32 v38, v46;
	[tilespmem:s17+$0x15CF0] =	vst v4  }
0x1e0: {  	v59 =	vmul.f32 v61, v3;
	v61 =	vmul.f32 v62, v3;
	v13 =	vadd.f32 v39, v45;
	[tilespmem:s17+$0x15C50] =	vst v10  }
0x1e1: {  	v57 =	vadd.f32 v7, v29;
	v46 =	vmul.f32 v41, v3;
	v6 =	vadd.f32 v49, v6;
	[tilespmem:s17+$0x15C60] =	vst v12  }
0x1e2: {  	v51 =	vmul.f32 v50, v3;
	v8 =	vadd.f32 v35, v32;
	v7 =	vadd.f32 v61, v60;
	[tilespmem:s17+$0x15C70] =	vst v13  }
0x1e3: {  	v14 =	vadd.f32 v46, v44;
	[tilespmem:s17+$0x15CB0] =	vst v6  }
0x1e4: {  	v63 =	vmul.f32 v5, v3;
	v8 =	vadd.f32 v51, v8;
	[tilespmem:s17+$0x15D10] =	vst v7  }
0x1e5: {  	p0 =	seq.s32 s9, $0xF;
	v62 =	vadd.f32 v47, v26;
	v6 =	vadd.f32 v59, v57;
	[tilespmem:s17+$0x15C80] =	vst v14;
	v0 =	vmul.f32 v0, v3  }
0x1e6: {  	s15 =	sadd.s32 @!p0 $0x2, s15;
	[tilespmem:s17+$0x15CC0] =	vst v8;
	v8 =	vadd.f32 v63, v24  }
0x1e7: {  	s16 =	sshll.u32 @!p0 s15, $0x4;
	[tilespmem:s17+$0x15D00] =	vst v6;
	v0 =	vadd.f32 v0, v62  }
0x1e8: {  	s15 =	smul.u32 @!p0 $0x500, s15;
	s16 =	sand.u32 @!p0 $0x3FFFFFF0, s16;
	[tilespmem:s17+$0x15D30] =	vst v8  }
0x1e9: {  	s16 =	sadd.s32 @!p0 $0x15200, s16;
	s14 =	simm.s32 @!p0 $0x10;
	[tilespmem:s17+$0x15D20] =	vst v0;
	s17 =	simm.s32 @!p0 $0x8000  }
0x1ea: {  	[tilespmem:s17], [sflag:$0x1] =	stream.indirect.gather @!p0 [hbm4b:s8+s14], $0x40, s16, s14, $0xb8;
	[tilespmem:$0x18410] =	vst v63  }
0x1eb: {  	s14 =	sshra.s32 @!p0 s15, $0x2;
	s15 =	simm.s32 $0x0  }
0x1ec: {  	s17 =	simm.s32 @!p0 $0x80;
	s16 =	sadd.s32 @!p0 $0x12800, s14;
	v9 =	vmov s15;
	s15 =	simm.s32 @!p0 $0x8400  }
0x1ed: {  	v10 =	vmov s11;
	[tilespmem:s15], [sflag:$0x1] =	stream.indirect.gather @!p0 [hbm4b:s8+s17], $0x40, s16, s17, $0xb8;
	[tilespmem:$0x18410] =	vst v63  }
0x1ee: {  	v1 =	vshll.u32 v10, $0x6;
	s15 =	sadd.s32 @!p0 $0x12880, s14;
	s16 =	simm.s32 @!p0 $0xA400  }
0x1ef: {  	v1 =	vor.u32 v18, v1;
	[tilespmem:s16], [sflag:$0x1] =	stream.indirect.gather @!p0 [hbm4b:s8+s17], $0x40, s15, s17, $0xb8;
	[tilespmem:$0x18410] =	vst v63  }
0x1f0: {  	[tilespmem:$0x1FEA0] =	vst v1;
	s14 =	sadd.s32 @!p0 $0x12900, s14;
	s15 =	simm.s32 @!p0 $0x40;
	s16 =	simm.s32 @!p0 $0xC400  }
0x1f1: {  	[tilespmem:s16], [sflag:$0x1] =	stream.indirect.gather @!p0 [hbm4b:s8+s15], $0x40, s14, s15, $0xb8;
	[tilespmem:$0x18410] =	vst v63  }
0x1f2: {  	v17 =	vld [tilespmem:$0x1FEF0];
	_ =	swait.ge [sflag:s3], $0x5400  }
0x1f3: {  	v34 =	vld [tilespmem:$0x1FFB0]  }
0x1f4: {  	v35 =	vld [tilespmem:$0x1FFC0]  }
0x1f5: {  	v24 =	vld [tilespmem:$0x1FF40]  }
0x1f6: {  	v36 =	vld [tilespmem:$0x1FFD0]  }
0x1f7: {  	v0 =	vand.u32 $0x3F, v9;
	v37 =	vld [tilespmem:$0x1FFA0]  }
0x1f8: {  	v0 =	vbroadcast v0, $0x0;
	v38 =	vld [tilespmem:$0x1FEC0]  }
0x1f9: {  	v39 =	vld [tilespmem:$0x1FED0]  }
0x1fa: {  	v54 =	vor.u32 v24, v0;
	v24 =	vld [tilespmem:$0x1FF50]  }
0x1fb: {  	v40 =	vld [tilespmem:$0x1FEE0]  }
0x1fc: {  	v1 =	vor.u32 v1, v0;
	v42 =	vld [tilespmem:$0x1FF00]  }
0x1fd: {  	v11 =	vor.u32 v20, v0;
	v43 =	vld [tilespmem:$0x1FF10]  }
0x1fe: {  	v12 =	vor.u32 v18, v0;
	v44 =	vld [tilespmem:$0x1FF20]  }
0x1ff: {  	[sflag:s3] =	ssyncset.done $0x0;
	v52 =	vor.u32 v24, v0;
	v24 =	vld [tilespmem:$0x1FF60]  }
0x200: {  	v13 =	vor.u32 v17, v0;
	v15 =	vld [tilespmem:$0x1FF30];
	[sflag:s3] =	ssyncadd.s32 $0xFFFFAC00  }
0x201: {  	v14 =	vor.u32 v19, v0;
	v26 =	vld.idx.msk [tilespmem:v1+s2+$0x0], $0xffff  }
0x202: {  	v2 =	vld.idx.msk [tilespmem:v11+s30+$0x0], $0xffff;
	v6 =	vor.u32 v34, v0  }
0x203: {  	v3 =	vld.idx.msk [tilespmem:v12+s30+$0x0], $0xffff;
	v1 =	vor.u32 v35, v0  }
0x204: {  	v50 =	vor.u32 v24, v0;
	v24 =	vld [tilespmem:$0x1FF70]  }
0x205: {  	v31 =	vimm.f32 $0.0e+00;
	v4 =	vld.idx.msk [tilespmem:v13+s30+$0x0], $0xffff;
	v7 =	vor.u32 v36, v0  }
0x206: {  	v30 =	vimm.f32 $0.0e+00;
	v29 =	vimm.f32 $0.0e+00;
	v5 =	vld.idx.msk [tilespmem:v14+s30+$0x0], $0xffff;
	v8 =	vor.u32 v37, v0  }
0x207: {  	v28 =	vimm.f32 $0.0e+00;
	v27 =	vimm.f32 $0.0e+00;
	v9 =	vor.u32 v38, v0;
	v6 =	vld.idx.msk [tilespmem:v6+s30+$0x0], $0xffff  }
0x208: {  	v25 =	vimm.f32 $0.0e+00;
	v33 =	vimm.f32 $0.0e+00;
	s17 =	simm.s32 $0x1;
	v10 =	vor.u32 v39, v0;
	v1 =	vld.idx.msk [tilespmem:v1+s30+$0x0], $0xffff  }
0x209: {  	v23 =	vmovc v20;
	v32 =	vimm.f32 $0.0e+00;
	v63 =	vmov s17;
	v49 =	vor.u32 v24, v0;
	v24 =	vld [tilespmem:$0x1FF80]  }
0x20a: {  	v20 =	vmovc v19;
	v61 =	vand.u32 $0x3F, v63;
	v19 =	vmovc v34;
	v34 =	vimm.f32 $0.0e+00;
	v11 =	vor.u32 v40, v0;
	v7 =	vld.idx.msk [tilespmem:v7+s30+$0x0], $0xffff  }
0x20b: {  	v12 =	vor.u32 v42, v0;
	v13 =	vor.u32 v43, v0;
	v14 =	vor.u32 v44, v0;
	v8 =	vld.idx.msk [tilespmem:v8+s30+$0x0], $0xffff  }
0x20c: {  	v15 =	vor.u32 v15, v0;
	v44 =	vimm.f32 $0.0e+00;
	v43 =	vimm.f32 $0.0e+00;
	v46 =	vld.idx.msk [tilespmem:v9+s30+$0x0], $0xffff  }
0x20d: {  	v42 =	vimm.f32 $0.0e+00;
	v3 =	vmul.f32 v3, v26;
	v45 =	vmul.f32 v4, v26;
	v57 =	vld.idx.msk [tilespmem:v10+s30+$0x0], $0xffff  }
0x20e: {  	v2 =	vmul.f32 v2, v26;
	v5 =	vmul.f32 v5, v26;
	v47 =	vor.u32 v24, v0;
	v24 =	vld [tilespmem:$0x1FF90]  }
0x20f: {  	v40 =	vadd.f32 v3, v34;
	v39 =	vadd.f32 v45, v34;
	v58 =	vld.idx.msk [tilespmem:v11+s30+$0x0], $0xffff;
	v53 =	vmul.f32 v1, v26  }
0x210: {  	v22 =	vmovc v36;
	v21 =	vmovc v38;
	v38 =	vadd.f32 v5, v34;
	v45 =	vimm.f32 $0.0e+00;
	v56 =	vld.idx.msk [tilespmem:v13+s30+$0x0], $0xffff;
	v51 =	vmul.f32 v6, v26  }
0x211: {  	v55 =	vmul.f32 v7, v26;
	v59 =	vmul.f32 v8, v26;
	v36 =	vadd.f32 v53, v34;
	v53 =	vld.idx.msk [tilespmem:v12+s30+$0x0], $0xffff  }
0x212: {  	v16 =	vmovc v18;
	v41 =	vmovc v35;
	v60 =	vmul.f32 v46, v26;
	v46 =	vimm.f32 $0.0e+00;
	v35 =	vadd.f32 v51, v34;
	v51 =	vld.idx.msk [tilespmem:v14+s30+$0x0], $0xffff  }
0x213: {  	s14 =	simm.s32 $0x2;
	v37 =	vadd.f32 v55, v34;
	v55 =	vld.idx.msk [tilespmem:v15+s30+$0x0], $0xffff;
	v48 =	vor.u32 v24, v0;
	v24 =	vadd.f32 v2, v34  }
.LBB2_13:
0x214: {  	v2 =	vld.idx.msk [tilespmem:v54+s30+$0x0], $0xffff  }
0x215: {  	v4 =	vld.idx.msk [tilespmem:v52+s30+$0x0], $0xffff  }
0x216: {  	v5 =	vld [tilespmem:$0x1FEA0]  }
0x217: {  	v8 =	vld.idx.msk [tilespmem:v50+s30+$0x0], $0xffff  }
0x218: {  	v12 =	vld.idx.msk [tilespmem:v49+s30+$0x0], $0xffff  }
0x219: {  	v15 =	vld [tilespmem:$0x1FFA0]  }
0x21a: {  	v0 =	vbroadcast v61, $0x0;
	v61 =	vld [tilespmem:$0x1FEE0]  }
0x21b: {  	v62 =	vld [tilespmem:$0x1FF00]  }
0x21c: {  	v46 =	vadd.f32 v60, v46;
	v60 =	vld [tilespmem:$0x1FED0]  }
0x21d: {  	v34 =	vadd.f32 v59, v34;
	v59 =	vld.idx.msk [tilespmem:v48+s30+$0x0], $0xffff  }
0x21e: {  	v48 =	vld [tilespmem:$0x1FF20]  }
0x21f: {  	v63 =	vld [tilespmem:$0x1FF10]  }
0x220: {  	v49 =	vld [tilespmem:$0x1FF30]  }
0x221: {  	v50 =	vld [tilespmem:$0x1FF40];
	v11 =	vor.u32 v23, v0  }
0x222: {  	v52 =	vld [tilespmem:$0x1FF50];
	v6 =	vor.u32 v16, v0;
	v9 =	vor.u32 v20, v0;
	v1 =	vmul.f32 v57, v26  }
0x223: {  	v57 =	vor.u32 v60, v0;
	v60 =	vor.u32 v62, v0;
	v62 =	vor.u32 v48, v0;
	v48 =	vld [tilespmem:$0x1FF60]  }
0x224: {  	v16 =	vld.idx.msk [tilespmem:v47+s30+$0x0], $0xffff;
	v3 =	vmul.f32 v58, v26;
	v7 =	vor.u32 v17, v0;
	v5 =	vor.u32 v5, v0  }
0x225: {  	v58 =	vor.u32 v61, v0;
	v61 =	vor.u32 v63, v0;
	v63 =	vor.u32 v49, v0;
	v49 =	vld [tilespmem:$0x1FF70]  }
0x226: {  	v10 =	vor.u32 v19, v0;
	v11 =	vld.idx.msk [tilespmem:v11+s30+$0x0], $0xffff  }
0x227: {  	v14 =	vor.u32 v22, v0;
	v9 =	vld.idx.msk [tilespmem:v9+s30+$0x0], $0xffff  }
0x228: {  	v54 =	vor.u32 v50, v0;
	v50 =	vor.u32 v48, v0;
	v48 =	vld [tilespmem:$0x1FF80]  }
0x229: {  	v13 =	vor.u32 v41, v0;
	v7 =	vld.idx.msk [tilespmem:v7+s30+$0x0], $0xffff  }
0x22a: {  	v2 =	vmul.f32 v2, v26;
	v45 =	vadd.f32 v1, v45;
	v1 =	vmul.f32 v51, v26;
	v5 =	vld.idx.msk [tilespmem:v5+s2+$0x0], $0xffff  }
0x22b: {  	v51 =	vmul.f32 v55, v26;
	v55 =	vmul.f32 v4, v26;
	v4 =	vld.idx.msk [tilespmem:v10+s30+$0x0], $0xffff  }
0x22c: {  	v17 =	vor.u32 v21, v0;
	v15 =	vor.u32 v15, v0;
	v52 =	vor.u32 v52, v0;
	v14 =	vld.idx.msk [tilespmem:v14+s30+$0x0], $0xffff  }
0x22d: {  	v44 =	vadd.f32 v3, v44;
	v31 =	vadd.f32 v2, v31;
	v47 =	vor.u32 v48, v0;
	v48 =	vld [tilespmem:$0x1FF90]  }
0x22e: {  	v10 =	vld.idx.msk [tilespmem:v13+s30+$0x0], $0xffff;
	v13 =	vmul.f32 v59, v26;
	v33 =	vadd.f32 v1, v33;
	v32 =	vadd.f32 v51, v32  }
0x22f: {  	v6 =	vld.idx.msk [tilespmem:v6+s30+$0x0], $0xffff;
	v30 =	vadd.f32 v55, v30;
	v11 =	vmul.f32 v11, v5;
	v55 =	vmul.f32 v7, v5  }
0x230: {  	v25 =	vadd.f32 v13, v25;
	v49 =	vor.u32 v49, v0;
	v9 =	vmul.f32 v9, v5  }
0x231: {  	v58 =	vld.idx.msk [tilespmem:v58+s30+$0x0], $0xffff;
	v14 =	vmul.f32 v14, v5;
	v24 =	vadd.f32 v11, v24;
	v39 =	vadd.f32 v55, v39  }
0x232: {  	v57 =	vld.idx.msk [tilespmem:v57+s30+$0x0], $0xffff;
	v48 =	vor.u32 v48, v0;
	v0 =	vmul.f32 v53, v26;
	v53 =	vmul.f32 v56, v26  }
0x233: {  	v7 =	vld.idx.msk [tilespmem:v17+s30+$0x0], $0xffff;
	v11 =	vmul.f32 v4, v5;
	v38 =	vadd.f32 v9, v38;
	v37 =	vadd.f32 v14, v37  }
0x234: {  	p0 =	sne.s32 s14, $0x3F;
	v56 =	vmul.f32 v8, v26;
	v42 =	vadd.f32 v53, v42;
	v53 =	vmul.f32 v6, v5;
	v6 =	vld.idx.msk [tilespmem:v15+s30+$0x0], $0xffff  }
.Ltmp5:
0x235: {  	v51 =	vld.idx.msk [tilespmem:v62+s30+$0x0], $0xffff;
	v35 =	vadd.f32 v11, v35;
	v8 =	vmul.f32 v12, v26;
	v12 =	vmul.f32 v16, v26;
	(pc) =	sbr.rel @p0 .LBB2_13-.Ltmp5, $4  }
0x236: {  	v55 =	vld.idx.msk [tilespmem:v63+s30+$0x0], $0xffff;
	v43 =	vadd.f32 v0, v43;
	v29 =	vadd.f32 v56, v29  }
0x237: {  	v27 =	vadd.f32 v12, v27;
	v12 =	vmul.f32 v10, v5;
	v56 =	vld.idx.msk [tilespmem:v61+s30+$0x0], $0xffff;
	v61 =	vmov s14  }
0x238: {  	v17 =	vld [tilespmem:$0x1FEF0];
	v16 =	vmovc v18;
	v26 =	vmovc v5;
	v28 =	vadd.f32 v8, v28;
	v61 =	vand.u32 $0x3F, v61;
	v40 =	vadd.f32 v53, v40  }
0x239: {  	s14 =	sadd.s32 $0x1, s14;
	v53 =	vld.idx.msk [tilespmem:v60+s30+$0x0], $0xffff;
	v36 =	vadd.f32 v12, v36;
	v60 =	vmul.f32 v7, v26;
	v59 =	vmul.f32 v6, v26  }
0x23a: {  	v0 =	vbroadcast v61, $0x0;
	_ =	sdelay $0x1  }
0x23b: {  	v5 =	vor.u32 v23, v0;
	_ =	sdelay $0x4  }
0x23c: {  	v5 =	vld.idx.msk [tilespmem:v5+s30+$0x0], $0xffff;
	_ =	sdelay $0x4  }
0x23d: {  	[tilespmem:$0x1FE90] =	vst v5;
	v5 =	vld [tilespmem:$0x1FF10];
	_ =	sdelay $0x3  }
0x23e: {  	v11 =	vld.idx.msk [tilespmem:v48+s30+$0x0], $0xffff  }
0x23f: {  	v48 =	vor.u32 v5, v0;
	v5 =	vld [tilespmem:$0x1FF20];
	_ =	sdelay $0x3  }
0x240: {  	v7 =	vld.idx.msk [tilespmem:v49+s30+$0x0], $0xffff  }
0x241: {  	v49 =	vor.u32 v5, v0;
	v5 =	vld [tilespmem:$0x1FF30];
	_ =	sdelay $0x3  }
0x242: {  	v4 =	vld.idx.msk [tilespmem:v50+s30+$0x0], $0xffff  }
0x243: {  	v50 =	vor.u32 v5, v0;
	v5 =	vld [tilespmem:$0x1FF40];
	_ =	sdelay $0x1  }
0x244: {  	v1 =	vld.idx.msk [tilespmem:v54+s30+$0x0], $0xffff  }
0x245: {  	v2 =	vld.idx.msk [tilespmem:v52+s30+$0x0], $0xffff  }
0x246: {  	v3 =	vld [tilespmem:$0x1FEA0]  }
0x247: {  	v52 =	vor.u32 v5, v0;
	v5 =	vld [tilespmem:$0x1FF50]  }
0x248: {  	v9 =	vld.idx.msk [tilespmem:v47+s30+$0x0], $0xffff  }
0x249: {  	v6 =	vor.u32 v16, v0;
	v14 =	vor.u32 v22, v0;
	v22 =	vld [tilespmem:$0x1FFA0]  }
0x24a: {  	v10 =	vor.u32 v20, v0;
	v23 =	vld [tilespmem:$0x1FED0]  }
0x24b: {  	v12 =	vor.u32 v19, v0;
	v20 =	vld [tilespmem:$0x1FEE0]  }
0x24c: {  	v54 =	vor.u32 v5, v0;
	v5 =	vld [tilespmem:$0x1FF60]  }
0x24d: {  	v13 =	vor.u32 v41, v0;
	v19 =	vld [tilespmem:$0x1FF00]  }
0x24e: {  	v6 =	vld.idx.msk [tilespmem:v6+s30+$0x0], $0xffff  }
0x24f: {  	v16 =	vor.u32 v21, v0;
	v10 =	vld.idx.msk [tilespmem:v10+s30+$0x0], $0xffff  }
0x250: {  	v12 =	vld.idx.msk [tilespmem:v12+s30+$0x0], $0xffff;
	v62 =	vor.u32 v20, v0  }
0x251: {  	v61 =	vor.u32 v5, v0;
	v5 =	vld [tilespmem:$0x1FF70]  }
0x252: {  	v8 =	vor.u32 v17, v0;
	v13 =	vld.idx.msk [tilespmem:v13+s30+$0x0], $0xffff  }
0x253: {  	v3 =	vor.u32 v3, v0;
	v14 =	vld.idx.msk [tilespmem:v14+s30+$0x0], $0xffff  }
0x254: {  	v15 =	vor.u32 v22, v0;
	v16 =	vld.idx.msk [tilespmem:v16+s30+$0x0], $0xffff  }
0x255: {  	v63 =	vor.u32 v19, v0;
	v41 =	vld.idx.msk [tilespmem:v62+s30+$0x0], $0xffff  }
0x256: {  	v62 =	vor.u32 v5, v0;
	v5 =	vld [tilespmem:$0x1FF80]  }
0x257: {  	v17 =	vor.u32 v23, v0;
	v8 =	vld.idx.msk [tilespmem:v8+s30+$0x0], $0xffff  }
0x258: {  	v3 =	vld.idx.msk [tilespmem:v3+s2+$0x0], $0xffff  }
0x259: {  	v15 =	vld.idx.msk [tilespmem:v15+s30+$0x0], $0xffff  }
0x25a: {  	v47 =	vld.idx.msk [tilespmem:v63+s30+$0x0], $0xffff  }
0x25b: {  	v63 =	vor.u32 v5, v0;
	v5 =	vld [tilespmem:$0x1FF90]  }
0x25c: {  	v17 =	vld.idx.msk [tilespmem:v17+s30+$0x0], $0xffff  }
0x25d: {  	v48 =	vld.idx.msk [tilespmem:v48+s30+$0x0], $0xffff  }
0x25e: {  	v49 =	vld.idx.msk [tilespmem:v49+s30+$0x0], $0xffff  }
0x25f: {  	v50 =	vld.idx.msk [tilespmem:v50+s30+$0x0], $0xffff  }
0x260: {  	v57 =	vmul.f32 v57, v26;
	v52 =	vld.idx.msk [tilespmem:v52+s30+$0x0], $0xffff;
	v0 =	vor.u32 v5, v0  }
0x261: {  	v58 =	vmul.f32 v58, v26;
	v34 =	vadd.f32 v59, v34;
	v6 =	vmul.f32 v6, v3;
	v54 =	vld.idx.msk [tilespmem:v54+s30+$0x0], $0xffff  }
0x262: {  	v46 =	vadd.f32 v60, v46;
	v45 =	vadd.f32 v57, v45;
	v8 =	vmul.f32 v8, v3;
	v61 =	vld.idx.msk [tilespmem:v61+s30+$0x0], $0xffff  }
0x263: {  	v44 =	vadd.f32 v58, v44;
	v12 =	vmul.f32 v12, v3;
	v6 =	vadd.f32 v6, v40;
	v62 =	vld.idx.msk [tilespmem:v62+s30+$0x0], $0xffff  }
0x264: {  	v56 =	vmul.f32 v56, v26;
	v10 =	vmul.f32 v10, v3;
	v8 =	vadd.f32 v8, v39;
	v63 =	vld.idx.msk [tilespmem:v63+s30+$0x0], $0xffff  }
0x265: {  	v13 =	vmul.f32 v13, v3;
	v12 =	vadd.f32 v12, v35;
	v0 =	vld.idx.msk [tilespmem:v0+s30+$0x0], $0xffff;
	[tilespmem:s11+$0x15A00] =	vst v6  }
0x266: {  	v53 =	vmul.f32 v53, v26;
	v14 =	vmul.f32 v14, v3;
	v10 =	vadd.f32 v10, v38;
	[tilespmem:s10+$0x15C00] =	vst v8  }
0x267: {  	v42 =	vadd.f32 v56, v42;
	v13 =	vadd.f32 v13, v36;
	[tilespmem:s10+$0x15C20] =	vst v12;
	v12 =	vmul.f32 v16, v3  }
0x268: {  	v1 =	vmul.f32 v1, v26;
	v14 =	vadd.f32 v14, v37;
	[tilespmem:s10+$0x15C10] =	vst v10;
	v10 =	vmul.f32 v15, v3  }
0x269: {  	v2 =	vmul.f32 v2, v26;
	[tilespmem:s10+$0x15C30] =	vst v13;
	v13 =	vmul.f32 v17, v3;
	v12 =	vadd.f32 v12, v46  }
0x26a: {  	v43 =	vadd.f32 v53, v43;
	[tilespmem:s10+$0x15C40] =	vst v14;
	v14 =	vmul.f32 v41, v3;
	v10 =	vadd.f32 v10, v34  }
0x26b: {  	v2 =	vadd.f32 v2, v30;
	v13 =	vadd.f32 v13, v45;
	[tilespmem:s10+$0x15C60] =	vst v12;
	v12 =	vmul.f32 v48, v3  }
0x26c: {  	v6 =	vmul.f32 v51, v26;
	v14 =	vadd.f32 v14, v44;
	[tilespmem:s10+$0x15C50] =	vst v10;
	v10 =	vmul.f32 v47, v3  }
0x26d: {  	v8 =	vmul.f32 v55, v26;
	v41 =	vmov v20;
	[tilespmem:s10+$0x15C70] =	vst v13;
	v12 =	vadd.f32 v12, v42  }
0x26e: {  	v17 =	vld [tilespmem:$0x1FEF0];
	v6 =	vadd.f32 v6, v33;
	v13 =	vmul.f32 v49, v3;
	[tilespmem:s13+$0x15C00] =	vst v14;
	v10 =	vadd.f32 v10, v43  }
0x26f: {  	v20 =	vld [tilespmem:$0x1FFE0];
	v8 =	vadd.f32 v8, v32;
	v14 =	vmul.f32 v50, v3;
	[tilespmem:s10+$0x15CA0] =	vst v12;
	v12 =	vmul.f32 v54, v3  }
0x270: {  	v1 =	vadd.f32 v1, v31;
	v6 =	vadd.f32 v13, v6;
	v13 =	vld [tilespmem:$0x1FFC0];
	[tilespmem:s10+$0x15C90] =	vst v10;
	v10 =	vmul.f32 v52, v3  }
0x271: {  	v4 =	vmul.f32 v4, v26;
	v8 =	vadd.f32 v14, v8;
	v14 =	vld [tilespmem:$0x1FFD0];
	v2 =	vadd.f32 v12, v2  }
0x272: {  	v7 =	vmul.f32 v7, v26;
	[tilespmem:s10+$0x15CB0] =	vst v6;
	v1 =	vadd.f32 v10, v1;
	v10 =	vld [tilespmem:$0x1FFF0]  }
0x273: {  	v11 =	vmul.f32 v11, v26;
	v4 =	vadd.f32 v4, v29;
	v6 =	vmul.f32 v61, v3;
	[tilespmem:s10+$0x15CE0] =	vst v2;
	v2 =	vld [tilespmem:$0x1FE90]  }
0x274: {  	v7 =	vadd.f32 v7, v28;
	[tilespmem:s10+$0x15CC0] =	vst v8;
	v8 =	vmul.f32 v62, v3;
	v12 =	vld [tilespmem:$0x1FFB0]  }
0x275: {  	v9 =	vmul.f32 v9, v26;
	v4 =	vadd.f32 v6, v4;
	v6 =	vadd.f32 v11, v25;
	v11 =	vld [tilespmem:$0x1FF80]  }
0x276: {  	s9 =	sadd.s32 $0x1, s9;
	v0 =	vmul.f32 v0, v3;
	v7 =	vadd.f32 v8, v7;
	v8 =	vld [tilespmem:$0x1FF60];
	[tilespmem:s10+$0x15CD0] =	vst v1  }
0x277: {  	p0 =	sne.s32 s9, $0x10;
	v9 =	vadd.f32 v9, v27;
	v1 =	vmul.f32 v63, v3;
	[tilespmem:s10+$0x15CF0] =	vst v4;
	v4 =	vld [tilespmem:$0x1FF30]  }
.Ltmp6:
0x278: {  	v0 =	vadd.f32 v0, v6;
	v6 =	vld [tilespmem:$0x1FF40];
	v2 =	vmul.f32 v2, v3;
	(pc) =	sbr.rel @p0 .LBB2_10-.Ltmp6, $4  }
0x279: {  	[tilespmem:s12+$0x15C00] =	vst v7;
	v7 =	vld [tilespmem:$0x1FF50];
	v1 =	vadd.f32 v1, v9  }
0x27a: {  	[tilespmem:s10+$0x15D20] =	vst v0;
	v9 =	vld [tilespmem:$0x1FF70];
	v2 =	vadd.f32 v2, v24  }
0x27b: {  	[tilespmem:s10+$0x15D10] =	vst v1;
	v3 =	vld [tilespmem:$0x1FF20]  }
0x27c: {  	v16 =	vmov v18;
	v15 =	vmov v22;
	v22 =	vmov v23;
	[tilespmem:s10+$0x15D30] =	vst v2;
	v2 =	vld [tilespmem:$0x1FF10]  }
0x27d: {  	s9 =	rddreg [dreg:$0xb];
	s10 =	simm.s32 $0x15A00  }
0x27e: {  	[hbm4b:s9+s2] =	stream.linear.scatter [tilespmem:s10], [sflag:$0x3], $0x200, $0x38;
	[tilespmem:$0x18410] =	vst v63  }
0x27f: {  	_ =	swait.ge [sflag:s19], $0x200  }
0x280: {  	[sflag:s19] =	ssyncset.done $0x0  }
0x281: {  	s16 =	simm.s32 $0x15C00;
	s15 =	rddreg [dreg:$0xc];
	[sflag:s19] =	ssyncadd.s32 $0xFFFFFE00  }
0x282: {  	[hbm4b:s15+s2] =	stream.linear.scatter [tilespmem:s16], [sflag:$0x3], $0x2800, $0x38;
	[tilespmem:$0x18410] =	vst v63  }
0x283: {  	_ =	swait.ge [sflag:s19], $0x2800  }
0x284: {  	s23 =	sadd.s32 $0x1, s23;
	s17 =	rddreg [dreg:$0xd]  }
0x285: {  	p0 =	sne.s32 s23, s17  }
.Ltmp7:
0x286: {  	_ = 	snop;
	(pc) =	sbr.rel @p0 .LBB2_1-.Ltmp7, $3  }
0x287: {  	_ =	sdelay $0x1  }
0x288: {  	[sflag:s19] =	ssyncset.done $0x0  }
0x289: {  	s12 =	simm.s32 $0x15200;
	s15 =	simm.s32 $0x12800;
	[sflag:s19] =	ssyncadd.s32 $0xFFFFD800  }
0x28a: {  	_ =	sfence.sel $0x180000  }
0x28b: {  	[bflag:$0x0] =	sbarrier.arrive $0xFFFF  }
0x28c: {  	_ =	strace $0x90000047  }
0x28d: {  	s0 =	stileid.u32;
	[bflag:$0x2] =	sbarrier.arrive $0xFFFF  }
0x28e: {  	p0 =	sne.s32 s0, $0x0;
	s0 =	rddreg [dreg:$0x4]  }
0x28f: {  	s0 =	sadd.s32 @!p0 $0x100000, s0  }
0x290: {  	[sflag:s0] =	ssyncadd.tile.s32 @!p0 $0x1;
	_ =	shalt  }
.Lfunc_end2:
_tile_overlayer_lowered:
.L_overlay_start_2:
0x291: {  	(tag) =	ssettag $0x2  }
0x292: {  	s0 =	rddreg [dreg:$0x0];
	s2 =	stileid.u32  }
0x293: {  	s1 =	rddreg [dreg:$0x1];
	p0 =	sne.s32 s2, $0x0  }
0x294: {  	s3 =	rddreg [dreg:$0x2];
	[bflag:$0x3] =	sbarrier.arrive $0xFFFF;
	s2 =	simm.s32 @!p0 $0x1C03  }
0x295: {  	[timem:s3], [sflag:s2] =	dma.local @!p0 [hbm:s0], s1  }
0x296: {  	s0 =	simm.s32 @!p0 $0x3  }
0x297: {  	_ =	swait.ge @!p0 [sflag:s0], s1  }
0x298: {  	s1 =	ssub.s32 @!p0 $0x0, s1;
	[sflag:s0] =	ssyncset.done @!p0 $0x0  }
0x299: {  	[sflag:s0] =	ssyncadd.s32 @!p0 s1  }
0x29a: {  	[bflag:$0x3] =	sbarrier.arrive $0xFFFF  }
0x29b: {  	_ =	shalt  }

</sc_bundles>
